<compile_context>
chip_gen: v7x
topology: tpu7x:2x2x1
jax: 0.10.2.dev20260603
libtpu: 0.0.44.dev20260713+nightly
codegen_flags: <defaults>
</compile_context>

<pallas_src>
import functools

import jax
import jax.numpy as jnp
from jax import lax
from jax.experimental import pallas as pl
from jax.experimental.pallas import tpu as pltpu
from jax.experimental.pallas import tpu_sc as plsc

N_NODES = 100000
N_EDGES = 6400000
DIST_MIN = 1.2
DIST_MAX = 1.9
EPS = 0.1

NC = 2
NS = 16
L = 16
NW = NC * NS
PER_W = N_EDGES // NW
CHUNK = 4000
NCHUNKS = PER_W // CHUNK
GROUPS = CHUNK // L

_mesh = plsc.VectorSubcoreMesh(core_axis_name="c", subcore_axis_name="s")

_IDX = lambda: pltpu.VMEM((CHUNK,), jnp.int32)
_DAT = lambda: pltpu.VMEM((CHUNK,), jnp.float32)


@functools.partial(
    pl.kernel,
    mesh=_mesh,
    out_type=jax.ShapeDtypeStruct((NW, L), jnp.float32),
    scratch_types=[
        _IDX(), _IDX(),
        _IDX(), _IDX(),
        _IDX(), _IDX(),
        _DAT(), _DAT(), _DAT(),
        _DAT(), _DAT(), _DAT(),
        _DAT(), _DAT(), _DAT(),
        _DAT(), _DAT(), _DAT(),
        pltpu.VMEM((L,), jnp.float32),
        pltpu.VMEM_SHARED((N_NODES,), jnp.float32),
        pltpu.VMEM_SHARED((N_NODES,), jnp.float32),
        pltpu.VMEM_SHARED((N_NODES,), jnp.float32),
        pltpu.SemaphoreType.DMA,
        pltpu.SemaphoreType.DMA,
        pltpu.SemaphoreType.DMA,
    ],
)
def _drift_kernel(x0_hbm, x1_hbm, x2_hbm, ei_hbm, et_hbm, out_hbm,
                  si0, si1, di0, di1, et0, et1,
                  sx0, sy0, sz0, tx0, ty0, tz0,
                  sx1, sy1, sz1, tx1, ty1, tz1,
                  acc_v, x0_sh, x1_sh, x2_sh, sem_lin, sem_gat, sem_hgat):
    cid = lax.axis_index("c")
    sid = lax.axis_index("s")
    wid = sid * NC + cid
    base_w = wid * PER_W

    idx_set = ((si0, di0), (si1, di1))
    dat_set = ((et0, sx0, sy0, sz0, tx0, ty0, tz0),
               (et1, sx1, sy1, sz1, tx1, ty1, tz1))

    @pl.when(sid == 0)
    def _stage():
        pltpu.sync_copy(x0_hbm, x0_sh)
        pltpu.sync_copy(x1_hbm, x1_sh)
        pltpu.sync_copy(x2_hbm, x2_sh)

    plsc.subcore_barrier()

    def issue_lin(ci, p):
        base = base_w + ci * CHUNK
        si, di = idx_set[p]
        cps = [
            pltpu.make_async_copy(ei_hbm.at[pl.ds(base, CHUNK)], si, sem_lin),
            pltpu.make_async_copy(ei_hbm.at[pl.ds(N_EDGES + base, CHUNK)],
                                  di, sem_lin),
        ]
        for cp in cps:
            cp.start()
        return cps

    def issue_gat(ci, p):
        base = base_w + ci * CHUNK
        si, di = idx_set[p]
        et, sx, sy, sz, tx, ty, tz = dat_set[p]
        cps = [
            pltpu.make_async_copy(et_hbm.at[pl.ds(base, CHUNK)], et, sem_lin),
            pltpu.make_async_copy(x0_sh.at[si], sx, sem_gat),
            pltpu.make_async_copy(x1_sh.at[si], sy, sem_gat),
            pltpu.make_async_copy(x2_hbm.at[si], sz, sem_hgat),
            pltpu.make_async_copy(x0_sh.at[di], tx, sem_gat),
            pltpu.make_async_copy(x1_sh.at[di], ty, sem_gat),
            pltpu.make_async_copy(x2_sh.at[di], tz, sem_gat),
        ]
        for cp in cps:
            cp.start()
        return cps

    def wait_all(cps):
        for cp in cps:
            cp.wait()

    def compute(p, acc):
        et, sx, sy, sz, tx, ty, tz = dat_set[p]

        def group_body(gi, acc_in):
            o = pl.ds(gi * L, L)
            dx = sx[o] - tx[o]
            dy = sy[o] - ty[o]
            dz = sz[o] - tz[o]
            etv = et[o]
            d2 = jnp.maximum(dx * dx + dy * dy + dz * dz, 1e-30)

            bits = lax.bitcast_convert_type(d2, jnp.int32)
            seed = jnp.int32(0x5F3759DF) - lax.shift_right_arithmetic(bits, 1)
            y = lax.bitcast_convert_type(seed, jnp.float32)
            h = 0.5 * d2
            y = y * (1.5 - h * y * y)
            y = y * (1.5 - h * y * y)
            d = d2 * y

            drift = jnp.maximum(d - DIST_MAX,
                                jnp.maximum(DIST_MIN - d, 0.0))
            drift = jnp.where(etv == 0, 0.0, drift)
            return acc_in + drift

        return lax.fori_loop(0, GROUPS, group_body, acc, unroll=4)

    wait_all(issue_lin(0, 0))
    cps_l1 = issue_lin(1, 1)
    cps_g0 = issue_gat(0, 0)
    wait_all(cps_l1)
    wait_all(cps_g0)

    def pair_body(i, acc):
        ci = 2 * i
        cps_l = issue_lin(ci + 2, 0)
        cps_g = issue_gat(ci + 1, 1)
        acc = compute(0, acc)
        wait_all(cps_g)
        wait_all(cps_l)
        cps_l = issue_lin(ci + 3, 1)
        cps_g = issue_gat(ci + 2, 0)
        acc = compute(1, acc)
        wait_all(cps_g)
        wait_all(cps_l)
        return acc

    acc = lax.fori_loop(0, NCHUNKS // 2 - 1, pair_body,
                        jnp.zeros((L,), jnp.float32))
    cps_g = issue_gat(NCHUNKS - 1, 1)
    acc = compute(0, acc)
    wait_all(cps_g)
    acc = compute(1, acc)

    acc_v[...] = acc * EPS
    pltpu.sync_copy(acc_v, out_hbm.at[wid])


def kernel(x, e_type, e_index):
    x0 = x[:, 0]
    x1 = x[:, 1]
    x2 = x[:, 2]
    parts = _drift_kernel(x0, x1, x2,
                          e_index.astype(jnp.int32).reshape(-1),
                          e_type.astype(jnp.int32))
    return parts.sum()

# --- scband reference (transcript-rebuilt; emitter-appended) ---
"""Pipeline reference for scband-bond-distance-guidance-11562051961089 (READ-ONLY COPY).

The authoritative reference and input builder live on the scoring server;
editing this copy changes nothing except your own understanding.
"""

import jax, jax.numpy as jnp
import numpy as np

DIST_MIN = 1.2
DIST_MAX = 1.9
EPS1 = 0.1
EPS2 = 0.1
N_NODES = 100000
N_EDGES = 6400000


def setup_inputs(seed: int = 0) -> dict:
    key = jax.random.key(seed)
    k1, k2, k3 = jax.random.split(key, 3)
    x = jax.random.normal(k1, (N_NODES, 3), dtype=jnp.float32)
    e_type = jax.random.randint(k2, (N_EDGES,), 0, 4, dtype=jnp.int64)
    e_index = jax.random.randint(k3, (2, N_EDGES), 0, N_NODES, dtype=jnp.int64)
    return {"x": x, "e_type": e_type, "e_index": e_index}


def reference(x, e_type, e_index):
    e_mask = e_type == 0
    src = jnp.take(x, e_index[0], axis=0)
    dst = jnp.take(x, e_index[1], axis=0)
    d = jnp.linalg.norm(src - dst, axis=1)
    left = jnp.clip(d - DIST_MAX, 0.0, None)
    right = jnp.clip(DIST_MIN - d, 0.0, None)
    drift = EPS1 * left + EPS2 * right
    drift = jnp.where(e_mask, 0.0, drift)
    return drift.sum()

if __name__ == "__main__":
    import jax
    _d = setup_inputs()
    print(jax.jit(kernel)(*tuple(_d.values())))

</pallas_src>

<mosaic_0001>
#map = affine_map<(d0, d1) -> (0)>
#map1 = affine_map<(d0, d1) -> (0, 0)>
module attributes {stable_mosaic.version = 14 : i64} {
  func.func @_drift_kernel(%arg0: i32, %arg1: i32, %arg2: memref<100000xf32, #tpu.memory_space<hbm>>, %arg3: memref<100000xf32, #tpu.memory_space<hbm>>, %arg4: memref<100000xf32, #tpu.memory_space<hbm>>, %arg5: memref<12800000xi32, #tpu.memory_space<hbm>>, %arg6: memref<6400000xi32, #tpu.memory_space<hbm>>, %arg7: memref<32x16xf32, #tpu.memory_space<hbm>>, %arg8: memref<4000xi32, #tpu.memory_space<vmem>>, %arg9: memref<4000xi32, #tpu.memory_space<vmem>>, %arg10: memref<4000xi32, #tpu.memory_space<vmem>>, %arg11: memref<4000xi32, #tpu.memory_space<vmem>>, %arg12: memref<4000xi32, #tpu.memory_space<vmem>>, %arg13: memref<4000xi32, #tpu.memory_space<vmem>>, %arg14: memref<4000xf32, #tpu.memory_space<vmem>>, %arg15: memref<4000xf32, #tpu.memory_space<vmem>>, %arg16: memref<4000xf32, #tpu.memory_space<vmem>>, %arg17: memref<4000xf32, #tpu.memory_space<vmem>>, %arg18: memref<4000xf32, #tpu.memory_space<vmem>>, %arg19: memref<4000xf32, #tpu.memory_space<vmem>>, %arg20: memref<4000xf32, #tpu.memory_space<vmem>>, %arg21: memref<4000xf32, #tpu.memory_space<vmem>>, %arg22: memref<4000xf32, #tpu.memory_space<vmem>>, %arg23: memref<4000xf32, #tpu.memory_space<vmem>>, %arg24: memref<4000xf32, #tpu.memory_space<vmem>>, %arg25: memref<4000xf32, #tpu.memory_space<vmem>>, %arg26: memref<16xf32, #tpu.memory_space<vmem>>, %arg27: memref<100000xf32, #tpu.memory_space<vmem_shared>>, %arg28: memref<100000xf32, #tpu.memory_space<vmem_shared>>, %arg29: memref<100000xf32, #tpu.memory_space<vmem_shared>>, %arg30: memref<!tpu.dma_semaphore, #tpu.memory_space<semaphore_mem>>, %arg31: memref<!tpu.dma_semaphore, #tpu.memory_space<semaphore_mem>>, %arg32: memref<!tpu.dma_semaphore, #tpu.memory_space<semaphore_mem>>) attributes {dimension_semantics = [#tpu.dimension_semantics<core_parallel>, #tpu.dimension_semantics<subcore_parallel>], iteration_bounds = array<i64: 2, 16>, scalar_prefetch = 0 : i64, scratch_operands = 25 : i64, tpu.core_type = #tpu.core_type<sc_vector_subcore>, window_params = [{transform_indices = #map}, {transform_indices = #map}, {transform_indices = #map}, {transform_indices = #map}, {transform_indices = #map}, {transform_indices = #map1}]} {
    %mul3A = arith.constant 2 : i32
    %mul3A_0 = arith.muli %arg1, %mul3A : i32
    %add3A = arith.addi %mul3A_0, %arg0 : i32
    %mul3A_1 = arith.constant 200000 : i32
    %mul3A_2 = arith.muli %add3A, %mul3A_1 : i32
    %eq3A = arith.constant 0 : i32
    %eq3A_3 = arith.cmpi eq, %arg1, %eq3A : i32
    %convert_element_type3A = arith.extui %eq3A_3 : i1 to i32
    %cond3A = arith.constant 0 : i32
    %cond3A_4 = arith.cmpi ne, %convert_element_type3A, %cond3A : i32
    scf.if %cond3A_4 {
      "tpu.region"() ({
        %run_scoped3A = tpu.sem_alloc : memref<!tpu.dma_semaphore, #tpu.memory_space<semaphore_mem>>
        tpu.enqueue_dma source(%arg2 : memref<100000xf32, #tpu.memory_space<hbm>>) target(%arg27 : memref<100000xf32, #tpu.memory_space<vmem_shared>>) target_semaphore(%run_scoped3A : memref<!tpu.dma_semaphore, #tpu.memory_space<semaphore_mem>>)
        tpu.wait_dma2 semaphore(%run_scoped3A : memref<!tpu.dma_semaphore, #tpu.memory_space<semaphore_mem>>) src(%arg2 : memref<100000xf32, #tpu.memory_space<hbm>>) dst(%arg27 : memref<100000xf32, #tpu.memory_space<vmem_shared>>)
        tpu.yield
      }) : () -> ()
      "tpu.region"() ({
        %run_scoped3A = tpu.sem_alloc : memref<!tpu.dma_semaphore, #tpu.memory_space<semaphore_mem>>
        tpu.enqueue_dma source(%arg3 : memref<100000xf32, #tpu.memory_space<hbm>>) target(%arg28 : memref<100000xf32, #tpu.memory_space<vmem_shared>>) target_semaphore(%run_scoped3A : memref<!tpu.dma_semaphore, #tpu.memory_space<semaphore_mem>>)
        tpu.wait_dma2 semaphore(%run_scoped3A : memref<!tpu.dma_semaphore, #tpu.memory_space<semaphore_mem>>) src(%arg3 : memref<100000xf32, #tpu.memory_space<hbm>>) dst(%arg28 : memref<100000xf32, #tpu.memory_space<vmem_shared>>)
        tpu.yield
      }) : () -> ()
      "tpu.region"() ({
        %run_scoped3A = tpu.sem_alloc : memref<!tpu.dma_semaphore, #tpu.memory_space<semaphore_mem>>
        tpu.enqueue_dma source(%arg4 : memref<100000xf32, #tpu.memory_space<hbm>>) target(%arg29 : memref<100000xf32, #tpu.memory_space<vmem_shared>>) target_semaphore(%run_scoped3A : memref<!tpu.dma_semaphore, #tpu.memory_space<semaphore_mem>>)
        tpu.wait_dma2 semaphore(%run_scoped3A : memref<!tpu.dma_semaphore, #tpu.memory_space<semaphore_mem>>) src(%arg4 : memref<100000xf32, #tpu.memory_space<hbm>>) dst(%arg29 : memref<100000xf32, #tpu.memory_space<vmem_shared>>)
        tpu.yield
      }) : () -> ()
    } else {
    }
    %barrier3A = arith.constant 0 : index
    tpu.barrier barrier_id(%barrier3A)
    %add3A_5 = arith.constant 0 : i32
    %add3A_6 = arith.addi %mul3A_2, %add3A_5 : i32
    %add3A_7 = arith.constant 6400000 : i32
    %add3A_8 = arith.addi %add3A_7, %add3A_6 : i32
    %dma_start3A = tpu.memref_slice %arg5[%add3A_6] : memref<12800000xi32, #tpu.memory_space<hbm>> -> memref<4000xi32, #tpu.memory_space<hbm>>
    %dma_start3A_9 = tpu.memref_slice %arg5[%add3A_6] : memref<12800000xi32, #tpu.memory_space<hbm>> -> memref<4000xi32, #tpu.memory_space<hbm>>
    tpu.enqueue_dma source(%dma_start3A_9 : memref<4000xi32, #tpu.memory_space<hbm>>) target(%arg8 : memref<4000xi32, #tpu.memory_space<vmem>>) target_semaphore(%arg30 : memref<!tpu.dma_semaphore, #tpu.memory_space<semaphore_mem>>)
    %dma_start3A_10 = tpu.memref_slice %arg5[%add3A_8] : memref<12800000xi32, #tpu.memory_space<hbm>> -> memref<4000xi32, #tpu.memory_space<hbm>>
    %dma_start3A_11 = tpu.memref_slice %arg5[%add3A_8] : memref<12800000xi32, #tpu.memory_space<hbm>> -> memref<4000xi32, #tpu.memory_space<hbm>>
    tpu.enqueue_dma source(%dma_start3A_11 : memref<4000xi32, #tpu.memory_space<hbm>>) target(%arg10 : memref<4000xi32, #tpu.memory_space<vmem>>) target_semaphore(%arg30 : memref<!tpu.dma_semaphore, #tpu.memory_space<semaphore_mem>>)
    %dma_wait3A = tpu.memref_slice %arg5[%add3A_6] : memref<12800000xi32, #tpu.memory_space<hbm>> -> memref<4000xi32, #tpu.memory_space<hbm>>
    %dma_wait3A_12 = tpu.memref_slice %arg5[%add3A_6] : memref<12800000xi32, #tpu.memory_space<hbm>> -> memref<4000xi32, #tpu.memory_space<hbm>>
    tpu.wait_dma2 semaphore(%arg30 : memref<!tpu.dma_semaphore, #tpu.memory_space<semaphore_mem>>) src(%dma_wait3A_12 : memref<4000xi32, #tpu.memory_space<hbm>>) dst(%arg8 : memref<4000xi32, #tpu.memory_space<vmem>>)
    %dma_wait3A_13 = tpu.memref_slice %arg5[%add3A_8] : memref<12800000xi32, #tpu.memory_space<hbm>> -> memref<4000xi32, #tpu.memory_space<hbm>>
    %dma_wait3A_14 = tpu.memref_slice %arg5[%add3A_8] : memref<12800000xi32, #tpu.memory_space<hbm>> -> memref<4000xi32, #tpu.memory_space<hbm>>
    tpu.wait_dma2 semaphore(%arg30 : memref<!tpu.dma_semaphore, #tpu.memory_space<semaphore_mem>>) src(%dma_wait3A_14 : memref<4000xi32, #tpu.memory_space<hbm>>) dst(%arg10 : memref<4000xi32, #tpu.memory_space<vmem>>)
    %add3A_15 = arith.constant 4000 : i32
    %add3A_16 = arith.addi %mul3A_2, %add3A_15 : i32
    %add3A_17 = arith.constant 6400000 : i32
    %add3A_18 = arith.addi %add3A_17, %add3A_16 : i32
    %dma_start3A_19 = tpu.memref_slice %arg5[%add3A_16] : memref<12800000xi32, #tpu.memory_space<hbm>> -> memref<4000xi32, #tpu.memory_space<hbm>>
    %dma_start3A_20 = tpu.memref_slice %arg5[%add3A_16] : memref<12800000xi32, #tpu.memory_space<hbm>> -> memref<4000xi32, #tpu.memory_space<hbm>>
    tpu.enqueue_dma source(%dma_start3A_20 : memref<4000xi32, #tpu.memory_space<hbm>>) target(%arg9 : memref<4000xi32, #tpu.memory_space<vmem>>) target_semaphore(%arg30 : memref<!tpu.dma_semaphore, #tpu.memory_space<semaphore_mem>>)
    %dma_start3A_21 = tpu.memref_slice %arg5[%add3A_18] : memref<12800000xi32, #tpu.memory_space<hbm>> -> memref<4000xi32, #tpu.memory_space<hbm>>
    %dma_start3A_22 = tpu.memref_slice %arg5[%add3A_18] : memref<12800000xi32, #tpu.memory_space<hbm>> -> memref<4000xi32, #tpu.memory_space<hbm>>
    tpu.enqueue_dma source(%dma_start3A_22 : memref<4000xi32, #tpu.memory_space<hbm>>) target(%arg11 : memref<4000xi32, #tpu.memory_space<vmem>>) target_semaphore(%arg30 : memref<!tpu.dma_semaphore, #tpu.memory_space<semaphore_mem>>)
    %add3A_23 = arith.constant 0 : i32
    %add3A_24 = arith.addi %mul3A_2, %add3A_23 : i32
    %dma_start3A_25 = tpu.memref_slice %arg6[%add3A_24] : memref<6400000xi32, #tpu.memory_space<hbm>> -> memref<4000xi32, #tpu.memory_space<hbm>>
    %dma_start3A_26 = tpu.memref_slice %arg6[%add3A_24] : memref<6400000xi32, #tpu.memory_space<hbm>> -> memref<4000xi32, #tpu.memory_space<hbm>>
    tpu.enqueue_dma source(%dma_start3A_26 : memref<4000xi32, #tpu.memory_space<hbm>>) target(%arg12 : memref<4000xi32, #tpu.memory_space<vmem>>) target_semaphore(%arg30 : memref<!tpu.dma_semaphore, #tpu.memory_space<semaphore_mem>>)
    %dma_start3A_27 = arith.constant 0 : i32
    %dma_start3A_28 = tpu.memref_slice %arg27[%dma_start3A_27] : memref<100000xf32, #tpu.memory_space<vmem_shared>> -> memref<100000xf32, #tpu.memory_space<vmem_shared>>
    tpu.enqueue_indirect_dma source(%dma_start3A_28 : memref<100000xf32, #tpu.memory_space<vmem_shared>>) target(%arg14 : memref<4000xf32, #tpu.memory_space<vmem>>) offsets(%arg8 : memref<4000xi32, #tpu.memory_space<vmem>>) semaphore(%arg31 : memref<!tpu.dma_semaphore, #tpu.memory_space<semaphore_mem>>)
    %dma_start3A_29 = arith.constant 0 : i32
    %dma_start3A_30 = tpu.memref_slice %arg28[%dma_start3A_29] : memref<100000xf32, #tpu.memory_space<vmem_shared>> -> memref<100000xf32, #tpu.memory_space<vmem_shared>>
    tpu.enqueue_indirect_dma source(%dma_start3A_30 : memref<100000xf32, #tpu.memory_space<vmem_shared>>) target(%arg15 : memref<4000xf32, #tpu.memory_space<vmem>>) offsets(%arg8 : memref<4000xi32, #tpu.memory_space<vmem>>) semaphore(%arg31 : memref<!tpu.dma_semaphore, #tpu.memory_space<semaphore_mem>>)
    %dma_start3A_31 = arith.constant 0 : i32
    %dma_start3A_32 = tpu.memref_slice %arg4[%dma_start3A_31] : memref<100000xf32, #tpu.memory_space<hbm>> -> memref<100000xf32, #tpu.memory_space<hbm>>
    tpu.enqueue_indirect_dma source(%dma_start3A_32 : memref<100000xf32, #tpu.memory_space<hbm>>) target(%arg16 : memref<4000xf32, #tpu.memory_space<vmem>>) offsets(%arg8 : memref<4000xi32, #tpu.memory_space<vmem>>) semaphore(%arg32 : memref<!tpu.dma_semaphore, #tpu.memory_space<semaphore_mem>>)
    %dma_start3A_33 = arith.constant 0 : i32
    %dma_start3A_34 = tpu.memref_slice %arg27[%dma_start3A_33] : memref<100000xf32, #tpu.memory_space<vmem_shared>> -> memref<100000xf32, #tpu.memory_space<vmem_shared>>
    tpu.enqueue_indirect_dma source(%dma_start3A_34 : memref<100000xf32, #tpu.memory_space<vmem_shared>>) target(%arg17 : memref<4000xf32, #tpu.memory_space<vmem>>) offsets(%arg10 : memref<4000xi32, #tpu.memory_space<vmem>>) semaphore(%arg31 : memref<!tpu.dma_semaphore, #tpu.memory_space<semaphore_mem>>)
    %dma_start3A_35 = arith.constant 0 : i32
    %dma_start3A_36 = tpu.memref_slice %arg28[%dma_start3A_35] : memref<100000xf32, #tpu.memory_space<vmem_shared>> -> memref<100000xf32, #tpu.memory_space<vmem_shared>>
    tpu.enqueue_indirect_dma source(%dma_start3A_36 : memref<100000xf32, #tpu.memory_space<vmem_shared>>) target(%arg18 : memref<4000xf32, #tpu.memory_space<vmem>>) offsets(%arg10 : memref<4000xi32, #tpu.memory_space<vmem>>) semaphore(%arg31 : memref<!tpu.dma_semaphore, #tpu.memory_space<semaphore_mem>>)
    %dma_start3A_37 = arith.constant 0 : i32
    %dma_start3A_38 = tpu.memref_slice %arg29[%dma_start3A_37] : memref<100000xf32, #tpu.memory_space<vmem_shared>> -> memref<100000xf32, #tpu.memory_space<vmem_shared>>
    tpu.enqueue_indirect_dma source(%dma_start3A_38 : memref<100000xf32, #tpu.memory_space<vmem_shared>>) target(%arg19 : memref<4000xf32, #tpu.memory_space<vmem>>) offsets(%arg10 : memref<4000xi32, #tpu.memory_space<vmem>>) semaphore(%arg31 : memref<!tpu.dma_semaphore, #tpu.memory_space<semaphore_mem>>)
    %dma_wait3A_39 = tpu.memref_slice %arg5[%add3A_16] : memref<12800000xi32, #tpu.memory_space<hbm>> -> memref<4000xi32, #tpu.memory_space<hbm>>
    %dma_wait3A_40 = tpu.memref_slice %arg5[%add3A_16] : memref<12800000xi32, #tpu.memory_space<hbm>> -> memref<4000xi32, #tpu.memory_space<hbm>>
    tpu.wait_dma2 semaphore(%arg30 : memref<!tpu.dma_semaphore, #tpu.memory_space<semaphore_mem>>) src(%dma_wait3A_40 : memref<4000xi32, #tpu.memory_space<hbm>>) dst(%arg9 : memref<4000xi32, #tpu.memory_space<vmem>>)
    %dma_wait3A_41 = tpu.memref_slice %arg5[%add3A_18] : memref<12800000xi32, #tpu.memory_space<hbm>> -> memref<4000xi32, #tpu.memory_space<hbm>>
    %dma_wait3A_42 = tpu.memref_slice %arg5[%add3A_18] : memref<12800000xi32, #tpu.memory_space<hbm>> -> memref<4000xi32, #tpu.memory_space<hbm>>
    tpu.wait_dma2 semaphore(%arg30 : memref<!tpu.dma_semaphore, #tpu.memory_space<semaphore_mem>>) src(%dma_wait3A_42 : memref<4000xi32, #tpu.memory_space<hbm>>) dst(%arg11 : memref<4000xi32, #tpu.memory_space<vmem>>)
    %dma_wait3A_43 = tpu.memref_slice %arg6[%add3A_24] : memref<6400000xi32, #tpu.memory_space<hbm>> -> memref<4000xi32, #tpu.memory_space<hbm>>
    %dma_wait3A_44 = tpu.memref_slice %arg6[%add3A_24] : memref<6400000xi32, #tpu.memory_space<hbm>> -> memref<4000xi32, #tpu.memory_space<hbm>>
    tpu.wait_dma2 semaphore(%arg30 : memref<!tpu.dma_semaphore, #tpu.memory_space<semaphore_mem>>) src(%dma_wait3A_44 : memref<4000xi32, #tpu.memory_space<hbm>>) dst(%arg12 : memref<4000xi32, #tpu.memory_space<vmem>>)
    %dma_wait3A_45 = arith.constant 0 : i32
    %dma_wait3A_46 = tpu.memref_slice %arg27[%dma_wait3A_45] : memref<100000xf32, #tpu.memory_space<vmem_shared>> -> memref<100000xf32, #tpu.memory_space<vmem_shared>>
    tpu.wait_indirect_dma semaphore(%arg31 : memref<!tpu.dma_semaphore, #tpu.memory_space<semaphore_mem>>) src(%dma_wait3A_46 : memref<100000xf32, #tpu.memory_space<vmem_shared>>) dst(%arg14 : memref<4000xf32, #tpu.memory_space<vmem>>)
    %dma_wait3A_47 = arith.constant 0 : i32
    %dma_wait3A_48 = tpu.memref_slice %arg28[%dma_wait3A_47] : memref<100000xf32, #tpu.memory_space<vmem_shared>> -> memref<100000xf32, #tpu.memory_space<vmem_shared>>
    tpu.wait_indirect_dma semaphore(%arg31 : memref<!tpu.dma_semaphore, #tpu.memory_space<semaphore_mem>>) src(%dma_wait3A_48 : memref<100000xf32, #tpu.memory_space<vmem_shared>>) dst(%arg15 : memref<4000xf32, #tpu.memory_space<vmem>>)
    %dma_wait3A_49 = arith.constant 0 : i32
    %dma_wait3A_50 = tpu.memref_slice %arg4[%dma_wait3A_49] : memref<100000xf32, #tpu.memory_space<hbm>> -> memref<100000xf32, #tpu.memory_space<hbm>>
    tpu.wait_indirect_dma semaphore(%arg32 : memref<!tpu.dma_semaphore, #tpu.memory_space<semaphore_mem>>) src(%dma_wait3A_50 : memref<100000xf32, #tpu.memory_space<hbm>>) dst(%arg16 : memref<4000xf32, #tpu.memory_space<vmem>>)
    %dma_wait3A_51 = arith.constant 0 : i32
    %dma_wait3A_52 = tpu.memref_slice %arg27[%dma_wait3A_51] : memref<100000xf32, #tpu.memory_space<vmem_shared>> -> memref<100000xf32, #tpu.memory_space<vmem_shared>>
    tpu.wait_indirect_dma semaphore(%arg31 : memref<!tpu.dma_semaphore, #tpu.memory_space<semaphore_mem>>) src(%dma_wait3A_52 : memref<100000xf32, #tpu.memory_space<vmem_shared>>) dst(%arg17 : memref<4000xf32, #tpu.memory_space<vmem>>)
    %dma_wait3A_53 = arith.constant 0 : i32
    %dma_wait3A_54 = tpu.memref_slice %arg28[%dma_wait3A_53] : memref<100000xf32, #tpu.memory_space<vmem_shared>> -> memref<100000xf32, #tpu.memory_space<vmem_shared>>
    tpu.wait_indirect_dma semaphore(%arg31 : memref<!tpu.dma_semaphore, #tpu.memory_space<semaphore_mem>>) src(%dma_wait3A_54 : memref<100000xf32, #tpu.memory_space<vmem_shared>>) dst(%arg18 : memref<4000xf32, #tpu.memory_space<vmem>>)
    %dma_wait3A_55 = arith.constant 0 : i32
    %dma_wait3A_56 = tpu.memref_slice %arg29[%dma_wait3A_55] : memref<100000xf32, #tpu.memory_space<vmem_shared>> -> memref<100000xf32, #tpu.memory_space<vmem_shared>>
    tpu.wait_indirect_dma semaphore(%arg31 : memref<!tpu.dma_semaphore, #tpu.memory_space<semaphore_mem>>) src(%dma_wait3A_56 : memref<100000xf32, #tpu.memory_space<vmem_shared>>) dst(%arg19 : memref<4000xf32, #tpu.memory_space<vmem>>)
    %broadcast_in_dim3A = arith.constant 0.000000e+00 : f32
    %broadcast_in_dim3A_57 = vector.broadcast %broadcast_in_dim3A : f32 to vector<16xf32>
    %scan3A = arith.constant 0 : i32
    %scan3A_58 = arith.constant 24 : i32
    %scan3A_59 = arith.addi %scan3A, %scan3A_58 : i32
    %scan3A_60 = arith.constant 1 : i32
    %scan3A_61 = scf.for %scan3A_412 = %scan3A to %scan3A_59 step %scan3A_60 iter_args(%scan3A_413 = %broadcast_in_dim3A_57) -> (vector<16xf32>)  : i32 {
      %mul3A_414 = arith.constant 2 : i32
      %mul3A_415 = arith.muli %mul3A_414, %scan3A_412 : i32
      %add3A_416 = arith.constant 2 : i32
      %add3A_417 = arith.addi %mul3A_415, %add3A_416 : i32
      %mul3A_418 = arith.constant 4000 : i32
      %mul3A_419 = arith.muli %add3A_417, %mul3A_418 : i32
      %add3A_420 = arith.addi %mul3A_2, %mul3A_419 : i32
      %add3A_421 = arith.constant 6400000 : i32
      %add3A_422 = arith.addi %add3A_421, %add3A_420 : i32
      %dma_start3A_423 = tpu.memref_slice %arg5[%add3A_420] : memref<12800000xi32, #tpu.memory_space<hbm>> -> memref<4000xi32, #tpu.memory_space<hbm>>
      %dma_start3A_424 = tpu.memref_slice %arg5[%add3A_420] : memref<12800000xi32, #tpu.memory_space<hbm>> -> memref<4000xi32, #tpu.memory_space<hbm>>
      tpu.enqueue_dma source(%dma_start3A_424 : memref<4000xi32, #tpu.memory_space<hbm>>) target(%arg8 : memref<4000xi32, #tpu.memory_space<vmem>>) target_semaphore(%arg30 : memref<!tpu.dma_semaphore, #tpu.memory_space<semaphore_mem>>)
      %dma_start3A_425 = tpu.memref_slice %arg5[%add3A_422] : memref<12800000xi32, #tpu.memory_space<hbm>> -> memref<4000xi32, #tpu.memory_space<hbm>>
      %dma_start3A_426 = tpu.memref_slice %arg5[%add3A_422] : memref<12800000xi32, #tpu.memory_space<hbm>> -> memref<4000xi32, #tpu.memory_space<hbm>>
      tpu.enqueue_dma source(%dma_start3A_426 : memref<4000xi32, #tpu.memory_space<hbm>>) target(%arg10 : memref<4000xi32, #tpu.memory_space<vmem>>) target_semaphore(%arg30 : memref<!tpu.dma_semaphore, #tpu.memory_space<semaphore_mem>>)
      %add3A_427 = arith.constant 1 : i32
      %add3A_428 = arith.addi %mul3A_415, %add3A_427 : i32
      %mul3A_429 = arith.constant 4000 : i32
      %mul3A_430 = arith.muli %add3A_428, %mul3A_429 : i32
      %add3A_431 = arith.addi %mul3A_2, %mul3A_430 : i32
      %dma_start3A_432 = tpu.memref_slice %arg6[%add3A_431] : memref<6400000xi32, #tpu.memory_space<hbm>> -> memref<4000xi32, #tpu.memory_space<hbm>>
      %dma_start3A_433 = tpu.memref_slice %arg6[%add3A_431] : memref<6400000xi32, #tpu.memory_space<hbm>> -> memref<4000xi32, #tpu.memory_space<hbm>>
      tpu.enqueue_dma source(%dma_start3A_433 : memref<4000xi32, #tpu.memory_space<hbm>>) target(%arg13 : memref<4000xi32, #tpu.memory_space<vmem>>) target_semaphore(%arg30 : memref<!tpu.dma_semaphore, #tpu.memory_space<semaphore_mem>>)
      %dma_start3A_434 = arith.constant 0 : i32
      %dma_start3A_435 = tpu.memref_slice %arg27[%dma_start3A_434] : memref<100000xf32, #tpu.memory_space<vmem_shared>> -> memref<100000xf32, #tpu.memory_space<vmem_shared>>
      tpu.enqueue_indirect_dma source(%dma_start3A_435 : memref<100000xf32, #tpu.memory_space<vmem_shared>>) target(%arg20 : memref<4000xf32, #tpu.memory_space<vmem>>) offsets(%arg9 : memref<4000xi32, #tpu.memory_space<vmem>>) semaphore(%arg31 : memref<!tpu.dma_semaphore, #tpu.memory_space<semaphore_mem>>)
      %dma_start3A_436 = arith.constant 0 : i32
      %dma_start3A_437 = tpu.memref_slice %arg28[%dma_start3A_436] : memref<100000xf32, #tpu.memory_space<vmem_shared>> -> memref<100000xf32, #tpu.memory_space<vmem_shared>>
      tpu.enqueue_indirect_dma source(%dma_start3A_437 : memref<100000xf32, #tpu.memory_space<vmem_shared>>) target(%arg21 : memref<4000xf32, #tpu.memory_space<vmem>>) offsets(%arg9 : memref<4000xi32, #tpu.memory_space<vmem>>) semaphore(%arg31 : memref<!tpu.dma_semaphore, #tpu.memory_space<semaphore_mem>>)
      %dma_start3A_438 = arith.constant 0 : i32
      %dma_start3A_439 = tpu.memref_slice %arg4[%dma_start3A_438] : memref<100000xf32, #tpu.memory_space<hbm>> -> memref<100000xf32, #tpu.memory_space<hbm>>
      tpu.enqueue_indirect_dma source(%dma_start3A_439 : memref<100000xf32, #tpu.memory_space<hbm>>) target(%arg22 : memref<4000xf32, #tpu.memory_space<vmem>>) offsets(%arg9 : memref<4000xi32, #tpu.memory_space<vmem>>) semaphore(%arg32 : memref<!tpu.dma_semaphore, #tpu.memory_space<semaphore_mem>>)
      %dma_start3A_440 = arith.constant 0 : i32
      %dma_start3A_441 = tpu.memref_slice %arg27[%dma_start3A_440] : memref<100000xf32, #tpu.memory_space<vmem_shared>> -> memref<100000xf32, #tpu.memory_space<vmem_shared>>
      tpu.enqueue_indirect_dma source(%dma_start3A_441 : memref<100000xf32, #tpu.memory_space<vmem_shared>>) target(%arg23 : memref<4000xf32, #tpu.memory_space<vmem>>) offsets(%arg11 : memref<4000xi32, #tpu.memory_space<vmem>>) semaphore(%arg31 : memref<!tpu.dma_semaphore, #tpu.memory_space<semaphore_mem>>)
      %dma_start3A_442 = arith.constant 0 : i32
      %dma_start3A_443 = tpu.memref_slice %arg28[%dma_start3A_442] : memref<100000xf32, #tpu.memory_space<vmem_shared>> -> memref<100000xf32, #tpu.memory_space<vmem_shared>>
      tpu.enqueue_indirect_dma source(%dma_start3A_443 : memref<100000xf32, #tpu.memory_space<vmem_shared>>) target(%arg24 : memref<4000xf32, #tpu.memory_space<vmem>>) offsets(%arg11 : memref<4000xi32, #tpu.memory_space<vmem>>) semaphore(%arg31 : memref<!tpu.dma_semaphore, #tpu.memory_space<semaphore_mem>>)
      %dma_start3A_444 = arith.constant 0 : i32
      %dma_start3A_445 = tpu.memref_slice %arg29[%dma_start3A_444] : memref<100000xf32, #tpu.memory_space<vmem_shared>> -> memref<100000xf32, #tpu.memory_space<vmem_shared>>
      tpu.enqueue_indirect_dma source(%dma_start3A_445 : memref<100000xf32, #tpu.memory_space<vmem_shared>>) target(%arg25 : memref<4000xf32, #tpu.memory_space<vmem>>) offsets(%arg11 : memref<4000xi32, #tpu.memory_space<vmem>>) semaphore(%arg31 : memref<!tpu.dma_semaphore, #tpu.memory_space<semaphore_mem>>)
      %scan3A_446 = arith.constant 0 : i32
      %scan3A_447 = arith.constant 248 : i32
      %scan3A_448 = arith.addi %scan3A_446, %scan3A_447 : i32
      %scan3A_449 = arith.constant 4 : i32
      %scan3A_450 = scf.for %scan3A_832 = %scan3A_446 to %scan3A_448 step %scan3A_449 iter_args(%scan3A_833 = %scan3A_413) -> (vector<16xf32>)  : i32 {
        %mul3A_834 = arith.constant 16 : i32
        %mul3A_835 = arith.muli %scan3A_832, %mul3A_834 : i32
        %get3A_836 = arith.index_cast %mul3A_835 : i32 to index
        %get3A_837 = tpu.vector_load %arg14[%get3A_836] {strides = array<i32>} : memref<4000xf32, #tpu.memory_space<vmem>>, vector<16xf32>,
        %get3A_838 = vector.shape_cast %get3A_837 : vector<16xf32> to vector<16xf32>
        %get3A_839 = arith.index_cast %mul3A_835 : i32 to index
        %get3A_840 = tpu.vector_load %arg17[%get3A_839] {strides = array<i32>} : memref<4000xf32, #tpu.memory_space<vmem>>, vector<16xf32>,
        %get3A_841 = vector.shape_cast %get3A_840 : vector<16xf32> to vector<16xf32>
        %sub3A_842 = arith.subf %get3A_838, %get3A_841 : vector<16xf32>
        %get3A_843 = arith.index_cast %mul3A_835 : i32 to index
        %get3A_844 = tpu.vector_load %arg15[%get3A_843] {strides = array<i32>} : memref<4000xf32, #tpu.memory_space<vmem>>, vector<16xf32>,
        %get3A_845 = vector.shape_cast %get3A_844 : vector<16xf32> to vector<16xf32>
        %get3A_846 = arith.index_cast %mul3A_835 : i32 to index
        %get3A_847 = tpu.vector_load %arg18[%get3A_846] {strides = array<i32>} : memref<4000xf32, #tpu.memory_space<vmem>>, vector<16xf32>,
        %get3A_848 = vector.shape_cast %get3A_847 : vector<16xf32> to vector<16xf32>
        %sub3A_849 = arith.subf %get3A_845, %get3A_848 : vector<16xf32>
        %get3A_850 = arith.index_cast %mul3A_835 : i32 to index
        %get3A_851 = tpu.vector_load %arg16[%get3A_850] {strides = array<i32>} : memref<4000xf32, #tpu.memory_space<vmem>>, vector<16xf32>,
        %get3A_852 = vector.shape_cast %get3A_851 : vector<16xf32> to vector<16xf32>
        %get3A_853 = arith.index_cast %mul3A_835 : i32 to index
        %get3A_854 = tpu.vector_load %arg19[%get3A_853] {strides = array<i32>} : memref<4000xf32, #tpu.memory_space<vmem>>, vector<16xf32>,
        %get3A_855 = vector.shape_cast %get3A_854 : vector<16xf32> to vector<16xf32>
        %sub3A_856 = arith.subf %get3A_852, %get3A_855 : vector<16xf32>
        %get3A_857 = arith.index_cast %mul3A_835 : i32 to index
        %get3A_858 = tpu.vector_load %arg12[%get3A_857] {strides = array<i32>} : memref<4000xi32, #tpu.memory_space<vmem>>, vector<16xi32>,
        %get3A_859 = vector.shape_cast %get3A_858 : vector<16xi32> to vector<16xi32>
        %mul3A_860 = arith.mulf %sub3A_842, %sub3A_842 : vector<16xf32>
        %mul3A_861 = arith.mulf %sub3A_849, %sub3A_849 : vector<16xf32>
        %add3A_862 = arith.addf %mul3A_860, %mul3A_861 : vector<16xf32>
        %mul3A_863 = arith.mulf %sub3A_856, %sub3A_856 : vector<16xf32>
        %add3A_864 = arith.addf %add3A_862, %mul3A_863 : vector<16xf32>
        %max3A_865 = arith.constant 1.000000e-30 : f32
        %max3A_866 = vector.broadcast %max3A_865 : f32 to vector<16xf32>
        %max3A_867 = arith.maximumf %add3A_864, %max3A_866 : vector<16xf32>
        %bitcast_convert_type3A_868 = tpu.bitcast %max3A_867 : vector<16xf32> -> vector<16xi32>
        %shift_right_arithmetic3A_869 = arith.constant 1 : i32
        %shift_right_arithmetic3A_870 = vector.broadcast %shift_right_arithmetic3A_869 : i32 to vector<16xi32>
        %shift_right_arithmetic3A_871 = arith.shrsi %bitcast_convert_type3A_868, %shift_right_arithmetic3A_870 : vector<16xi32>
        %sub3A_872 = arith.constant 1597463007 : i32
        %sub3A_873 = vector.broadcast %sub3A_872 : i32 to vector<16xi32>
        %sub3A_874 = arith.subi %sub3A_873, %shift_right_arithmetic3A_871 : vector<16xi32>
        %bitcast_convert_type3A_875 = tpu.bitcast %sub3A_874 : vector<16xi32> -> vector<16xf32>
        %mul3A_876 = arith.constant 5.000000e-01 : f32
        %mul3A_877 = vector.broadcast %mul3A_876 : f32 to vector<16xf32>
        %mul3A_878 = arith.mulf %mul3A_877, %max3A_867 : vector<16xf32>
        %mul3A_879 = arith.mulf %mul3A_878, %bitcast_convert_type3A_875 : vector<16xf32>
        %mul3A_880 = arith.mulf %mul3A_879, %bitcast_convert_type3A_875 : vector<16xf32>
        %sub3A_881 = arith.constant 1.500000e+00 : f32
        %sub3A_882 = vector.broadcast %sub3A_881 : f32 to vector<16xf32>
        %sub3A_883 = arith.subf %sub3A_882, %mul3A_880 : vector<16xf32>
        %mul3A_884 = arith.mulf %bitcast_convert_type3A_875, %sub3A_883 : vector<16xf32>
        %mul3A_885 = arith.mulf %mul3A_878, %mul3A_884 : vector<16xf32>
        %mul3A_886 = arith.mulf %mul3A_885, %mul3A_884 : vector<16xf32>
        %sub3A_887 = arith.constant 1.500000e+00 : f32
        %sub3A_888 = vector.broadcast %sub3A_887 : f32 to vector<16xf32>
        %sub3A_889 = arith.subf %sub3A_888, %mul3A_886 : vector<16xf32>
        %mul3A_890 = arith.mulf %mul3A_884, %sub3A_889 : vector<16xf32>
        %mul3A_891 = arith.mulf %max3A_867, %mul3A_890 : vector<16xf32>
        %sub3A_892 = arith.constant 1.900000e+00 : f32
        %sub3A_893 = vector.broadcast %sub3A_892 : f32 to vector<16xf32>
        %sub3A_894 = arith.subf %mul3A_891, %sub3A_893 : vector<16xf32>
        %sub3A_895 = arith.constant 1.200000e+00 : f32
        %sub3A_896 = vector.broadcast %sub3A_895 : f32 to vector<16xf32>
        %sub3A_897 = arith.subf %sub3A_896, %mul3A_891 : vector<16xf32>
        %max3A_898 = arith.constant 0.000000e+00 : f32
        %max3A_899 = vector.broadcast %max3A_898 : f32 to vector<16xf32>
        %max3A_900 = arith.maximumf %sub3A_897, %max3A_899 : vector<16xf32>
        %max3A_901 = arith.maximumf %sub3A_894, %max3A_900 : vector<16xf32>
        %eq3A_902 = arith.constant 0 : i32
        %eq3A_903 = vector.broadcast %eq3A_902 : i32 to vector<16xi32>
        %eq3A_904 = arith.cmpi eq, %get3A_859, %eq3A_903 : vector<16xi32>
        %jit3A_905 = arith.constant 0.000000e+00 : f32
        %broadcast_in_dim3A_906 = vector.broadcast %jit3A_905 : f32 to vector<16xf32>
        %select_n3A_907 = arith.select %eq3A_904, %broadcast_in_dim3A_906, %max3A_901 : vector<16xi1>, vector<16xf32>
        %add3A_908 = arith.addf %scan3A_833, %select_n3A_907 : vector<16xf32>
        %scan3A_909 = arith.constant 1 : i32
        %scan3A_910 = arith.addi %scan3A_832, %scan3A_909 : i32
        %mul3A_911 = arith.constant 16 : i32
        %mul3A_912 = arith.muli %scan3A_910, %mul3A_911 : i32
        %get3A_913 = arith.index_cast %mul3A_912 : i32 to index
        %get3A_914 = tpu.vector_load %arg14[%get3A_913] {strides = array<i32>} : memref<4000xf32, #tpu.memory_space<vmem>>, vector<16xf32>,
        %get3A_915 = vector.shape_cast %get3A_914 : vector<16xf32> to vector<16xf32>
        %get3A_916 = arith.index_cast %mul3A_912 : i32 to index
        %get3A_917 = tpu.vector_load %arg17[%get3A_916] {strides = array<i32>} : memref<4000xf32, #tpu.memory_space<vmem>>, vector<16xf32>,
        %get3A_918 = vector.shape_cast %get3A_917 : vector<16xf32> to vector<16xf32>
        %sub3A_919 = arith.subf %get3A_915, %get3A_918 : vector<16xf32>
        %get3A_920 = arith.index_cast %mul3A_912 : i32 to index
        %get3A_921 = tpu.vector_load %arg15[%get3A_920] {strides = array<i32>} : memref<4000xf32, #tpu.memory_space<vmem>>, vector<16xf32>,
        %get3A_922 = vector.shape_cast %get3A_921 : vector<16xf32> to vector<16xf32>
        %get3A_923 = arith.index_cast %mul3A_912 : i32 to index
        %get3A_924 = tpu.vector_load %arg18[%get3A_923] {strides = array<i32>} : memref<4000xf32, #tpu.memory_space<vmem>>, vector<16xf32>,
        %get3A_925 = vector.shape_cast %get3A_924 : vector<16xf32> to vector<16xf32>
        %sub3A_926 = arith.subf %get3A_922, %get3A_925 : vector<16xf32>
        %get3A_927 = arith.index_cast %mul3A_912 : i32 to index
        %get3A_928 = tpu.vector_load %arg16[%get3A_927] {strides = array<i32>} : memref<4000xf32, #tpu.memory_space<vmem>>, vector<16xf32>,
        %get3A_929 = vector.shape_cast %get3A_928 : vector<16xf32> to vector<16xf32>
        %get3A_930 = arith.index_cast %mul3A_912 : i32 to index
        %get3A_931 = tpu.vector_load %arg19[%get3A_930] {strides = array<i32>} : memref<4000xf32, #tpu.memory_space<vmem>>, vector<16xf32>,
        %get3A_932 = vector.shape_cast %get3A_931 : vector<16xf32> to vector<16xf32>
        %sub3A_933 = arith.subf %get3A_929, %get3A_932 : vector<16xf32>
        %get3A_934 = arith.index_cast %mul3A_912 : i32 to index
        %get3A_935 = tpu.vector_load %arg12[%get3A_934] {strides = array<i32>} : memref<4000xi32, #tpu.memory_space<vmem>>, vector<16xi32>,
        %get3A_936 = vector.shape_cast %get3A_935 : vector<16xi32> to vector<16xi32>
        %mul3A_937 = arith.mulf %sub3A_919, %sub3A_919 : vector<16xf32>
        %mul3A_938 = arith.mulf %sub3A_926, %sub3A_926 : vector<16xf32>
        %add3A_939 = arith.addf %mul3A_937, %mul3A_938 : vector<16xf32>
        %mul3A_940 = arith.mulf %sub3A_933, %sub3A_933 : vector<16xf32>
        %add3A_941 = arith.addf %add3A_939, %mul3A_940 : vector<16xf32>
        %max3A_942 = arith.constant 1.000000e-30 : f32
        %max3A_943 = vector.broadcast %max3A_942 : f32 to vector<16xf32>
        %max3A_944 = arith.maximumf %add3A_941, %max3A_943 : vector<16xf32>
        %bitcast_convert_type3A_945 = tpu.bitcast %max3A_944 : vector<16xf32> -> vector<16xi32>
        %shift_right_arithmetic3A_946 = arith.constant 1 : i32
        %shift_right_arithmetic3A_947 = vector.broadcast %shift_right_arithmetic3A_946 : i32 to vector<16xi32>
        %shift_right_arithmetic3A_948 = arith.shrsi %bitcast_convert_type3A_945, %shift_right_arithmetic3A_947 : vector<16xi32>
        %sub3A_949 = arith.constant 1597463007 : i32
        %sub3A_950 = vector.broadcast %sub3A_949 : i32 to vector<16xi32>
        %sub3A_951 = arith.subi %sub3A_950, %shift_right_arithmetic3A_948 : vector<16xi32>
        %bitcast_convert_type3A_952 = tpu.bitcast %sub3A_951 : vector<16xi32> -> vector<16xf32>
        %mul3A_953 = arith.constant 5.000000e-01 : f32
        %mul3A_954 = vector.broadcast %mul3A_953 : f32 to vector<16xf32>
        %mul3A_955 = arith.mulf %mul3A_954, %max3A_944 : vector<16xf32>
        %mul3A_956 = arith.mulf %mul3A_955, %bitcast_convert_type3A_952 : vector<16xf32>
        %mul3A_957 = arith.mulf %mul3A_956, %bitcast_convert_type3A_952 : vector<16xf32>
        %sub3A_958 = arith.constant 1.500000e+00 : f32
        %sub3A_959 = vector.broadcast %sub3A_958 : f32 to vector<16xf32>
        %sub3A_960 = arith.subf %sub3A_959, %mul3A_957 : vector<16xf32>
        %mul3A_961 = arith.mulf %bitcast_convert_type3A_952, %sub3A_960 : vector<16xf32>
        %mul3A_962 = arith.mulf %mul3A_955, %mul3A_961 : vector<16xf32>
        %mul3A_963 = arith.mulf %mul3A_962, %mul3A_961 : vector<16xf32>
        %sub3A_964 = arith.constant 1.500000e+00 : f32
        %sub3A_965 = vector.broadcast %sub3A_964 : f32 to vector<16xf32>
        %sub3A_966 = arith.subf %sub3A_965, %mul3A_963 : vector<16xf32>
        %mul3A_967 = arith.mulf %mul3A_961, %sub3A_966 : vector<16xf32>
        %mul3A_968 = arith.mulf %max3A_944, %mul3A_967 : vector<16xf32>
        %sub3A_969 = arith.constant 1.900000e+00 : f32
        %sub3A_970 = vector.broadcast %sub3A_969 : f32 to vector<16xf32>
        %sub3A_971 = arith.subf %mul3A_968, %sub3A_970 : vector<16xf32>
        %sub3A_972 = arith.constant 1.200000e+00 : f32
        %sub3A_973 = vector.broadcast %sub3A_972 : f32 to vector<16xf32>
        %sub3A_974 = arith.subf %sub3A_973, %mul3A_968 : vector<16xf32>
        %max3A_975 = arith.constant 0.000000e+00 : f32
        %max3A_976 = vector.broadcast %max3A_975 : f32 to vector<16xf32>
        %max3A_977 = arith.maximumf %sub3A_974, %max3A_976 : vector<16xf32>
        %max3A_978 = arith.maximumf %sub3A_971, %max3A_977 : vector<16xf32>
        %eq3A_979 = arith.constant 0 : i32
        %eq3A_980 = vector.broadcast %eq3A_979 : i32 to vector<16xi32>
        %eq3A_981 = arith.cmpi eq, %get3A_936, %eq3A_980 : vector<16xi32>
        %jit3A_982 = arith.constant 0.000000e+00 : f32
        %broadcast_in_dim3A_983 = vector.broadcast %jit3A_982 : f32 to vector<16xf32>
        %select_n3A_984 = arith.select %eq3A_981, %broadcast_in_dim3A_983, %max3A_978 : vector<16xi1>, vector<16xf32>
        %add3A_985 = arith.addf %add3A_908, %select_n3A_984 : vector<16xf32>
        %scan3A_986 = arith.constant 2 : i32
        %scan3A_987 = arith.addi %scan3A_832, %scan3A_986 : i32
        %mul3A_988 = arith.constant 16 : i32
        %mul3A_989 = arith.muli %scan3A_987, %mul3A_988 : i32
        %get3A_990 = arith.index_cast %mul3A_989 : i32 to index
        %get3A_991 = tpu.vector_load %arg14[%get3A_990] {strides = array<i32>} : memref<4000xf32, #tpu.memory_space<vmem>>, vector<16xf32>,
        %get3A_992 = vector.shape_cast %get3A_991 : vector<16xf32> to vector<16xf32>
        %get3A_993 = arith.index_cast %mul3A_989 : i32 to index
        %get3A_994 = tpu.vector_load %arg17[%get3A_993] {strides = array<i32>} : memref<4000xf32, #tpu.memory_space<vmem>>, vector<16xf32>,
        %get3A_995 = vector.shape_cast %get3A_994 : vector<16xf32> to vector<16xf32>
        %sub3A_996 = arith.subf %get3A_992, %get3A_995 : vector<16xf32>
        %get3A_997 = arith.index_cast %mul3A_989 : i32 to index
        %get3A_998 = tpu.vector_load %arg15[%get3A_997] {strides = array<i32>} : memref<4000xf32, #tpu.memory_space<vmem>>, vector<16xf32>,
        %get3A_999 = vector.shape_cast %get3A_998 : vector<16xf32> to vector<16xf32>
        %get3A_1000 = arith.index_cast %mul3A_989 : i32 to index
        %get3A_1001 = tpu.vector_load %arg18[%get3A_1000] {strides = array<i32>} : memref<4000xf32, #tpu.memory_space<vmem>>, vector<16xf32>,
        %get3A_1002 = vector.shape_cast %get3A_1001 : vector<16xf32> to vector<16xf32>
        %sub3A_1003 = arith.subf %get3A_999, %get3A_1002 : vector<16xf32>
        %get3A_1004 = arith.index_cast %mul3A_989 : i32 to index
        %get3A_1005 = tpu.vector_load %arg16[%get3A_1004] {strides = array<i32>} : memref<4000xf32, #tpu.memory_space<vmem>>, vector<16xf32>,
        %get3A_1006 = vector.shape_cast %get3A_1005 : vector<16xf32> to vector<16xf32>
        %get3A_1007 = arith.index_cast %mul3A_989 : i32 to index
        %get3A_1008 = tpu.vector_load %arg19[%get3A_1007] {strides = array<i32>} : memref<4000xf32, #tpu.memory_space<vmem>>, vector<16xf32>,
        %get3A_1009 = vector.shape_cast %get3A_1008 : vector<16xf32> to vector<16xf32>
        %sub3A_1010 = arith.subf %get3A_1006, %get3A_1009 : vector<16xf32>
        %get3A_1011 = arith.index_cast %mul3A_989 : i32 to index
        %get3A_1012 = tpu.vector_load %arg12[%get3A_1011] {strides = array<i32>} : memref<4000xi32, #tpu.memory_space<vmem>>, vector<16xi32>,
        %get3A_1013 = vector.shape_cast %get3A_1012 : vector<16xi32> to vector<16xi32>
        %mul3A_1014 = arith.mulf %sub3A_996, %sub3A_996 : vector<16xf32>
        %mul3A_1015 = arith.mulf %sub3A_1003, %sub3A_1003 : vector<16xf32>
        %add3A_1016 = arith.addf %mul3A_1014, %mul3A_1015 : vector<16xf32>
        %mul3A_1017 = arith.mulf %sub3A_1010, %sub3A_1010 : vector<16xf32>
        %add3A_1018 = arith.addf %add3A_1016, %mul3A_1017 : vector<16xf32>
        %max3A_1019 = arith.constant 1.000000e-30 : f32
        %max3A_1020 = vector.broadcast %max3A_1019 : f32 to vector<16xf32>
        %max3A_1021 = arith.maximumf %add3A_1018, %max3A_1020 : vector<16xf32>
        %bitcast_convert_type3A_1022 = tpu.bitcast %max3A_1021 : vector<16xf32> -> vector<16xi32>
        %shift_right_arithmetic3A_1023 = arith.constant 1 : i32
        %shift_right_arithmetic3A_1024 = vector.broadcast %shift_right_arithmetic3A_1023 : i32 to vector<16xi32>
        %shift_right_arithmetic3A_1025 = arith.shrsi %bitcast_convert_type3A_1022, %shift_right_arithmetic3A_1024 : vector<16xi32>
        %sub3A_1026 = arith.constant 1597463007 : i32
        %sub3A_1027 = vector.broadcast %sub3A_1026 : i32 to vector<16xi32>
        %sub3A_1028 = arith.subi %sub3A_1027, %shift_right_arithmetic3A_1025 : vector<16xi32>
        %bitcast_convert_type3A_1029 = tpu.bitcast %sub3A_1028 : vector<16xi32> -> vector<16xf32>
        %mul3A_1030 = arith.constant 5.000000e-01 : f32
        %mul3A_1031 = vector.broadcast %mul3A_1030 : f32 to vector<16xf32>
        %mul3A_1032 = arith.mulf %mul3A_1031, %max3A_1021 : vector<16xf32>
        %mul3A_1033 = arith.mulf %mul3A_1032, %bitcast_convert_type3A_1029 : vector<16xf32>
        %mul3A_1034 = arith.mulf %mul3A_1033, %bitcast_convert_type3A_1029 : vector<16xf32>
        %sub3A_1035 = arith.constant 1.500000e+00 : f32
        %sub3A_1036 = vector.broadcast %sub3A_1035 : f32 to vector<16xf32>
        %sub3A_1037 = arith.subf %sub3A_1036, %mul3A_1034 : vector<16xf32>
        %mul3A_1038 = arith.mulf %bitcast_convert_type3A_1029, %sub3A_1037 : vector<16xf32>
        %mul3A_1039 = arith.mulf %mul3A_1032, %mul3A_1038 : vector<16xf32>
        %mul3A_1040 = arith.mulf %mul3A_1039, %mul3A_1038 : vector<16xf32>
        %sub3A_1041 = arith.constant 1.500000e+00 : f32
        %sub3A_1042 = vector.broadcast %sub3A_1041 : f32 to vector<16xf32>
        %sub3A_1043 = arith.subf %sub3A_1042, %mul3A_1040 : vector<16xf32>
        %mul3A_1044 = arith.mulf %mul3A_1038, %sub3A_1043 : vector<16xf32>
        %mul3A_1045 = arith.mulf %max3A_1021, %mul3A_1044 : vector<16xf32>
        %sub3A_1046 = arith.constant 1.900000e+00 : f32
        %sub3A_1047 = vector.broadcast %sub3A_1046 : f32 to vector<16xf32>
        %sub3A_1048 = arith.subf %mul3A_1045, %sub3A_1047 : vector<16xf32>
        %sub3A_1049 = arith.constant 1.200000e+00 : f32
        %sub3A_1050 = vector.broadcast %sub3A_1049 : f32 to vector<16xf32>
        %sub3A_1051 = arith.subf %sub3A_1050, %mul3A_1045 : vector<16xf32>
        %max3A_1052 = arith.constant 0.000000e+00 : f32
        %max3A_1053 = vector.broadcast %max3A_1052 : f32 to vector<16xf32>
        %max3A_1054 = arith.maximumf %sub3A_1051, %max3A_1053 : vector<16xf32>
        %max3A_1055 = arith.maximumf %sub3A_1048, %max3A_1054 : vector<16xf32>
        %eq3A_1056 = arith.constant 0 : i32
        %eq3A_1057 = vector.broadcast %eq3A_1056 : i32 to vector<16xi32>
        %eq3A_1058 = arith.cmpi eq, %get3A_1013, %eq3A_1057 : vector<16xi32>
        %jit3A_1059 = arith.constant 0.000000e+00 : f32
        %broadcast_in_dim3A_1060 = vector.broadcast %jit3A_1059 : f32 to vector<16xf32>
        %select_n3A_1061 = arith.select %eq3A_1058, %broadcast_in_dim3A_1060, %max3A_1055 : vector<16xi1>, vector<16xf32>
        %add3A_1062 = arith.addf %add3A_985, %select_n3A_1061 : vector<16xf32>
        %scan3A_1063 = arith.constant 3 : i32
        %scan3A_1064 = arith.addi %scan3A_832, %scan3A_1063 : i32
        %mul3A_1065 = arith.constant 16 : i32
        %mul3A_1066 = arith.muli %scan3A_1064, %mul3A_1065 : i32
        %get3A_1067 = arith.index_cast %mul3A_1066 : i32 to index
        %get3A_1068 = tpu.vector_load %arg14[%get3A_1067] {strides = array<i32>} : memref<4000xf32, #tpu.memory_space<vmem>>, vector<16xf32>,
        %get3A_1069 = vector.shape_cast %get3A_1068 : vector<16xf32> to vector<16xf32>
        %get3A_1070 = arith.index_cast %mul3A_1066 : i32 to index
        %get3A_1071 = tpu.vector_load %arg17[%get3A_1070] {strides = array<i32>} : memref<4000xf32, #tpu.memory_space<vmem>>, vector<16xf32>,
        %get3A_1072 = vector.shape_cast %get3A_1071 : vector<16xf32> to vector<16xf32>
        %sub3A_1073 = arith.subf %get3A_1069, %get3A_1072 : vector<16xf32>
        %get3A_1074 = arith.index_cast %mul3A_1066 : i32 to index
        %get3A_1075 = tpu.vector_load %arg15[%get3A_1074] {strides = array<i32>} : memref<4000xf32, #tpu.memory_space<vmem>>, vector<16xf32>,
        %get3A_1076 = vector.shape_cast %get3A_1075 : vector<16xf32> to vector<16xf32>
        %get3A_1077 = arith.index_cast %mul3A_1066 : i32 to index
        %get3A_1078 = tpu.vector_load %arg18[%get3A_1077] {strides = array<i32>} : memref<4000xf32, #tpu.memory_space<vmem>>, vector<16xf32>,
        %get3A_1079 = vector.shape_cast %get3A_1078 : vector<16xf32> to vector<16xf32>
        %sub3A_1080 = arith.subf %get3A_1076, %get3A_1079 : vector<16xf32>
        %get3A_1081 = arith.index_cast %mul3A_1066 : i32 to index
        %get3A_1082 = tpu.vector_load %arg16[%get3A_1081] {strides = array<i32>} : memref<4000xf32, #tpu.memory_space<vmem>>, vector<16xf32>,
        %get3A_1083 = vector.shape_cast %get3A_1082 : vector<16xf32> to vector<16xf32>
        %get3A_1084 = arith.index_cast %mul3A_1066 : i32 to index
        %get3A_1085 = tpu.vector_load %arg19[%get3A_1084] {strides = array<i32>} : memref<4000xf32, #tpu.memory_space<vmem>>, vector<16xf32>,
        %get3A_1086 = vector.shape_cast %get3A_1085 : vector<16xf32> to vector<16xf32>
        %sub3A_1087 = arith.subf %get3A_1083, %get3A_1086 : vector<16xf32>
        %get3A_1088 = arith.index_cast %mul3A_1066 : i32 to index
        %get3A_1089 = tpu.vector_load %arg12[%get3A_1088] {strides = array<i32>} : memref<4000xi32, #tpu.memory_space<vmem>>, vector<16xi32>,
        %get3A_1090 = vector.shape_cast %get3A_1089 : vector<16xi32> to vector<16xi32>
        %mul3A_1091 = arith.mulf %sub3A_1073, %sub3A_1073 : vector<16xf32>
        %mul3A_1092 = arith.mulf %sub3A_1080, %sub3A_1080 : vector<16xf32>
        %add3A_1093 = arith.addf %mul3A_1091, %mul3A_1092 : vector<16xf32>
        %mul3A_1094 = arith.mulf %sub3A_1087, %sub3A_1087 : vector<16xf32>
        %add3A_1095 = arith.addf %add3A_1093, %mul3A_1094 : vector<16xf32>
        %max3A_1096 = arith.constant 1.000000e-30 : f32
        %max3A_1097 = vector.broadcast %max3A_1096 : f32 to vector<16xf32>
        %max3A_1098 = arith.maximumf %add3A_1095, %max3A_1097 : vector<16xf32>
        %bitcast_convert_type3A_1099 = tpu.bitcast %max3A_1098 : vector<16xf32> -> vector<16xi32>
        %shift_right_arithmetic3A_1100 = arith.constant 1 : i32
        %shift_right_arithmetic3A_1101 = vector.broadcast %shift_right_arithmetic3A_1100 : i32 to vector<16xi32>
        %shift_right_arithmetic3A_1102 = arith.shrsi %bitcast_convert_type3A_1099, %shift_right_arithmetic3A_1101 : vector<16xi32>
        %sub3A_1103 = arith.constant 1597463007 : i32
        %sub3A_1104 = vector.broadcast %sub3A_1103 : i32 to vector<16xi32>
        %sub3A_1105 = arith.subi %sub3A_1104, %shift_right_arithmetic3A_1102 : vector<16xi32>
        %bitcast_convert_type3A_1106 = tpu.bitcast %sub3A_1105 : vector<16xi32> -> vector<16xf32>
        %mul3A_1107 = arith.constant 5.000000e-01 : f32
        %mul3A_1108 = vector.broadcast %mul3A_1107 : f32 to vector<16xf32>
        %mul3A_1109 = arith.mulf %mul3A_1108, %max3A_1098 : vector<16xf32>
        %mul3A_1110 = arith.mulf %mul3A_1109, %bitcast_convert_type3A_1106 : vector<16xf32>
        %mul3A_1111 = arith.mulf %mul3A_1110, %bitcast_convert_type3A_1106 : vector<16xf32>
        %sub3A_1112 = arith.constant 1.500000e+00 : f32
        %sub3A_1113 = vector.broadcast %sub3A_1112 : f32 to vector<16xf32>
        %sub3A_1114 = arith.subf %sub3A_1113, %mul3A_1111 : vector<16xf32>
        %mul3A_1115 = arith.mulf %bitcast_convert_type3A_1106, %sub3A_1114 : vector<16xf32>
        %mul3A_1116 = arith.mulf %mul3A_1109, %mul3A_1115 : vector<16xf32>
        %mul3A_1117 = arith.mulf %mul3A_1116, %mul3A_1115 : vector<16xf32>
        %sub3A_1118 = arith.constant 1.500000e+00 : f32
        %sub3A_1119 = vector.broadcast %sub3A_1118 : f32 to vector<16xf32>
        %sub3A_1120 = arith.subf %sub3A_1119, %mul3A_1117 : vector<16xf32>
        %mul3A_1121 = arith.mulf %mul3A_1115, %sub3A_1120 : vector<16xf32>
        %mul3A_1122 = arith.mulf %max3A_1098, %mul3A_1121 : vector<16xf32>
        %sub3A_1123 = arith.constant 1.900000e+00 : f32
        %sub3A_1124 = vector.broadcast %sub3A_1123 : f32 to vector<16xf32>
        %sub3A_1125 = arith.subf %mul3A_1122, %sub3A_1124 : vector<16xf32>
        %sub3A_1126 = arith.constant 1.200000e+00 : f32
        %sub3A_1127 = vector.broadcast %sub3A_1126 : f32 to vector<16xf32>
        %sub3A_1128 = arith.subf %sub3A_1127, %mul3A_1122 : vector<16xf32>
        %max3A_1129 = arith.constant 0.000000e+00 : f32
        %max3A_1130 = vector.broadcast %max3A_1129 : f32 to vector<16xf32>
        %max3A_1131 = arith.maximumf %sub3A_1128, %max3A_1130 : vector<16xf32>
        %max3A_1132 = arith.maximumf %sub3A_1125, %max3A_1131 : vector<16xf32>
        %eq3A_1133 = arith.constant 0 : i32
        %eq3A_1134 = vector.broadcast %eq3A_1133 : i32 to vector<16xi32>
        %eq3A_1135 = arith.cmpi eq, %get3A_1090, %eq3A_1134 : vector<16xi32>
        %jit3A_1136 = arith.constant 0.000000e+00 : f32
        %broadcast_in_dim3A_1137 = vector.broadcast %jit3A_1136 : f32 to vector<16xf32>
        %select_n3A_1138 = arith.select %eq3A_1135, %broadcast_in_dim3A_1137, %max3A_1132 : vector<16xi1>, vector<16xf32>
        %add3A_1139 = arith.addf %add3A_1062, %select_n3A_1138 : vector<16xf32>
        scf.yield %add3A_1139 : vector<16xf32>
      }
      %scan3A_451 = arith.constant 248 : i32
      %scan3A_452 = arith.addi %scan3A_446, %scan3A_451 : i32
      %mul3A_453 = arith.constant 16 : i32
      %mul3A_454 = arith.muli %scan3A_452, %mul3A_453 : i32
      %get3A_455 = arith.index_cast %mul3A_454 : i32 to index
      %get3A_456 = tpu.vector_load %arg14[%get3A_455] {strides = array<i32>} : memref<4000xf32, #tpu.memory_space<vmem>>, vector<16xf32>,
      %get3A_457 = vector.shape_cast %get3A_456 : vector<16xf32> to vector<16xf32>
      %get3A_458 = arith.index_cast %mul3A_454 : i32 to index
      %get3A_459 = tpu.vector_load %arg17[%get3A_458] {strides = array<i32>} : memref<4000xf32, #tpu.memory_space<vmem>>, vector<16xf32>,
      %get3A_460 = vector.shape_cast %get3A_459 : vector<16xf32> to vector<16xf32>
      %sub3A_461 = arith.subf %get3A_457, %get3A_460 : vector<16xf32>
      %get3A_462 = arith.index_cast %mul3A_454 : i32 to index
      %get3A_463 = tpu.vector_load %arg15[%get3A_462] {strides = array<i32>} : memref<4000xf32, #tpu.memory_space<vmem>>, vector<16xf32>,
      %get3A_464 = vector.shape_cast %get3A_463 : vector<16xf32> to vector<16xf32>
      %get3A_465 = arith.index_cast %mul3A_454 : i32 to index
      %get3A_466 = tpu.vector_load %arg18[%get3A_465] {strides = array<i32>} : memref<4000xf32, #tpu.memory_space<vmem>>, vector<16xf32>,
      %get3A_467 = vector.shape_cast %get3A_466 : vector<16xf32> to vector<16xf32>
      %sub3A_468 = arith.subf %get3A_464, %get3A_467 : vector<16xf32>
      %get3A_469 = arith.index_cast %mul3A_454 : i32 to index
      %get3A_470 = tpu.vector_load %arg16[%get3A_469] {strides = array<i32>} : memref<4000xf32, #tpu.memory_space<vmem>>, vector<16xf32>,
      %get3A_471 = vector.shape_cast %get3A_470 : vector<16xf32> to vector<16xf32>
      %get3A_472 = arith.index_cast %mul3A_454 : i32 to index
      %get3A_473 = tpu.vector_load %arg19[%get3A_472] {strides = array<i32>} : memref<4000xf32, #tpu.memory_space<vmem>>, vector<16xf32>,
      %get3A_474 = vector.shape_cast %get3A_473 : vector<16xf32> to vector<16xf32>
      %sub3A_475 = arith.subf %get3A_471, %get3A_474 : vector<16xf32>
      %get3A_476 = arith.index_cast %mul3A_454 : i32 to index
      %get3A_477 = tpu.vector_load %arg12[%get3A_476] {strides = array<i32>} : memref<4000xi32, #tpu.memory_space<vmem>>, vector<16xi32>,
      %get3A_478 = vector.shape_cast %get3A_477 : vector<16xi32> to vector<16xi32>
      %mul3A_479 = arith.mulf %sub3A_461, %sub3A_461 : vector<16xf32>
      %mul3A_480 = arith.mulf %sub3A_468, %sub3A_468 : vector<16xf32>
      %add3A_481 = arith.addf %mul3A_479, %mul3A_480 : vector<16xf32>
      %mul3A_482 = arith.mulf %sub3A_475, %sub3A_475 : vector<16xf32>
      %add3A_483 = arith.addf %add3A_481, %mul3A_482 : vector<16xf32>
      %max3A_484 = arith.constant 1.000000e-30 : f32
      %max3A_485 = vector.broadcast %max3A_484 : f32 to vector<16xf32>
      %max3A_486 = arith.maximumf %add3A_483, %max3A_485 : vector<16xf32>
      %bitcast_convert_type3A_487 = tpu.bitcast %max3A_486 : vector<16xf32> -> vector<16xi32>
      %shift_right_arithmetic3A_488 = arith.constant 1 : i32
      %shift_right_arithmetic3A_489 = vector.broadcast %shift_right_arithmetic3A_488 : i32 to vector<16xi32>
      %shift_right_arithmetic3A_490 = arith.shrsi %bitcast_convert_type3A_487, %shift_right_arithmetic3A_489 : vector<16xi32>
      %sub3A_491 = arith.constant 1597463007 : i32
      %sub3A_492 = vector.broadcast %sub3A_491 : i32 to vector<16xi32>
      %sub3A_493 = arith.subi %sub3A_492, %shift_right_arithmetic3A_490 : vector<16xi32>
      %bitcast_convert_type3A_494 = tpu.bitcast %sub3A_493 : vector<16xi32> -> vector<16xf32>
      %mul3A_495 = arith.constant 5.000000e-01 : f32
      %mul3A_496 = vector.broadcast %mul3A_495 : f32 to vector<16xf32>
      %mul3A_497 = arith.mulf %mul3A_496, %max3A_486 : vector<16xf32>
      %mul3A_498 = arith.mulf %mul3A_497, %bitcast_convert_type3A_494 : vector<16xf32>
      %mul3A_499 = arith.mulf %mul3A_498, %bitcast_convert_type3A_494 : vector<16xf32>
      %sub3A_500 = arith.constant 1.500000e+00 : f32
      %sub3A_501 = vector.broadcast %sub3A_500 : f32 to vector<16xf32>
      %sub3A_502 = arith.subf %sub3A_501, %mul3A_499 : vector<16xf32>
      %mul3A_503 = arith.mulf %bitcast_convert_type3A_494, %sub3A_502 : vector<16xf32>
      %mul3A_504 = arith.mulf %mul3A_497, %mul3A_503 : vector<16xf32>
      %mul3A_505 = arith.mulf %mul3A_504, %mul3A_503 : vector<16xf32>
      %sub3A_506 = arith.constant 1.500000e+00 : f32
      %sub3A_507 = vector.broadcast %sub3A_506 : f32 to vector<16xf32>
      %sub3A_508 = arith.subf %sub3A_507, %mul3A_505 : vector<16xf32>
      %mul3A_509 = arith.mulf %mul3A_503, %sub3A_508 : vector<16xf32>
      %mul3A_510 = arith.mulf %max3A_486, %mul3A_509 : vector<16xf32>
      %sub3A_511 = arith.constant 1.900000e+00 : f32
      %sub3A_512 = vector.broadcast %sub3A_511 : f32 to vector<16xf32>
      %sub3A_513 = arith.subf %mul3A_510, %sub3A_512 : vector<16xf32>
      %sub3A_514 = arith.constant 1.200000e+00 : f32
      %sub3A_515 = vector.broadcast %sub3A_514 : f32 to vector<16xf32>
      %sub3A_516 = arith.subf %sub3A_515, %mul3A_510 : vector<16xf32>
      %max3A_517 = arith.constant 0.000000e+00 : f32
      %max3A_518 = vector.broadcast %max3A_517 : f32 to vector<16xf32>
      %max3A_519 = arith.maximumf %sub3A_516, %max3A_518 : vector<16xf32>
      %max3A_520 = arith.maximumf %sub3A_513, %max3A_519 : vector<16xf32>
      %eq3A_521 = arith.constant 0 : i32
      %eq3A_522 = vector.broadcast %eq3A_521 : i32 to vector<16xi32>
      %eq3A_523 = arith.cmpi eq, %get3A_478, %eq3A_522 : vector<16xi32>
      %jit3A_524 = arith.constant 0.000000e+00 : f32
      %broadcast_in_dim3A_525 = vector.broadcast %jit3A_524 : f32 to vector<16xf32>
      %select_n3A_526 = arith.select %eq3A_523, %broadcast_in_dim3A_525, %max3A_520 : vector<16xi1>, vector<16xf32>
      %add3A_527 = arith.addf %scan3A_450, %select_n3A_526 : vector<16xf32>
      %scan3A_528 = arith.constant 249 : i32
      %scan3A_529 = arith.addi %scan3A_446, %scan3A_528 : i32
      %mul3A_530 = arith.constant 16 : i32
      %mul3A_531 = arith.muli %scan3A_529, %mul3A_530 : i32
      %get3A_532 = arith.index_cast %mul3A_531 : i32 to index
      %get3A_533 = tpu.vector_load %arg14[%get3A_532] {strides = array<i32>} : memref<4000xf32, #tpu.memory_space<vmem>>, vector<16xf32>,
      %get3A_534 = vector.shape_cast %get3A_533 : vector<16xf32> to vector<16xf32>
      %get3A_535 = arith.index_cast %mul3A_531 : i32 to index
      %get3A_536 = tpu.vector_load %arg17[%get3A_535] {strides = array<i32>} : memref<4000xf32, #tpu.memory_space<vmem>>, vector<16xf32>,
      %get3A_537 = vector.shape_cast %get3A_536 : vector<16xf32> to vector<16xf32>
      %sub3A_538 = arith.subf %get3A_534, %get3A_537 : vector<16xf32>
      %get3A_539 = arith.index_cast %mul3A_531 : i32 to index
      %get3A_540 = tpu.vector_load %arg15[%get3A_539] {strides = array<i32>} : memref<4000xf32, #tpu.memory_space<vmem>>, vector<16xf32>,
      %get3A_541 = vector.shape_cast %get3A_540 : vector<16xf32> to vector<16xf32>
      %get3A_542 = arith.index_cast %mul3A_531 : i32 to index
      %get3A_543 = tpu.vector_load %arg18[%get3A_542] {strides = array<i32>} : memref<4000xf32, #tpu.memory_space<vmem>>, vector<16xf32>,
      %get3A_544 = vector.shape_cast %get3A_543 : vector<16xf32> to vector<16xf32>
      %sub3A_545 = arith.subf %get3A_541, %get3A_544 : vector<16xf32>
      %get3A_546 = arith.index_cast %mul3A_531 : i32 to index
      %get3A_547 = tpu.vector_load %arg16[%get3A_546] {strides = array<i32>} : memref<4000xf32, #tpu.memory_space<vmem>>, vector<16xf32>,
      %get3A_548 = vector.shape_cast %get3A_547 : vector<16xf32> to vector<16xf32>
      %get3A_549 = arith.index_cast %mul3A_531 : i32 to index
      %get3A_550 = tpu.vector_load %arg19[%get3A_549] {strides = array<i32>} : memref<4000xf32, #tpu.memory_space<vmem>>, vector<16xf32>,
      %get3A_551 = vector.shape_cast %get3A_550 : vector<16xf32> to vector<16xf32>
      %sub3A_552 = arith.subf %get3A_548, %get3A_551 : vector<16xf32>
      %get3A_553 = arith.index_cast %mul3A_531 : i32 to index
      %get3A_554 = tpu.vector_load %arg12[%get3A_553] {strides = array<i32>} : memref<4000xi32, #tpu.memory_space<vmem>>, vector<16xi32>,
      %get3A_555 = vector.shape_cast %get3A_554 : vector<16xi32> to vector<16xi32>
      %mul3A_556 = arith.mulf %sub3A_538, %sub3A_538 : vector<16xf32>
      %mul3A_557 = arith.mulf %sub3A_545, %sub3A_545 : vector<16xf32>
      %add3A_558 = arith.addf %mul3A_556, %mul3A_557 : vector<16xf32>
      %mul3A_559 = arith.mulf %sub3A_552, %sub3A_552 : vector<16xf32>
      %add3A_560 = arith.addf %add3A_558, %mul3A_559 : vector<16xf32>
      %max3A_561 = arith.constant 1.000000e-30 : f32
      %max3A_562 = vector.broadcast %max3A_561 : f32 to vector<16xf32>
      %max3A_563 = arith.maximumf %add3A_560, %max3A_562 : vector<16xf32>
      %bitcast_convert_type3A_564 = tpu.bitcast %max3A_563 : vector<16xf32> -> vector<16xi32>
      %shift_right_arithmetic3A_565 = arith.constant 1 : i32
      %shift_right_arithmetic3A_566 = vector.broadcast %shift_right_arithmetic3A_565 : i32 to vector<16xi32>
      %shift_right_arithmetic3A_567 = arith.shrsi %bitcast_convert_type3A_564, %shift_right_arithmetic3A_566 : vector<16xi32>
      %sub3A_568 = arith.constant 1597463007 : i32
      %sub3A_569 = vector.broadcast %sub3A_568 : i32 to vector<16xi32>
      %sub3A_570 = arith.subi %sub3A_569, %shift_right_arithmetic3A_567 : vector<16xi32>
      %bitcast_convert_type3A_571 = tpu.bitcast %sub3A_570 : vector<16xi32> -> vector<16xf32>
      %mul3A_572 = arith.constant 5.000000e-01 : f32
      %mul3A_573 = vector.broadcast %mul3A_572 : f32 to vector<16xf32>
      %mul3A_574 = arith.mulf %mul3A_573, %max3A_563 : vector<16xf32>
      %mul3A_575 = arith.mulf %mul3A_574, %bitcast_convert_type3A_571 : vector<16xf32>
      %mul3A_576 = arith.mulf %mul3A_575, %bitcast_convert_type3A_571 : vector<16xf32>
      %sub3A_577 = arith.constant 1.500000e+00 : f32
      %sub3A_578 = vector.broadcast %sub3A_577 : f32 to vector<16xf32>
      %sub3A_579 = arith.subf %sub3A_578, %mul3A_576 : vector<16xf32>
      %mul3A_580 = arith.mulf %bitcast_convert_type3A_571, %sub3A_579 : vector<16xf32>
      %mul3A_581 = arith.mulf %mul3A_574, %mul3A_580 : vector<16xf32>
      %mul3A_582 = arith.mulf %mul3A_581, %mul3A_580 : vector<16xf32>
      %sub3A_583 = arith.constant 1.500000e+00 : f32
      %sub3A_584 = vector.broadcast %sub3A_583 : f32 to vector<16xf32>
      %sub3A_585 = arith.subf %sub3A_584, %mul3A_582 : vector<16xf32>
      %mul3A_586 = arith.mulf %mul3A_580, %sub3A_585 : vector<16xf32>
      %mul3A_587 = arith.mulf %max3A_563, %mul3A_586 : vector<16xf32>
      %sub3A_588 = arith.constant 1.900000e+00 : f32
      %sub3A_589 = vector.broadcast %sub3A_588 : f32 to vector<16xf32>
      %sub3A_590 = arith.subf %mul3A_587, %sub3A_589 : vector<16xf32>
      %sub3A_591 = arith.constant 1.200000e+00 : f32
      %sub3A_592 = vector.broadcast %sub3A_591 : f32 to vector<16xf32>
      %sub3A_593 = arith.subf %sub3A_592, %mul3A_587 : vector<16xf32>
      %max3A_594 = arith.constant 0.000000e+00 : f32
      %max3A_595 = vector.broadcast %max3A_594 : f32 to vector<16xf32>
      %max3A_596 = arith.maximumf %sub3A_593, %max3A_595 : vector<16xf32>
      %max3A_597 = arith.maximumf %sub3A_590, %max3A_596 : vector<16xf32>
      %eq3A_598 = arith.constant 0 : i32
      %eq3A_599 = vector.broadcast %eq3A_598 : i32 to vector<16xi32>
      %eq3A_600 = arith.cmpi eq, %get3A_555, %eq3A_599 : vector<16xi32>
      %jit3A_601 = arith.constant 0.000000e+00 : f32
      %broadcast_in_dim3A_602 = vector.broadcast %jit3A_601 : f32 to vector<16xf32>
      %select_n3A_603 = arith.select %eq3A_600, %broadcast_in_dim3A_602, %max3A_597 : vector<16xi1>, vector<16xf32>
      %add3A_604 = arith.addf %add3A_527, %select_n3A_603 : vector<16xf32>
      %scan3A_605 = arith.constant 250 : i32
      %dma_wait3A_606 = tpu.memref_slice %arg6[%add3A_431] : memref<6400000xi32, #tpu.memory_space<hbm>> -> memref<4000xi32, #tpu.memory_space<hbm>>
      %dma_wait3A_607 = tpu.memref_slice %arg6[%add3A_431] : memref<6400000xi32, #tpu.memory_space<hbm>> -> memref<4000xi32, #tpu.memory_space<hbm>>
      tpu.wait_dma2 semaphore(%arg30 : memref<!tpu.dma_semaphore, #tpu.memory_space<semaphore_mem>>) src(%dma_wait3A_607 : memref<4000xi32, #tpu.memory_space<hbm>>) dst(%arg13 : memref<4000xi32, #tpu.memory_space<vmem>>)
      %dma_wait3A_608 = arith.constant 0 : i32
      %dma_wait3A_609 = tpu.memref_slice %arg27[%dma_wait3A_608] : memref<100000xf32, #tpu.memory_space<vmem_shared>> -> memref<100000xf32, #tpu.memory_space<vmem_shared>>
      tpu.wait_indirect_dma semaphore(%arg31 : memref<!tpu.dma_semaphore, #tpu.memory_space<semaphore_mem>>) src(%dma_wait3A_609 : memref<100000xf32, #tpu.memory_space<vmem_shared>>) dst(%arg20 : memref<4000xf32, #tpu.memory_space<vmem>>)
      %dma_wait3A_610 = arith.constant 0 : i32
      %dma_wait3A_611 = tpu.memref_slice %arg28[%dma_wait3A_610] : memref<100000xf32, #tpu.memory_space<vmem_shared>> -> memref<100000xf32, #tpu.memory_space<vmem_shared>>
      tpu.wait_indirect_dma semaphore(%arg31 : memref<!tpu.dma_semaphore, #tpu.memory_space<semaphore_mem>>) src(%dma_wait3A_611 : memref<100000xf32, #tpu.memory_space<vmem_shared>>) dst(%arg21 : memref<4000xf32, #tpu.memory_space<vmem>>)
      %dma_wait3A_612 = arith.constant 0 : i32
      %dma_wait3A_613 = tpu.memref_slice %arg4[%dma_wait3A_612] : memref<100000xf32, #tpu.memory_space<hbm>> -> memref<100000xf32, #tpu.memory_space<hbm>>
      tpu.wait_indirect_dma semaphore(%arg32 : memref<!tpu.dma_semaphore, #tpu.memory_space<semaphore_mem>>) src(%dma_wait3A_613 : memref<100000xf32, #tpu.memory_space<hbm>>) dst(%arg22 : memref<4000xf32, #tpu.memory_space<vmem>>)
      %dma_wait3A_614 = arith.constant 0 : i32
      %dma_wait3A_615 = tpu.memref_slice %arg27[%dma_wait3A_614] : memref<100000xf32, #tpu.memory_space<vmem_shared>> -> memref<100000xf32, #tpu.memory_space<vmem_shared>>
      tpu.wait_indirect_dma semaphore(%arg31 : memref<!tpu.dma_semaphore, #tpu.memory_space<semaphore_mem>>) src(%dma_wait3A_615 : memref<100000xf32, #tpu.memory_space<vmem_shared>>) dst(%arg23 : memref<4000xf32, #tpu.memory_space<vmem>>)
      %dma_wait3A_616 = arith.constant 0 : i32
      %dma_wait3A_617 = tpu.memref_slice %arg28[%dma_wait3A_616] : memref<100000xf32, #tpu.memory_space<vmem_shared>> -> memref<100000xf32, #tpu.memory_space<vmem_shared>>
      tpu.wait_indirect_dma semaphore(%arg31 : memref<!tpu.dma_semaphore, #tpu.memory_space<semaphore_mem>>) src(%dma_wait3A_617 : memref<100000xf32, #tpu.memory_space<vmem_shared>>) dst(%arg24 : memref<4000xf32, #tpu.memory_space<vmem>>)
      %dma_wait3A_618 = arith.constant 0 : i32
      %dma_wait3A_619 = tpu.memref_slice %arg29[%dma_wait3A_618] : memref<100000xf32, #tpu.memory_space<vmem_shared>> -> memref<100000xf32, #tpu.memory_space<vmem_shared>>
      tpu.wait_indirect_dma semaphore(%arg31 : memref<!tpu.dma_semaphore, #tpu.memory_space<semaphore_mem>>) src(%dma_wait3A_619 : memref<100000xf32, #tpu.memory_space<vmem_shared>>) dst(%arg25 : memref<4000xf32, #tpu.memory_space<vmem>>)
      %dma_wait3A_620 = tpu.memref_slice %arg5[%add3A_420] : memref<12800000xi32, #tpu.memory_space<hbm>> -> memref<4000xi32, #tpu.memory_space<hbm>>
      %dma_wait3A_621 = tpu.memref_slice %arg5[%add3A_420] : memref<12800000xi32, #tpu.memory_space<hbm>> -> memref<4000xi32, #tpu.memory_space<hbm>>
      tpu.wait_dma2 semaphore(%arg30 : memref<!tpu.dma_semaphore, #tpu.memory_space<semaphore_mem>>) src(%dma_wait3A_621 : memref<4000xi32, #tpu.memory_space<hbm>>) dst(%arg8 : memref<4000xi32, #tpu.memory_space<vmem>>)
      %dma_wait3A_622 = tpu.memref_slice %arg5[%add3A_422] : memref<12800000xi32, #tpu.memory_space<hbm>> -> memref<4000xi32, #tpu.memory_space<hbm>>
      %dma_wait3A_623 = tpu.memref_slice %arg5[%add3A_422] : memref<12800000xi32, #tpu.memory_space<hbm>> -> memref<4000xi32, #tpu.memory_space<hbm>>
      tpu.wait_dma2 semaphore(%arg30 : memref<!tpu.dma_semaphore, #tpu.memory_space<semaphore_mem>>) src(%dma_wait3A_623 : memref<4000xi32, #tpu.memory_space<hbm>>) dst(%arg10 : memref<4000xi32, #tpu.memory_space<vmem>>)
      %add3A_624 = arith.constant 3 : i32
      %add3A_625 = arith.addi %mul3A_415, %add3A_624 : i32
      %mul3A_626 = arith.constant 4000 : i32
      %mul3A_627 = arith.muli %add3A_625, %mul3A_626 : i32
      %add3A_628 = arith.addi %mul3A_2, %mul3A_627 : i32
      %add3A_629 = arith.constant 6400000 : i32
      %add3A_630 = arith.addi %add3A_629, %add3A_628 : i32
      %dma_start3A_631 = tpu.memref_slice %arg5[%add3A_628] : memref<12800000xi32, #tpu.memory_space<hbm>> -> memref<4000xi32, #tpu.memory_space<hbm>>
      %dma_start3A_632 = tpu.memref_slice %arg5[%add3A_628] : memref<12800000xi32, #tpu.memory_space<hbm>> -> memref<4000xi32, #tpu.memory_space<hbm>>
      tpu.enqueue_dma source(%dma_start3A_632 : memref<4000xi32, #tpu.memory_space<hbm>>) target(%arg9 : memref<4000xi32, #tpu.memory_space<vmem>>) target_semaphore(%arg30 : memref<!tpu.dma_semaphore, #tpu.memory_space<semaphore_mem>>)
      %dma_start3A_633 = tpu.memref_slice %arg5[%add3A_630] : memref<12800000xi32, #tpu.memory_space<hbm>> -> memref<4000xi32, #tpu.memory_space<hbm>>
      %dma_start3A_634 = tpu.memref_slice %arg5[%add3A_630] : memref<12800000xi32, #tpu.memory_space<hbm>> -> memref<4000xi32, #tpu.memory_space<hbm>>
      tpu.enqueue_dma source(%dma_start3A_634 : memref<4000xi32, #tpu.memory_space<hbm>>) target(%arg11 : memref<4000xi32, #tpu.memory_space<vmem>>) target_semaphore(%arg30 : memref<!tpu.dma_semaphore, #tpu.memory_space<semaphore_mem>>)
      %add3A_635 = arith.constant 2 : i32
      %add3A_636 = arith.addi %mul3A_415, %add3A_635 : i32
      %mul3A_637 = arith.constant 4000 : i32
      %mul3A_638 = arith.muli %add3A_636, %mul3A_637 : i32
      %add3A_639 = arith.addi %mul3A_2, %mul3A_638 : i32
      %dma_start3A_640 = tpu.memref_slice %arg6[%add3A_639] : memref<6400000xi32, #tpu.memory_space<hbm>> -> memref<4000xi32, #tpu.memory_space<hbm>>
      %dma_start3A_641 = tpu.memref_slice %arg6[%add3A_639] : memref<6400000xi32, #tpu.memory_space<hbm>> -> memref<4000xi32, #tpu.memory_space<hbm>>
      tpu.enqueue_dma source(%dma_start3A_641 : memref<4000xi32, #tpu.memory_space<hbm>>) target(%arg12 : memref<4000xi32, #tpu.memory_space<vmem>>) target_semaphore(%arg30 : memref<!tpu.dma_semaphore, #tpu.memory_space<semaphore_mem>>)
      %dma_start3A_642 = arith.constant 0 : i32
      %dma_start3A_643 = tpu.memref_slice %arg27[%dma_start3A_642] : memref<100000xf32, #tpu.memory_space<vmem_shared>> -> memref<100000xf32, #tpu.memory_space<vmem_shared>>
      tpu.enqueue_indirect_dma source(%dma_start3A_643 : memref<100000xf32, #tpu.memory_space<vmem_shared>>) target(%arg14 : memref<4000xf32, #tpu.memory_space<vmem>>) offsets(%arg8 : memref<4000xi32, #tpu.memory_space<vmem>>) semaphore(%arg31 : memref<!tpu.dma_semaphore, #tpu.memory_space<semaphore_mem>>)
      %dma_start3A_644 = arith.constant 0 : i32
      %dma_start3A_645 = tpu.memref_slice %arg28[%dma_start3A_644] : memref<100000xf32, #tpu.memory_space<vmem_shared>> -> memref<100000xf32, #tpu.memory_space<vmem_shared>>
      tpu.enqueue_indirect_dma source(%dma_start3A_645 : memref<100000xf32, #tpu.memory_space<vmem_shared>>) target(%arg15 : memref<4000xf32, #tpu.memory_space<vmem>>) offsets(%arg8 : memref<4000xi32, #tpu.memory_space<vmem>>) semaphore(%arg31 : memref<!tpu.dma_semaphore, #tpu.memory_space<semaphore_mem>>)
      %dma_start3A_646 = arith.constant 0 : i32
      %dma_start3A_647 = tpu.memref_slice %arg4[%dma_start3A_646] : memref<100000xf32, #tpu.memory_space<hbm>> -> memref<100000xf32, #tpu.memory_space<hbm>>
      tpu.enqueue_indirect_dma source(%dma_start3A_647 : memref<100000xf32, #tpu.memory_space<hbm>>) target(%arg16 : memref<4000xf32, #tpu.memory_space<vmem>>) offsets(%arg8 : memref<4000xi32, #tpu.memory_space<vmem>>) semaphore(%arg32 : memref<!tpu.dma_semaphore, #tpu.memory_space<semaphore_mem>>)
      %dma_start3A_648 = arith.constant 0 : i32
      %dma_start3A_649 = tpu.memref_slice %arg27[%dma_start3A_648] : memref<100000xf32, #tpu.memory_space<vmem_shared>> -> memref<100000xf32, #tpu.memory_space<vmem_shared>>
      tpu.enqueue_indirect_dma source(%dma_start3A_649 : memref<100000xf32, #tpu.memory_space<vmem_shared>>) target(%arg17 : memref<4000xf32, #tpu.memory_space<vmem>>) offsets(%arg10 : memref<4000xi32, #tpu.memory_space<vmem>>) semaphore(%arg31 : memref<!tpu.dma_semaphore, #tpu.memory_space<semaphore_mem>>)
      %dma_start3A_650 = arith.constant 0 : i32
      %dma_start3A_651 = tpu.memref_slice %arg28[%dma_start3A_650] : memref<100000xf32, #tpu.memory_space<vmem_shared>> -> memref<100000xf32, #tpu.memory_space<vmem_shared>>
      tpu.enqueue_indirect_dma source(%dma_start3A_651 : memref<100000xf32, #tpu.memory_space<vmem_shared>>) target(%arg18 : memref<4000xf32, #tpu.memory_space<vmem>>) offsets(%arg10 : memref<4000xi32, #tpu.memory_space<vmem>>) semaphore(%arg31 : memref<!tpu.dma_semaphore, #tpu.memory_space<semaphore_mem>>)
      %dma_start3A_652 = arith.constant 0 : i32
      %dma_start3A_653 = tpu.memref_slice %arg29[%dma_start3A_652] : memref<100000xf32, #tpu.memory_space<vmem_shared>> -> memref<100000xf32, #tpu.memory_space<vmem_shared>>
      tpu.enqueue_indirect_dma source(%dma_start3A_653 : memref<100000xf32, #tpu.memory_space<vmem_shared>>) target(%arg19 : memref<4000xf32, #tpu.memory_space<vmem>>) offsets(%arg10 : memref<4000xi32, #tpu.memory_space<vmem>>) semaphore(%arg31 : memref<!tpu.dma_semaphore, #tpu.memory_space<semaphore_mem>>)
      %scan3A_654 = arith.constant 0 : i32
      %scan3A_655 = arith.constant 248 : i32
      %scan3A_656 = arith.addi %scan3A_654, %scan3A_655 : i32
      %scan3A_657 = arith.constant 4 : i32
      %scan3A_658 = scf.for %scan3A_832 = %scan3A_654 to %scan3A_656 step %scan3A_657 iter_args(%scan3A_833 = %add3A_604) -> (vector<16xf32>)  : i32 {
        %mul3A_834 = arith.constant 16 : i32
        %mul3A_835 = arith.muli %scan3A_832, %mul3A_834 : i32
        %get3A_836 = arith.index_cast %mul3A_835 : i32 to index
        %get3A_837 = tpu.vector_load %arg20[%get3A_836] {strides = array<i32>} : memref<4000xf32, #tpu.memory_space<vmem>>, vector<16xf32>,
        %get3A_838 = vector.shape_cast %get3A_837 : vector<16xf32> to vector<16xf32>
        %get3A_839 = arith.index_cast %mul3A_835 : i32 to index
        %get3A_840 = tpu.vector_load %arg23[%get3A_839] {strides = array<i32>} : memref<4000xf32, #tpu.memory_space<vmem>>, vector<16xf32>,
        %get3A_841 = vector.shape_cast %get3A_840 : vector<16xf32> to vector<16xf32>
        %sub3A_842 = arith.subf %get3A_838, %get3A_841 : vector<16xf32>
        %get3A_843 = arith.index_cast %mul3A_835 : i32 to index
        %get3A_844 = tpu.vector_load %arg21[%get3A_843] {strides = array<i32>} : memref<4000xf32, #tpu.memory_space<vmem>>, vector<16xf32>,
        %get3A_845 = vector.shape_cast %get3A_844 : vector<16xf32> to vector<16xf32>
        %get3A_846 = arith.index_cast %mul3A_835 : i32 to index
        %get3A_847 = tpu.vector_load %arg24[%get3A_846] {strides = array<i32>} : memref<4000xf32, #tpu.memory_space<vmem>>, vector<16xf32>,
        %get3A_848 = vector.shape_cast %get3A_847 : vector<16xf32> to vector<16xf32>
        %sub3A_849 = arith.subf %get3A_845, %get3A_848 : vector<16xf32>
        %get3A_850 = arith.index_cast %mul3A_835 : i32 to index
        %get3A_851 = tpu.vector_load %arg22[%get3A_850] {strides = array<i32>} : memref<4000xf32, #tpu.memory_space<vmem>>, vector<16xf32>,
        %get3A_852 = vector.shape_cast %get3A_851 : vector<16xf32> to vector<16xf32>
        %get3A_853 = arith.index_cast %mul3A_835 : i32 to index
        %get3A_854 = tpu.vector_load %arg25[%get3A_853] {strides = array<i32>} : memref<4000xf32, #tpu.memory_space<vmem>>, vector<16xf32>,
        %get3A_855 = vector.shape_cast %get3A_854 : vector<16xf32> to vector<16xf32>
        %sub3A_856 = arith.subf %get3A_852, %get3A_855 : vector<16xf32>
        %get3A_857 = arith.index_cast %mul3A_835 : i32 to index
        %get3A_858 = tpu.vector_load %arg13[%get3A_857] {strides = array<i32>} : memref<4000xi32, #tpu.memory_space<vmem>>, vector<16xi32>,
        %get3A_859 = vector.shape_cast %get3A_858 : vector<16xi32> to vector<16xi32>
        %mul3A_860 = arith.mulf %sub3A_842, %sub3A_842 : vector<16xf32>
        %mul3A_861 = arith.mulf %sub3A_849, %sub3A_849 : vector<16xf32>
        %add3A_862 = arith.addf %mul3A_860, %mul3A_861 : vector<16xf32>
        %mul3A_863 = arith.mulf %sub3A_856, %sub3A_856 : vector<16xf32>
        %add3A_864 = arith.addf %add3A_862, %mul3A_863 : vector<16xf32>
        %max3A_865 = arith.constant 1.000000e-30 : f32
        %max3A_866 = vector.broadcast %max3A_865 : f32 to vector<16xf32>
        %max3A_867 = arith.maximumf %add3A_864, %max3A_866 : vector<16xf32>
        %bitcast_convert_type3A_868 = tpu.bitcast %max3A_867 : vector<16xf32> -> vector<16xi32>
        %shift_right_arithmetic3A_869 = arith.constant 1 : i32
        %shift_right_arithmetic3A_870 = vector.broadcast %shift_right_arithmetic3A_869 : i32 to vector<16xi32>
        %shift_right_arithmetic3A_871 = arith.shrsi %bitcast_convert_type3A_868, %shift_right_arithmetic3A_870 : vector<16xi32>
        %sub3A_872 = arith.constant 1597463007 : i32
        %sub3A_873 = vector.broadcast %sub3A_872 : i32 to vector<16xi32>
        %sub3A_874 = arith.subi %sub3A_873, %shift_right_arithmetic3A_871 : vector<16xi32>
        %bitcast_convert_type3A_875 = tpu.bitcast %sub3A_874 : vector<16xi32> -> vector<16xf32>
        %mul3A_876 = arith.constant 5.000000e-01 : f32
        %mul3A_877 = vector.broadcast %mul3A_876 : f32 to vector<16xf32>
        %mul3A_878 = arith.mulf %mul3A_877, %max3A_867 : vector<16xf32>
        %mul3A_879 = arith.mulf %mul3A_878, %bitcast_convert_type3A_875 : vector<16xf32>
        %mul3A_880 = arith.mulf %mul3A_879, %bitcast_convert_type3A_875 : vector<16xf32>
        %sub3A_881 = arith.constant 1.500000e+00 : f32
        %sub3A_882 = vector.broadcast %sub3A_881 : f32 to vector<16xf32>
        %sub3A_883 = arith.subf %sub3A_882, %mul3A_880 : vector<16xf32>
        %mul3A_884 = arith.mulf %bitcast_convert_type3A_875, %sub3A_883 : vector<16xf32>
        %mul3A_885 = arith.mulf %mul3A_878, %mul3A_884 : vector<16xf32>
        %mul3A_886 = arith.mulf %mul3A_885, %mul3A_884 : vector<16xf32>
        %sub3A_887 = arith.constant 1.500000e+00 : f32
        %sub3A_888 = vector.broadcast %sub3A_887 : f32 to vector<16xf32>
        %sub3A_889 = arith.subf %sub3A_888, %mul3A_886 : vector<16xf32>
        %mul3A_890 = arith.mulf %mul3A_884, %sub3A_889 : vector<16xf32>
        %mul3A_891 = arith.mulf %max3A_867, %mul3A_890 : vector<16xf32>
        %sub3A_892 = arith.constant 1.900000e+00 : f32
        %sub3A_893 = vector.broadcast %sub3A_892 : f32 to vector<16xf32>
        %sub3A_894 = arith.subf %mul3A_891, %sub3A_893 : vector<16xf32>
        %sub3A_895 = arith.constant 1.200000e+00 : f32
        %sub3A_896 = vector.broadcast %sub3A_895 : f32 to vector<16xf32>
        %sub3A_897 = arith.subf %sub3A_896, %mul3A_891 : vector<16xf32>
        %max3A_898 = arith.constant 0.000000e+00 : f32
        %max3A_899 = vector.broadcast %max3A_898 : f32 to vector<16xf32>
        %max3A_900 = arith.maximumf %sub3A_897, %max3A_899 : vector<16xf32>
        %max3A_901 = arith.maximumf %sub3A_894, %max3A_900 : vector<16xf32>
        %eq3A_902 = arith.constant 0 : i32
        %eq3A_903 = vector.broadcast %eq3A_902 : i32 to vector<16xi32>
        %eq3A_904 = arith.cmpi eq, %get3A_859, %eq3A_903 : vector<16xi32>
        %jit3A_905 = arith.constant 0.000000e+00 : f32
        %broadcast_in_dim3A_906 = vector.broadcast %jit3A_905 : f32 to vector<16xf32>
        %select_n3A_907 = arith.select %eq3A_904, %broadcast_in_dim3A_906, %max3A_901 : vector<16xi1>, vector<16xf32>
        %add3A_908 = arith.addf %scan3A_833, %select_n3A_907 : vector<16xf32>
        %scan3A_909 = arith.constant 1 : i32
        %scan3A_910 = arith.addi %scan3A_832, %scan3A_909 : i32
        %mul3A_911 = arith.constant 16 : i32
        %mul3A_912 = arith.muli %scan3A_910, %mul3A_911 : i32
        %get3A_913 = arith.index_cast %mul3A_912 : i32 to index
        %get3A_914 = tpu.vector_load %arg20[%get3A_913] {strides = array<i32>} : memref<4000xf32, #tpu.memory_space<vmem>>, vector<16xf32>,
        %get3A_915 = vector.shape_cast %get3A_914 : vector<16xf32> to vector<16xf32>
        %get3A_916 = arith.index_cast %mul3A_912 : i32 to index
        %get3A_917 = tpu.vector_load %arg23[%get3A_916] {strides = array<i32>} : memref<4000xf32, #tpu.memory_space<vmem>>, vector<16xf32>,
        %get3A_918 = vector.shape_cast %get3A_917 : vector<16xf32> to vector<16xf32>
        %sub3A_919 = arith.subf %get3A_915, %get3A_918 : vector<16xf32>
        %get3A_920 = arith.index_cast %mul3A_912 : i32 to index
        %get3A_921 = tpu.vector_load %arg21[%get3A_920] {strides = array<i32>} : memref<4000xf32, #tpu.memory_space<vmem>>, vector<16xf32>,
        %get3A_922 = vector.shape_cast %get3A_921 : vector<16xf32> to vector<16xf32>
        %get3A_923 = arith.index_cast %mul3A_912 : i32 to index
        %get3A_924 = tpu.vector_load %arg24[%get3A_923] {strides = array<i32>} : memref<4000xf32, #tpu.memory_space<vmem>>, vector<16xf32>,
        %get3A_925 = vector.shape_cast %get3A_924 : vector<16xf32> to vector<16xf32>
        %sub3A_926 = arith.subf %get3A_922, %get3A_925 : vector<16xf32>
        %get3A_927 = arith.index_cast %mul3A_912 : i32 to index
        %get3A_928 = tpu.vector_load %arg22[%get3A_927] {strides = array<i32>} : memref<4000xf32, #tpu.memory_space<vmem>>, vector<16xf32>,
        %get3A_929 = vector.shape_cast %get3A_928 : vector<16xf32> to vector<16xf32>
        %get3A_930 = arith.index_cast %mul3A_912 : i32 to index
        %get3A_931 = tpu.vector_load %arg25[%get3A_930] {strides = array<i32>} : memref<4000xf32, #tpu.memory_space<vmem>>, vector<16xf32>,
        %get3A_932 = vector.shape_cast %get3A_931 : vector<16xf32> to vector<16xf32>
        %sub3A_933 = arith.subf %get3A_929, %get3A_932 : vector<16xf32>
        %get3A_934 = arith.index_cast %mul3A_912 : i32 to index
        %get3A_935 = tpu.vector_load %arg13[%get3A_934] {strides = array<i32>} : memref<4000xi32, #tpu.memory_space<vmem>>, vector<16xi32>,
        %get3A_936 = vector.shape_cast %get3A_935 : vector<16xi32> to vector<16xi32>
        %mul3A_937 = arith.mulf %sub3A_919, %sub3A_919 : vector<16xf32>
        %mul3A_938 = arith.mulf %sub3A_926, %sub3A_926 : vector<16xf32>
        %add3A_939 = arith.addf %mul3A_937, %mul3A_938 : vector<16xf32>
        %mul3A_940 = arith.mulf %sub3A_933, %sub3A_933 : vector<16xf32>
        %add3A_941 = arith.addf %add3A_939, %mul3A_940 : vector<16xf32>
        %max3A_942 = arith.constant 1.000000e-30 : f32
        %max3A_943 = vector.broadcast %max3A_942 : f32 to vector<16xf32>
        %max3A_944 = arith.maximumf %add3A_941, %max3A_943 : vector<16xf32>
        %bitcast_convert_type3A_945 = tpu.bitcast %max3A_944 : vector<16xf32> -> vector<16xi32>
        %shift_right_arithmetic3A_946 = arith.constant 1 : i32
        %shift_right_arithmetic3A_947 = vector.broadcast %shift_right_arithmetic3A_946 : i32 to vector<16xi32>
        %shift_right_arithmetic3A_948 = arith.shrsi %bitcast_convert_type3A_945, %shift_right_arithmetic3A_947 : vector<16xi32>
        %sub3A_949 = arith.constant 1597463007 : i32
        %sub3A_950 = vector.broadcast %sub3A_949 : i32 to vector<16xi32>
        %sub3A_951 = arith.subi %sub3A_950, %shift_right_arithmetic3A_948 : vector<16xi32>
        %bitcast_convert_type3A_952 = tpu.bitcast %sub3A_951 : vector<16xi32> -> vector<16xf32>
        %mul3A_953 = arith.constant 5.000000e-01 : f32
        %mul3A_954 = vector.broadcast %mul3A_953 : f32 to vector<16xf32>
        %mul3A_955 = arith.mulf %mul3A_954, %max3A_944 : vector<16xf32>
        %mul3A_956 = arith.mulf %mul3A_955, %bitcast_convert_type3A_952 : vector<16xf32>
        %mul3A_957 = arith.mulf %mul3A_956, %bitcast_convert_type3A_952 : vector<16xf32>
        %sub3A_958 = arith.constant 1.500000e+00 : f32
        %sub3A_959 = vector.broadcast %sub3A_958 : f32 to vector<16xf32>
        %sub3A_960 = arith.subf %sub3A_959, %mul3A_957 : vector<16xf32>
        %mul3A_961 = arith.mulf %bitcast_convert_type3A_952, %sub3A_960 : vector<16xf32>
        %mul3A_962 = arith.mulf %mul3A_955, %mul3A_961 : vector<16xf32>
        %mul3A_963 = arith.mulf %mul3A_962, %mul3A_961 : vector<16xf32>
        %sub3A_964 = arith.constant 1.500000e+00 : f32
        %sub3A_965 = vector.broadcast %sub3A_964 : f32 to vector<16xf32>
        %sub3A_966 = arith.subf %sub3A_965, %mul3A_963 : vector<16xf32>
        %mul3A_967 = arith.mulf %mul3A_961, %sub3A_966 : vector<16xf32>
        %mul3A_968 = arith.mulf %max3A_944, %mul3A_967 : vector<16xf32>
        %sub3A_969 = arith.constant 1.900000e+00 : f32
        %sub3A_970 = vector.broadcast %sub3A_969 : f32 to vector<16xf32>
        %sub3A_971 = arith.subf %mul3A_968, %sub3A_970 : vector<16xf32>
        %sub3A_972 = arith.constant 1.200000e+00 : f32
        %sub3A_973 = vector.broadcast %sub3A_972 : f32 to vector<16xf32>
        %sub3A_974 = arith.subf %sub3A_973, %mul3A_968 : vector<16xf32>
        %max3A_975 = arith.constant 0.000000e+00 : f32
        %max3A_976 = vector.broadcast %max3A_975 : f32 to vector<16xf32>
        %max3A_977 = arith.maximumf %sub3A_974, %max3A_976 : vector<16xf32>
        %max3A_978 = arith.maximumf %sub3A_971, %max3A_977 : vector<16xf32>
        %eq3A_979 = arith.constant 0 : i32
        %eq3A_980 = vector.broadcast %eq3A_979 : i32 to vector<16xi32>
        %eq3A_981 = arith.cmpi eq, %get3A_936, %eq3A_980 : vector<16xi32>
        %jit3A_982 = arith.constant 0.000000e+00 : f32
        %broadcast_in_dim3A_983 = vector.broadcast %jit3A_982 : f32 to vector<16xf32>
        %select_n3A_984 = arith.select %eq3A_981, %broadcast_in_dim3A_983, %max3A_978 : vector<16xi1>, vector<16xf32>
        %add3A_985 = arith.addf %add3A_908, %select_n3A_984 : vector<16xf32>
        %scan3A_986 = arith.constant 2 : i32
        %scan3A_987 = arith.addi %scan3A_832, %scan3A_986 : i32
        %mul3A_988 = arith.constant 16 : i32
        %mul3A_989 = arith.muli %scan3A_987, %mul3A_988 : i32
        %get3A_990 = arith.index_cast %mul3A_989 : i32 to index
        %get3A_991 = tpu.vector_load %arg20[%get3A_990] {strides = array<i32>} : memref<4000xf32, #tpu.memory_space<vmem>>, vector<16xf32>,
        %get3A_992 = vector.shape_cast %get3A_991 : vector<16xf32> to vector<16xf32>
        %get3A_993 = arith.index_cast %mul3A_989 : i32 to index
        %get3A_994 = tpu.vector_load %arg23[%get3A_993] {strides = array<i32>} : memref<4000xf32, #tpu.memory_space<vmem>>, vector<16xf32>,
        %get3A_995 = vector.shape_cast %get3A_994 : vector<16xf32> to vector<16xf32>
        %sub3A_996 = arith.subf %get3A_992, %get3A_995 : vector<16xf32>
        %get3A_997 = arith.index_cast %mul3A_989 : i32 to index
        %get3A_998 = tpu.vector_load %arg21[%get3A_997] {strides = array<i32>} : memref<4000xf32, #tpu.memory_space<vmem>>, vector<16xf32>,
        %get3A_999 = vector.shape_cast %get3A_998 : vector<16xf32> to vector<16xf32>
        %get3A_1000 = arith.index_cast %mul3A_989 : i32 to index
        %get3A_1001 = tpu.vector_load %arg24[%get3A_1000] {strides = array<i32>} : memref<4000xf32, #tpu.memory_space<vmem>>, vector<16xf32>,
        %get3A_1002 = vector.shape_cast %get3A_1001 : vector<16xf32> to vector<16xf32>
        %sub3A_1003 = arith.subf %get3A_999, %get3A_1002 : vector<16xf32>
        %get3A_1004 = arith.index_cast %mul3A_989 : i32 to index
        %get3A_1005 = tpu.vector_load %arg22[%get3A_1004] {strides = array<i32>} : memref<4000xf32, #tpu.memory_space<vmem>>, vector<16xf32>,
        %get3A_1006 = vector.shape_cast %get3A_1005 : vector<16xf32> to vector<16xf32>
        %get3A_1007 = arith.index_cast %mul3A_989 : i32 to index
        %get3A_1008 = tpu.vector_load %arg25[%get3A_1007] {strides = array<i32>} : memref<4000xf32, #tpu.memory_space<vmem>>, vector<16xf32>,
        %get3A_1009 = vector.shape_cast %get3A_1008 : vector<16xf32> to vector<16xf32>
        %sub3A_1010 = arith.subf %get3A_1006, %get3A_1009 : vector<16xf32>
        %get3A_1011 = arith.index_cast %mul3A_989 : i32 to index
        %get3A_1012 = tpu.vector_load %arg13[%get3A_1011] {strides = array<i32>} : memref<4000xi32, #tpu.memory_space<vmem>>, vector<16xi32>,
        %get3A_1013 = vector.shape_cast %get3A_1012 : vector<16xi32> to vector<16xi32>
        %mul3A_1014 = arith.mulf %sub3A_996, %sub3A_996 : vector<16xf32>
        %mul3A_1015 = arith.mulf %sub3A_1003, %sub3A_1003 : vector<16xf32>
        %add3A_1016 = arith.addf %mul3A_1014, %mul3A_1015 : vector<16xf32>
        %mul3A_1017 = arith.mulf %sub3A_1010, %sub3A_1010 : vector<16xf32>
        %add3A_1018 = arith.addf %add3A_1016, %mul3A_1017 : vector<16xf32>
        %max3A_1019 = arith.constant 1.000000e-30 : f32
        %max3A_1020 = vector.broadcast %max3A_1019 : f32 to vector<16xf32>
        %max3A_1021 = arith.maximumf %add3A_1018, %max3A_1020 : vector<16xf32>
        %bitcast_convert_type3A_1022 = tpu.bitcast %max3A_1021 : vector<16xf32> -> vector<16xi32>
        %shift_right_arithmetic3A_1023 = arith.constant 1 : i32
        %shift_right_arithmetic3A_1024 = vector.broadcast %shift_right_arithmetic3A_1023 : i32 to vector<16xi32>
        %shift_right_arithmetic3A_1025 = arith.shrsi %bitcast_convert_type3A_1022, %shift_right_arithmetic3A_1024 : vector<16xi32>
        %sub3A_1026 = arith.constant 1597463007 : i32
        %sub3A_1027 = vector.broadcast %sub3A_1026 : i32 to vector<16xi32>
        %sub3A_1028 = arith.subi %sub3A_1027, %shift_right_arithmetic3A_1025 : vector<16xi32>
        %bitcast_convert_type3A_1029 = tpu.bitcast %sub3A_1028 : vector<16xi32> -> vector<16xf32>
        %mul3A_1030 = arith.constant 5.000000e-01 : f32
        %mul3A_1031 = vector.broadcast %mul3A_1030 : f32 to vector<16xf32>
        %mul3A_1032 = arith.mulf %mul3A_1031, %max3A_1021 : vector<16xf32>
        %mul3A_1033 = arith.mulf %mul3A_1032, %bitcast_convert_type3A_1029 : vector<16xf32>
        %mul3A_1034 = arith.mulf %mul3A_1033, %bitcast_convert_type3A_1029 : vector<16xf32>
        %sub3A_1035 = arith.constant 1.500000e+00 : f32
        %sub3A_1036 = vector.broadcast %sub3A_1035 : f32 to vector<16xf32>
        %sub3A_1037 = arith.subf %sub3A_1036, %mul3A_1034 : vector<16xf32>
        %mul3A_1038 = arith.mulf %bitcast_convert_type3A_1029, %sub3A_1037 : vector<16xf32>
        %mul3A_1039 = arith.mulf %mul3A_1032, %mul3A_1038 : vector<16xf32>
        %mul3A_1040 = arith.mulf %mul3A_1039, %mul3A_1038 : vector<16xf32>
        %sub3A_1041 = arith.constant 1.500000e+00 : f32
        %sub3A_1042 = vector.broadcast %sub3A_1041 : f32 to vector<16xf32>
        %sub3A_1043 = arith.subf %sub3A_1042, %mul3A_1040 : vector<16xf32>
        %mul3A_1044 = arith.mulf %mul3A_1038, %sub3A_1043 : vector<16xf32>
        %mul3A_1045 = arith.mulf %max3A_1021, %mul3A_1044 : vector<16xf32>
        %sub3A_1046 = arith.constant 1.900000e+00 : f32
        %sub3A_1047 = vector.broadcast %sub3A_1046 : f32 to vector<16xf32>
        %sub3A_1048 = arith.subf %mul3A_1045, %sub3A_1047 : vector<16xf32>
        %sub3A_1049 = arith.constant 1.200000e+00 : f32
        %sub3A_1050 = vector.broadcast %sub3A_1049 : f32 to vector<16xf32>
        %sub3A_1051 = arith.subf %sub3A_1050, %mul3A_1045 : vector<16xf32>
        %max3A_1052 = arith.constant 0.000000e+00 : f32
        %max3A_1053 = vector.broadcast %max3A_1052 : f32 to vector<16xf32>
        %max3A_1054 = arith.maximumf %sub3A_1051, %max3A_1053 : vector<16xf32>
        %max3A_1055 = arith.maximumf %sub3A_1048, %max3A_1054 : vector<16xf32>
        %eq3A_1056 = arith.constant 0 : i32
        %eq3A_1057 = vector.broadcast %eq3A_1056 : i32 to vector<16xi32>
        %eq3A_1058 = arith.cmpi eq, %get3A_1013, %eq3A_1057 : vector<16xi32>
        %jit3A_1059 = arith.constant 0.000000e+00 : f32
        %broadcast_in_dim3A_1060 = vector.broadcast %jit3A_1059 : f32 to vector<16xf32>
        %select_n3A_1061 = arith.select %eq3A_1058, %broadcast_in_dim3A_1060, %max3A_1055 : vector<16xi1>, vector<16xf32>
        %add3A_1062 = arith.addf %add3A_985, %select_n3A_1061 : vector<16xf32>
        %scan3A_1063 = arith.constant 3 : i32
        %scan3A_1064 = arith.addi %scan3A_832, %scan3A_1063 : i32
        %mul3A_1065 = arith.constant 16 : i32
        %mul3A_1066 = arith.muli %scan3A_1064, %mul3A_1065 : i32
        %get3A_1067 = arith.index_cast %mul3A_1066 : i32 to index
        %get3A_1068 = tpu.vector_load %arg20[%get3A_1067] {strides = array<i32>} : memref<4000xf32, #tpu.memory_space<vmem>>, vector<16xf32>,
        %get3A_1069 = vector.shape_cast %get3A_1068 : vector<16xf32> to vector<16xf32>
        %get3A_1070 = arith.index_cast %mul3A_1066 : i32 to index
        %get3A_1071 = tpu.vector_load %arg23[%get3A_1070] {strides = array<i32>} : memref<4000xf32, #tpu.memory_space<vmem>>, vector<16xf32>,
        %get3A_1072 = vector.shape_cast %get3A_1071 : vector<16xf32> to vector<16xf32>
        %sub3A_1073 = arith.subf %get3A_1069, %get3A_1072 : vector<16xf32>
        %get3A_1074 = arith.index_cast %mul3A_1066 : i32 to index
        %get3A_1075 = tpu.vector_load %arg21[%get3A_1074] {strides = array<i32>} : memref<4000xf32, #tpu.memory_space<vmem>>, vector<16xf32>,
        %get3A_1076 = vector.shape_cast %get3A_1075 : vector<16xf32> to vector<16xf32>
        %get3A_1077 = arith.index_cast %mul3A_1066 : i32 to index
        %get3A_1078 = tpu.vector_load %arg24[%get3A_1077] {strides = array<i32>} : memref<4000xf32, #tpu.memory_space<vmem>>, vector<16xf32>,
        %get3A_1079 = vector.shape_cast %get3A_1078 : vector<16xf32> to vector<16xf32>
        %sub3A_1080 = arith.subf %get3A_1076, %get3A_1079 : vector<16xf32>
        %get3A_1081 = arith.index_cast %mul3A_1066 : i32 to index
        %get3A_1082 = tpu.vector_load %arg22[%get3A_1081] {strides = array<i32>} : memref<4000xf32, #tpu.memory_space<vmem>>, vector<16xf32>,
        %get3A_1083 = vector.shape_cast %get3A_1082 : vector<16xf32> to vector<16xf32>
        %get3A_1084 = arith.index_cast %mul3A_1066 : i32 to index
        %get3A_1085 = tpu.vector_load %arg25[%get3A_1084] {strides = array<i32>} : memref<4000xf32, #tpu.memory_space<vmem>>, vector<16xf32>,
        %get3A_1086 = vector.shape_cast %get3A_1085 : vector<16xf32> to vector<16xf32>
        %sub3A_1087 = arith.subf %get3A_1083, %get3A_1086 : vector<16xf32>
        %get3A_1088 = arith.index_cast %mul3A_1066 : i32 to index
        %get3A_1089 = tpu.vector_load %arg13[%get3A_1088] {strides = array<i32>} : memref<4000xi32, #tpu.memory_space<vmem>>, vector<16xi32>,
        %get3A_1090 = vector.shape_cast %get3A_1089 : vector<16xi32> to vector<16xi32>
        %mul3A_1091 = arith.mulf %sub3A_1073, %sub3A_1073 : vector<16xf32>
        %mul3A_1092 = arith.mulf %sub3A_1080, %sub3A_1080 : vector<16xf32>
        %add3A_1093 = arith.addf %mul3A_1091, %mul3A_1092 : vector<16xf32>
        %mul3A_1094 = arith.mulf %sub3A_1087, %sub3A_1087 : vector<16xf32>
        %add3A_1095 = arith.addf %add3A_1093, %mul3A_1094 : vector<16xf32>
        %max3A_1096 = arith.constant 1.000000e-30 : f32
        %max3A_1097 = vector.broadcast %max3A_1096 : f32 to vector<16xf32>
        %max3A_1098 = arith.maximumf %add3A_1095, %max3A_1097 : vector<16xf32>
        %bitcast_convert_type3A_1099 = tpu.bitcast %max3A_1098 : vector<16xf32> -> vector<16xi32>
        %shift_right_arithmetic3A_1100 = arith.constant 1 : i32
        %shift_right_arithmetic3A_1101 = vector.broadcast %shift_right_arithmetic3A_1100 : i32 to vector<16xi32>
        %shift_right_arithmetic3A_1102 = arith.shrsi %bitcast_convert_type3A_1099, %shift_right_arithmetic3A_1101 : vector<16xi32>
        %sub3A_1103 = arith.constant 1597463007 : i32
        %sub3A_1104 = vector.broadcast %sub3A_1103 : i32 to vector<16xi32>
        %sub3A_1105 = arith.subi %sub3A_1104, %shift_right_arithmetic3A_1102 : vector<16xi32>
        %bitcast_convert_type3A_1106 = tpu.bitcast %sub3A_1105 : vector<16xi32> -> vector<16xf32>
        %mul3A_1107 = arith.constant 5.000000e-01 : f32
        %mul3A_1108 = vector.broadcast %mul3A_1107 : f32 to vector<16xf32>
        %mul3A_1109 = arith.mulf %mul3A_1108, %max3A_1098 : vector<16xf32>
        %mul3A_1110 = arith.mulf %mul3A_1109, %bitcast_convert_type3A_1106 : vector<16xf32>
        %mul3A_1111 = arith.mulf %mul3A_1110, %bitcast_convert_type3A_1106 : vector<16xf32>
        %sub3A_1112 = arith.constant 1.500000e+00 : f32
        %sub3A_1113 = vector.broadcast %sub3A_1112 : f32 to vector<16xf32>
        %sub3A_1114 = arith.subf %sub3A_1113, %mul3A_1111 : vector<16xf32>
        %mul3A_1115 = arith.mulf %bitcast_convert_type3A_1106, %sub3A_1114 : vector<16xf32>
        %mul3A_1116 = arith.mulf %mul3A_1109, %mul3A_1115 : vector<16xf32>
        %mul3A_1117 = arith.mulf %mul3A_1116, %mul3A_1115 : vector<16xf32>
        %sub3A_1118 = arith.constant 1.500000e+00 : f32
        %sub3A_1119 = vector.broadcast %sub3A_1118 : f32 to vector<16xf32>
        %sub3A_1120 = arith.subf %sub3A_1119, %mul3A_1117 : vector<16xf32>
        %mul3A_1121 = arith.mulf %mul3A_1115, %sub3A_1120 : vector<16xf32>
        %mul3A_1122 = arith.mulf %max3A_1098, %mul3A_1121 : vector<16xf32>
        %sub3A_1123 = arith.constant 1.900000e+00 : f32
        %sub3A_1124 = vector.broadcast %sub3A_1123 : f32 to vector<16xf32>
        %sub3A_1125 = arith.subf %mul3A_1122, %sub3A_1124 : vector<16xf32>
        %sub3A_1126 = arith.constant 1.200000e+00 : f32
        %sub3A_1127 = vector.broadcast %sub3A_1126 : f32 to vector<16xf32>
        %sub3A_1128 = arith.subf %sub3A_1127, %mul3A_1122 : vector<16xf32>
        %max3A_1129 = arith.constant 0.000000e+00 : f32
        %max3A_1130 = vector.broadcast %max3A_1129 : f32 to vector<16xf32>
        %max3A_1131 = arith.maximumf %sub3A_1128, %max3A_1130 : vector<16xf32>
        %max3A_1132 = arith.maximumf %sub3A_1125, %max3A_1131 : vector<16xf32>
        %eq3A_1133 = arith.constant 0 : i32
        %eq3A_1134 = vector.broadcast %eq3A_1133 : i32 to vector<16xi32>
        %eq3A_1135 = arith.cmpi eq, %get3A_1090, %eq3A_1134 : vector<16xi32>
        %jit3A_1136 = arith.constant 0.000000e+00 : f32
        %broadcast_in_dim3A_1137 = vector.broadcast %jit3A_1136 : f32 to vector<16xf32>
        %select_n3A_1138 = arith.select %eq3A_1135, %broadcast_in_dim3A_1137, %max3A_1132 : vector<16xi1>, vector<16xf32>
        %add3A_1139 = arith.addf %add3A_1062, %select_n3A_1138 : vector<16xf32>
        scf.yield %add3A_1139 : vector<16xf32>
      }
      %scan3A_659 = arith.constant 248 : i32
      %scan3A_660 = arith.addi %scan3A_654, %scan3A_659 : i32
      %mul3A_661 = arith.constant 16 : i32
      %mul3A_662 = arith.muli %scan3A_660, %mul3A_661 : i32
      %get3A_663 = arith.index_cast %mul3A_662 : i32 to index
      %get3A_664 = tpu.vector_load %arg20[%get3A_663] {strides = array<i32>} : memref<4000xf32, #tpu.memory_space<vmem>>, vector<16xf32>,
      %get3A_665 = vector.shape_cast %get3A_664 : vector<16xf32> to vector<16xf32>
      %get3A_666 = arith.index_cast %mul3A_662 : i32 to index
      %get3A_667 = tpu.vector_load %arg23[%get3A_666] {strides = array<i32>} : memref<4000xf32, #tpu.memory_space<vmem>>, vector<16xf32>,
      %get3A_668 = vector.shape_cast %get3A_667 : vector<16xf32> to vector<16xf32>
      %sub3A_669 = arith.subf %get3A_665, %get3A_668 : vector<16xf32>
      %get3A_670 = arith.index_cast %mul3A_662 : i32 to index
      %get3A_671 = tpu.vector_load %arg21[%get3A_670] {strides = array<i32>} : memref<4000xf32, #tpu.memory_space<vmem>>, vector<16xf32>,
      %get3A_672 = vector.shape_cast %get3A_671 : vector<16xf32> to vector<16xf32>
      %get3A_673 = arith.index_cast %mul3A_662 : i32 to index
      %get3A_674 = tpu.vector_load %arg24[%get3A_673] {strides = array<i32>} : memref<4000xf32, #tpu.memory_space<vmem>>, vector<16xf32>,
      %get3A_675 = vector.shape_cast %get3A_674 : vector<16xf32> to vector<16xf32>
      %sub3A_676 = arith.subf %get3A_672, %get3A_675 : vector<16xf32>
      %get3A_677 = arith.index_cast %mul3A_662 : i32 to index
      %get3A_678 = tpu.vector_load %arg22[%get3A_677] {strides = array<i32>} : memref<4000xf32, #tpu.memory_space<vmem>>, vector<16xf32>,
      %get3A_679 = vector.shape_cast %get3A_678 : vector<16xf32> to vector<16xf32>
      %get3A_680 = arith.index_cast %mul3A_662 : i32 to index
      %get3A_681 = tpu.vector_load %arg25[%get3A_680] {strides = array<i32>} : memref<4000xf32, #tpu.memory_space<vmem>>, vector<16xf32>,
      %get3A_682 = vector.shape_cast %get3A_681 : vector<16xf32> to vector<16xf32>
      %sub3A_683 = arith.subf %get3A_679, %get3A_682 : vector<16xf32>
      %get3A_684 = arith.index_cast %mul3A_662 : i32 to index
      %get3A_685 = tpu.vector_load %arg13[%get3A_684] {strides = array<i32>} : memref<4000xi32, #tpu.memory_space<vmem>>, vector<16xi32>,
      %get3A_686 = vector.shape_cast %get3A_685 : vector<16xi32> to vector<16xi32>
      %mul3A_687 = arith.mulf %sub3A_669, %sub3A_669 : vector<16xf32>
      %mul3A_688 = arith.mulf %sub3A_676, %sub3A_676 : vector<16xf32>
      %add3A_689 = arith.addf %mul3A_687, %mul3A_688 : vector<16xf32>
      %mul3A_690 = arith.mulf %sub3A_683, %sub3A_683 : vector<16xf32>
      %add3A_691 = arith.addf %add3A_689, %mul3A_690 : vector<16xf32>
      %max3A_692 = arith.constant 1.000000e-30 : f32
      %max3A_693 = vector.broadcast %max3A_692 : f32 to vector<16xf32>
      %max3A_694 = arith.maximumf %add3A_691, %max3A_693 : vector<16xf32>
      %bitcast_convert_type3A_695 = tpu.bitcast %max3A_694 : vector<16xf32> -> vector<16xi32>
      %shift_right_arithmetic3A_696 = arith.constant 1 : i32
      %shift_right_arithmetic3A_697 = vector.broadcast %shift_right_arithmetic3A_696 : i32 to vector<16xi32>
      %shift_right_arithmetic3A_698 = arith.shrsi %bitcast_convert_type3A_695, %shift_right_arithmetic3A_697 : vector<16xi32>
      %sub3A_699 = arith.constant 1597463007 : i32
      %sub3A_700 = vector.broadcast %sub3A_699 : i32 to vector<16xi32>
      %sub3A_701 = arith.subi %sub3A_700, %shift_right_arithmetic3A_698 : vector<16xi32>
      %bitcast_convert_type3A_702 = tpu.bitcast %sub3A_701 : vector<16xi32> -> vector<16xf32>
      %mul3A_703 = arith.constant 5.000000e-01 : f32
      %mul3A_704 = vector.broadcast %mul3A_703 : f32 to vector<16xf32>
      %mul3A_705 = arith.mulf %mul3A_704, %max3A_694 : vector<16xf32>
      %mul3A_706 = arith.mulf %mul3A_705, %bitcast_convert_type3A_702 : vector<16xf32>
      %mul3A_707 = arith.mulf %mul3A_706, %bitcast_convert_type3A_702 : vector<16xf32>
      %sub3A_708 = arith.constant 1.500000e+00 : f32
      %sub3A_709 = vector.broadcast %sub3A_708 : f32 to vector<16xf32>
      %sub3A_710 = arith.subf %sub3A_709, %mul3A_707 : vector<16xf32>
      %mul3A_711 = arith.mulf %bitcast_convert_type3A_702, %sub3A_710 : vector<16xf32>
      %mul3A_712 = arith.mulf %mul3A_705, %mul3A_711 : vector<16xf32>
      %mul3A_713 = arith.mulf %mul3A_712, %mul3A_711 : vector<16xf32>
      %sub3A_714 = arith.constant 1.500000e+00 : f32
      %sub3A_715 = vector.broadcast %sub3A_714 : f32 to vector<16xf32>
      %sub3A_716 = arith.subf %sub3A_715, %mul3A_713 : vector<16xf32>
      %mul3A_717 = arith.mulf %mul3A_711, %sub3A_716 : vector<16xf32>
      %mul3A_718 = arith.mulf %max3A_694, %mul3A_717 : vector<16xf32>
      %sub3A_719 = arith.constant 1.900000e+00 : f32
      %sub3A_720 = vector.broadcast %sub3A_719 : f32 to vector<16xf32>
      %sub3A_721 = arith.subf %mul3A_718, %sub3A_720 : vector<16xf32>
      %sub3A_722 = arith.constant 1.200000e+00 : f32
      %sub3A_723 = vector.broadcast %sub3A_722 : f32 to vector<16xf32>
      %sub3A_724 = arith.subf %sub3A_723, %mul3A_718 : vector<16xf32>
      %max3A_725 = arith.constant 0.000000e+00 : f32
      %max3A_726 = vector.broadcast %max3A_725 : f32 to vector<16xf32>
      %max3A_727 = arith.maximumf %sub3A_724, %max3A_726 : vector<16xf32>
      %max3A_728 = arith.maximumf %sub3A_721, %max3A_727 : vector<16xf32>
      %eq3A_729 = arith.constant 0 : i32
      %eq3A_730 = vector.broadcast %eq3A_729 : i32 to vector<16xi32>
      %eq3A_731 = arith.cmpi eq, %get3A_686, %eq3A_730 : vector<16xi32>
      %jit3A_732 = arith.constant 0.000000e+00 : f32
      %broadcast_in_dim3A_733 = vector.broadcast %jit3A_732 : f32 to vector<16xf32>
      %select_n3A_734 = arith.select %eq3A_731, %broadcast_in_dim3A_733, %max3A_728 : vector<16xi1>, vector<16xf32>
      %add3A_735 = arith.addf %scan3A_658, %select_n3A_734 : vector<16xf32>
      %scan3A_736 = arith.constant 249 : i32
      %scan3A_737 = arith.addi %scan3A_654, %scan3A_736 : i32
      %mul3A_738 = arith.constant 16 : i32
      %mul3A_739 = arith.muli %scan3A_737, %mul3A_738 : i32
      %get3A_740 = arith.index_cast %mul3A_739 : i32 to index
      %get3A_741 = tpu.vector_load %arg20[%get3A_740] {strides = array<i32>} : memref<4000xf32, #tpu.memory_space<vmem>>, vector<16xf32>,
      %get3A_742 = vector.shape_cast %get3A_741 : vector<16xf32> to vector<16xf32>
      %get3A_743 = arith.index_cast %mul3A_739 : i32 to index
      %get3A_744 = tpu.vector_load %arg23[%get3A_743] {strides = array<i32>} : memref<4000xf32, #tpu.memory_space<vmem>>, vector<16xf32>,
      %get3A_745 = vector.shape_cast %get3A_744 : vector<16xf32> to vector<16xf32>
      %sub3A_746 = arith.subf %get3A_742, %get3A_745 : vector<16xf32>
      %get3A_747 = arith.index_cast %mul3A_739 : i32 to index
      %get3A_748 = tpu.vector_load %arg21[%get3A_747] {strides = array<i32>} : memref<4000xf32, #tpu.memory_space<vmem>>, vector<16xf32>,
      %get3A_749 = vector.shape_cast %get3A_748 : vector<16xf32> to vector<16xf32>
      %get3A_750 = arith.index_cast %mul3A_739 : i32 to index
      %get3A_751 = tpu.vector_load %arg24[%get3A_750] {strides = array<i32>} : memref<4000xf32, #tpu.memory_space<vmem>>, vector<16xf32>,
      %get3A_752 = vector.shape_cast %get3A_751 : vector<16xf32> to vector<16xf32>
      %sub3A_753 = arith.subf %get3A_749, %get3A_752 : vector<16xf32>
      %get3A_754 = arith.index_cast %mul3A_739 : i32 to index
      %get3A_755 = tpu.vector_load %arg22[%get3A_754] {strides = array<i32>} : memref<4000xf32, #tpu.memory_space<vmem>>, vector<16xf32>,
      %get3A_756 = vector.shape_cast %get3A_755 : vector<16xf32> to vector<16xf32>
      %get3A_757 = arith.index_cast %mul3A_739 : i32 to index
      %get3A_758 = tpu.vector_load %arg25[%get3A_757] {strides = array<i32>} : memref<4000xf32, #tpu.memory_space<vmem>>, vector<16xf32>,
      %get3A_759 = vector.shape_cast %get3A_758 : vector<16xf32> to vector<16xf32>
      %sub3A_760 = arith.subf %get3A_756, %get3A_759 : vector<16xf32>
      %get3A_761 = arith.index_cast %mul3A_739 : i32 to index
      %get3A_762 = tpu.vector_load %arg13[%get3A_761] {strides = array<i32>} : memref<4000xi32, #tpu.memory_space<vmem>>, vector<16xi32>,
      %get3A_763 = vector.shape_cast %get3A_762 : vector<16xi32> to vector<16xi32>
      %mul3A_764 = arith.mulf %sub3A_746, %sub3A_746 : vector<16xf32>
      %mul3A_765 = arith.mulf %sub3A_753, %sub3A_753 : vector<16xf32>
      %add3A_766 = arith.addf %mul3A_764, %mul3A_765 : vector<16xf32>
      %mul3A_767 = arith.mulf %sub3A_760, %sub3A_760 : vector<16xf32>
      %add3A_768 = arith.addf %add3A_766, %mul3A_767 : vector<16xf32>
      %max3A_769 = arith.constant 1.000000e-30 : f32
      %max3A_770 = vector.broadcast %max3A_769 : f32 to vector<16xf32>
      %max3A_771 = arith.maximumf %add3A_768, %max3A_770 : vector<16xf32>
      %bitcast_convert_type3A_772 = tpu.bitcast %max3A_771 : vector<16xf32> -> vector<16xi32>
      %shift_right_arithmetic3A_773 = arith.constant 1 : i32
      %shift_right_arithmetic3A_774 = vector.broadcast %shift_right_arithmetic3A_773 : i32 to vector<16xi32>
      %shift_right_arithmetic3A_775 = arith.shrsi %bitcast_convert_type3A_772, %shift_right_arithmetic3A_774 : vector<16xi32>
      %sub3A_776 = arith.constant 1597463007 : i32
      %sub3A_777 = vector.broadcast %sub3A_776 : i32 to vector<16xi32>
      %sub3A_778 = arith.subi %sub3A_777, %shift_right_arithmetic3A_775 : vector<16xi32>
      %bitcast_convert_type3A_779 = tpu.bitcast %sub3A_778 : vector<16xi32> -> vector<16xf32>
      %mul3A_780 = arith.constant 5.000000e-01 : f32
      %mul3A_781 = vector.broadcast %mul3A_780 : f32 to vector<16xf32>
      %mul3A_782 = arith.mulf %mul3A_781, %max3A_771 : vector<16xf32>
      %mul3A_783 = arith.mulf %mul3A_782, %bitcast_convert_type3A_779 : vector<16xf32>
      %mul3A_784 = arith.mulf %mul3A_783, %bitcast_convert_type3A_779 : vector<16xf32>
      %sub3A_785 = arith.constant 1.500000e+00 : f32
      %sub3A_786 = vector.broadcast %sub3A_785 : f32 to vector<16xf32>
      %sub3A_787 = arith.subf %sub3A_786, %mul3A_784 : vector<16xf32>
      %mul3A_788 = arith.mulf %bitcast_convert_type3A_779, %sub3A_787 : vector<16xf32>
      %mul3A_789 = arith.mulf %mul3A_782, %mul3A_788 : vector<16xf32>
      %mul3A_790 = arith.mulf %mul3A_789, %mul3A_788 : vector<16xf32>
      %sub3A_791 = arith.constant 1.500000e+00 : f32
      %sub3A_792 = vector.broadcast %sub3A_791 : f32 to vector<16xf32>
      %sub3A_793 = arith.subf %sub3A_792, %mul3A_790 : vector<16xf32>
      %mul3A_794 = arith.mulf %mul3A_788, %sub3A_793 : vector<16xf32>
      %mul3A_795 = arith.mulf %max3A_771, %mul3A_794 : vector<16xf32>
      %sub3A_796 = arith.constant 1.900000e+00 : f32
      %sub3A_797 = vector.broadcast %sub3A_796 : f32 to vector<16xf32>
      %sub3A_798 = arith.subf %mul3A_795, %sub3A_797 : vector<16xf32>
      %sub3A_799 = arith.constant 1.200000e+00 : f32
      %sub3A_800 = vector.broadcast %sub3A_799 : f32 to vector<16xf32>
      %sub3A_801 = arith.subf %sub3A_800, %mul3A_795 : vector<16xf32>
      %max3A_802 = arith.constant 0.000000e+00 : f32
      %max3A_803 = vector.broadcast %max3A_802 : f32 to vector<16xf32>
      %max3A_804 = arith.maximumf %sub3A_801, %max3A_803 : vector<16xf32>
      %max3A_805 = arith.maximumf %sub3A_798, %max3A_804 : vector<16xf32>
      %eq3A_806 = arith.constant 0 : i32
      %eq3A_807 = vector.broadcast %eq3A_806 : i32 to vector<16xi32>
      %eq3A_808 = arith.cmpi eq, %get3A_763, %eq3A_807 : vector<16xi32>
      %jit3A_809 = arith.constant 0.000000e+00 : f32
      %broadcast_in_dim3A_810 = vector.broadcast %jit3A_809 : f32 to vector<16xf32>
      %select_n3A_811 = arith.select %eq3A_808, %broadcast_in_dim3A_810, %max3A_805 : vector<16xi1>, vector<16xf32>
      %add3A_812 = arith.addf %add3A_735, %select_n3A_811 : vector<16xf32>
      %scan3A_813 = arith.constant 250 : i32
      %dma_wait3A_814 = tpu.memref_slice %arg6[%add3A_639] : memref<6400000xi32, #tpu.memory_space<hbm>> -> memref<4000xi32, #tpu.memory_space<hbm>>
      %dma_wait3A_815 = tpu.memref_slice %arg6[%add3A_639] : memref<6400000xi32, #tpu.memory_space<hbm>> -> memref<4000xi32, #tpu.memory_space<hbm>>
      tpu.wait_dma2 semaphore(%arg30 : memref<!tpu.dma_semaphore, #tpu.memory_space<semaphore_mem>>) src(%dma_wait3A_815 : memref<4000xi32, #tpu.memory_space<hbm>>) dst(%arg12 : memref<4000xi32, #tpu.memory_space<vmem>>)
      %dma_wait3A_816 = arith.constant 0 : i32
      %dma_wait3A_817 = tpu.memref_slice %arg27[%dma_wait3A_816] : memref<100000xf32, #tpu.memory_space<vmem_shared>> -> memref<100000xf32, #tpu.memory_space<vmem_shared>>
      tpu.wait_indirect_dma semaphore(%arg31 : memref<!tpu.dma_semaphore, #tpu.memory_space<semaphore_mem>>) src(%dma_wait3A_817 : memref<100000xf32, #tpu.memory_space<vmem_shared>>) dst(%arg14 : memref<4000xf32, #tpu.memory_space<vmem>>)
      %dma_wait3A_818 = arith.constant 0 : i32
      %dma_wait3A_819 = tpu.memref_slice %arg28[%dma_wait3A_818] : memref<100000xf32, #tpu.memory_space<vmem_shared>> -> memref<100000xf32, #tpu.memory_space<vmem_shared>>
      tpu.wait_indirect_dma semaphore(%arg31 : memref<!tpu.dma_semaphore, #tpu.memory_space<semaphore_mem>>) src(%dma_wait3A_819 : memref<100000xf32, #tpu.memory_space<vmem_shared>>) dst(%arg15 : memref<4000xf32, #tpu.memory_space<vmem>>)
      %dma_wait3A_820 = arith.constant 0 : i32
      %dma_wait3A_821 = tpu.memref_slice %arg4[%dma_wait3A_820] : memref<100000xf32, #tpu.memory_space<hbm>> -> memref<100000xf32, #tpu.memory_space<hbm>>
      tpu.wait_indirect_dma semaphore(%arg32 : memref<!tpu.dma_semaphore, #tpu.memory_space<semaphore_mem>>) src(%dma_wait3A_821 : memref<100000xf32, #tpu.memory_space<hbm>>) dst(%arg16 : memref<4000xf32, #tpu.memory_space<vmem>>)
      %dma_wait3A_822 = arith.constant 0 : i32
      %dma_wait3A_823 = tpu.memref_slice %arg27[%dma_wait3A_822] : memref<100000xf32, #tpu.memory_space<vmem_shared>> -> memref<100000xf32, #tpu.memory_space<vmem_shared>>
      tpu.wait_indirect_dma semaphore(%arg31 : memref<!tpu.dma_semaphore, #tpu.memory_space<semaphore_mem>>) src(%dma_wait3A_823 : memref<100000xf32, #tpu.memory_space<vmem_shared>>) dst(%arg17 : memref<4000xf32, #tpu.memory_space<vmem>>)
      %dma_wait3A_824 = arith.constant 0 : i32
      %dma_wait3A_825 = tpu.memref_slice %arg28[%dma_wait3A_824] : memref<100000xf32, #tpu.memory_space<vmem_shared>> -> memref<100000xf32, #tpu.memory_space<vmem_shared>>
      tpu.wait_indirect_dma semaphore(%arg31 : memref<!tpu.dma_semaphore, #tpu.memory_space<semaphore_mem>>) src(%dma_wait3A_825 : memref<100000xf32, #tpu.memory_space<vmem_shared>>) dst(%arg18 : memref<4000xf32, #tpu.memory_space<vmem>>)
      %dma_wait3A_826 = arith.constant 0 : i32
      %dma_wait3A_827 = tpu.memref_slice %arg29[%dma_wait3A_826] : memref<100000xf32, #tpu.memory_space<vmem_shared>> -> memref<100000xf32, #tpu.memory_space<vmem_shared>>
      tpu.wait_indirect_dma semaphore(%arg31 : memref<!tpu.dma_semaphore, #tpu.memory_space<semaphore_mem>>) src(%dma_wait3A_827 : memref<100000xf32, #tpu.memory_space<vmem_shared>>) dst(%arg19 : memref<4000xf32, #tpu.memory_space<vmem>>)
      %dma_wait3A_828 = tpu.memref_slice %arg5[%add3A_628] : memref<12800000xi32, #tpu.memory_space<hbm>> -> memref<4000xi32, #tpu.memory_space<hbm>>
      %dma_wait3A_829 = tpu.memref_slice %arg5[%add3A_628] : memref<12800000xi32, #tpu.memory_space<hbm>> -> memref<4000xi32, #tpu.memory_space<hbm>>
      tpu.wait_dma2 semaphore(%arg30 : memref<!tpu.dma_semaphore, #tpu.memory_space<semaphore_mem>>) src(%dma_wait3A_829 : memref<4000xi32, #tpu.memory_space<hbm>>) dst(%arg9 : memref<4000xi32, #tpu.memory_space<vmem>>)
      %dma_wait3A_830 = tpu.memref_slice %arg5[%add3A_630] : memref<12800000xi32, #tpu.memory_space<hbm>> -> memref<4000xi32, #tpu.memory_space<hbm>>
      %dma_wait3A_831 = tpu.memref_slice %arg5[%add3A_630] : memref<12800000xi32, #tpu.memory_space<hbm>> -> memref<4000xi32, #tpu.memory_space<hbm>>
      tpu.wait_dma2 semaphore(%arg30 : memref<!tpu.dma_semaphore, #tpu.memory_space<semaphore_mem>>) src(%dma_wait3A_831 : memref<4000xi32, #tpu.memory_space<hbm>>) dst(%arg11 : memref<4000xi32, #tpu.memory_space<vmem>>)
      scf.yield %add3A_812 : vector<16xf32>
    }
    %scan3A_62 = arith.constant 24 : i32
    %add3A_63 = arith.constant 196000 : i32
    %add3A_64 = arith.addi %mul3A_2, %add3A_63 : i32
    %dma_start3A_65 = tpu.memref_slice %arg6[%add3A_64] : memref<6400000xi32, #tpu.memory_space<hbm>> -> memref<4000xi32, #tpu.memory_space<hbm>>
    %dma_start3A_66 = tpu.memref_slice %arg6[%add3A_64] : memref<6400000xi32, #tpu.memory_space<hbm>> -> memref<4000xi32, #tpu.memory_space<hbm>>
    tpu.enqueue_dma source(%dma_start3A_66 : memref<4000xi32, #tpu.memory_space<hbm>>) target(%arg13 : memref<4000xi32, #tpu.memory_space<vmem>>) target_semaphore(%arg30 : memref<!tpu.dma_semaphore, #tpu.memory_space<semaphore_mem>>)
    %dma_start3A_67 = arith.constant 0 : i32
    %dma_start3A_68 = tpu.memref_slice %arg27[%dma_start3A_67] : memref<100000xf32, #tpu.memory_space<vmem_shared>> -> memref<100000xf32, #tpu.memory_space<vmem_shared>>
    tpu.enqueue_indirect_dma source(%dma_start3A_68 : memref<100000xf32, #tpu.memory_space<vmem_shared>>) target(%arg20 : memref<4000xf32, #tpu.memory_space<vmem>>) offsets(%arg9 : memref<4000xi32, #tpu.memory_space<vmem>>) semaphore(%arg31 : memref<!tpu.dma_semaphore, #tpu.memory_space<semaphore_mem>>)
    %dma_start3A_69 = arith.constant 0 : i32
    %dma_start3A_70 = tpu.memref_slice %arg28[%dma_start3A_69] : memref<100000xf32, #tpu.memory_space<vmem_shared>> -> memref<100000xf32, #tpu.memory_space<vmem_shared>>
    tpu.enqueue_indirect_dma source(%dma_start3A_70 : memref<100000xf32, #tpu.memory_space<vmem_shared>>) target(%arg21 : memref<4000xf32, #tpu.memory_space<vmem>>) offsets(%arg9 : memref<4000xi32, #tpu.memory_space<vmem>>) semaphore(%arg31 : memref<!tpu.dma_semaphore, #tpu.memory_space<semaphore_mem>>)
    %dma_start3A_71 = arith.constant 0 : i32
    %dma_start3A_72 = tpu.memref_slice %arg4[%dma_start3A_71] : memref<100000xf32, #tpu.memory_space<hbm>> -> memref<100000xf32, #tpu.memory_space<hbm>>
    tpu.enqueue_indirect_dma source(%dma_start3A_72 : memref<100000xf32, #tpu.memory_space<hbm>>) target(%arg22 : memref<4000xf32, #tpu.memory_space<vmem>>) offsets(%arg9 : memref<4000xi32, #tpu.memory_space<vmem>>) semaphore(%arg32 : memref<!tpu.dma_semaphore, #tpu.memory_space<semaphore_mem>>)
    %dma_start3A_73 = arith.constant 0 : i32
    %dma_start3A_74 = tpu.memref_slice %arg27[%dma_start3A_73] : memref<100000xf32, #tpu.memory_space<vmem_shared>> -> memref<100000xf32, #tpu.memory_space<vmem_shared>>
    tpu.enqueue_indirect_dma source(%dma_start3A_74 : memref<100000xf32, #tpu.memory_space<vmem_shared>>) target(%arg23 : memref<4000xf32, #tpu.memory_space<vmem>>) offsets(%arg11 : memref<4000xi32, #tpu.memory_space<vmem>>) semaphore(%arg31 : memref<!tpu.dma_semaphore, #tpu.memory_space<semaphore_mem>>)
    %dma_start3A_75 = arith.constant 0 : i32
    %dma_start3A_76 = tpu.memref_slice %arg28[%dma_start3A_75] : memref<100000xf32, #tpu.memory_space<vmem_shared>> -> memref<100000xf32, #tpu.memory_space<vmem_shared>>
    tpu.enqueue_indirect_dma source(%dma_start3A_76 : memref<100000xf32, #tpu.memory_space<vmem_shared>>) target(%arg24 : memref<4000xf32, #tpu.memory_space<vmem>>) offsets(%arg11 : memref<4000xi32, #tpu.memory_space<vmem>>) semaphore(%arg31 : memref<!tpu.dma_semaphore, #tpu.memory_space<semaphore_mem>>)
    %dma_start3A_77 = arith.constant 0 : i32
    %dma_start3A_78 = tpu.memref_slice %arg29[%dma_start3A_77] : memref<100000xf32, #tpu.memory_space<vmem_shared>> -> memref<100000xf32, #tpu.memory_space<vmem_shared>>
    tpu.enqueue_indirect_dma source(%dma_start3A_78 : memref<100000xf32, #tpu.memory_space<vmem_shared>>) target(%arg25 : memref<4000xf32, #tpu.memory_space<vmem>>) offsets(%arg11 : memref<4000xi32, #tpu.memory_space<vmem>>) semaphore(%arg31 : memref<!tpu.dma_semaphore, #tpu.memory_space<semaphore_mem>>)
    %scan3A_79 = arith.constant 0 : i32
    %scan3A_80 = arith.constant 248 : i32
    %scan3A_81 = arith.addi %scan3A_79, %scan3A_80 : i32
    %scan3A_82 = arith.constant 4 : i32
    %scan3A_83 = scf.for %scan3A_412 = %scan3A_79 to %scan3A_81 step %scan3A_82 iter_args(%scan3A_413 = %scan3A_61) -> (vector<16xf32>)  : i32 {
      %mul3A_414 = arith.constant 16 : i32
      %mul3A_415 = arith.muli %scan3A_412, %mul3A_414 : i32
      %get3A_416 = arith.index_cast %mul3A_415 : i32 to index
      %get3A_417 = tpu.vector_load %arg14[%get3A_416] {strides = array<i32>} : memref<4000xf32, #tpu.memory_space<vmem>>, vector<16xf32>,
      %get3A_418 = vector.shape_cast %get3A_417 : vector<16xf32> to vector<16xf32>
      %get3A_419 = arith.index_cast %mul3A_415 : i32 to index
      %get3A_420 = tpu.vector_load %arg17[%get3A_419] {strides = array<i32>} : memref<4000xf32, #tpu.memory_space<vmem>>, vector<16xf32>,
      %get3A_421 = vector.shape_cast %get3A_420 : vector<16xf32> to vector<16xf32>
      %sub3A_422 = arith.subf %get3A_418, %get3A_421 : vector<16xf32>
      %get3A_423 = arith.index_cast %mul3A_415 : i32 to index
      %get3A_424 = tpu.vector_load %arg15[%get3A_423] {strides = array<i32>} : memref<4000xf32, #tpu.memory_space<vmem>>, vector<16xf32>,
      %get3A_425 = vector.shape_cast %get3A_424 : vector<16xf32> to vector<16xf32>
      %get3A_426 = arith.index_cast %mul3A_415 : i32 to index
      %get3A_427 = tpu.vector_load %arg18[%get3A_426] {strides = array<i32>} : memref<4000xf32, #tpu.memory_space<vmem>>, vector<16xf32>,
      %get3A_428 = vector.shape_cast %get3A_427 : vector<16xf32> to vector<16xf32>
      %sub3A_429 = arith.subf %get3A_425, %get3A_428 : vector<16xf32>
      %get3A_430 = arith.index_cast %mul3A_415 : i32 to index
      %get3A_431 = tpu.vector_load %arg16[%get3A_430] {strides = array<i32>} : memref<4000xf32, #tpu.memory_space<vmem>>, vector<16xf32>,
      %get3A_432 = vector.shape_cast %get3A_431 : vector<16xf32> to vector<16xf32>
      %get3A_433 = arith.index_cast %mul3A_415 : i32 to index
      %get3A_434 = tpu.vector_load %arg19[%get3A_433] {strides = array<i32>} : memref<4000xf32, #tpu.memory_space<vmem>>, vector<16xf32>,
      %get3A_435 = vector.shape_cast %get3A_434 : vector<16xf32> to vector<16xf32>
      %sub3A_436 = arith.subf %get3A_432, %get3A_435 : vector<16xf32>
      %get3A_437 = arith.index_cast %mul3A_415 : i32 to index
      %get3A_438 = tpu.vector_load %arg12[%get3A_437] {strides = array<i32>} : memref<4000xi32, #tpu.memory_space<vmem>>, vector<16xi32>,
      %get3A_439 = vector.shape_cast %get3A_438 : vector<16xi32> to vector<16xi32>
      %mul3A_440 = arith.mulf %sub3A_422, %sub3A_422 : vector<16xf32>
      %mul3A_441 = arith.mulf %sub3A_429, %sub3A_429 : vector<16xf32>
      %add3A_442 = arith.addf %mul3A_440, %mul3A_441 : vector<16xf32>
      %mul3A_443 = arith.mulf %sub3A_436, %sub3A_436 : vector<16xf32>
      %add3A_444 = arith.addf %add3A_442, %mul3A_443 : vector<16xf32>
      %max3A_445 = arith.constant 1.000000e-30 : f32
      %max3A_446 = vector.broadcast %max3A_445 : f32 to vector<16xf32>
      %max3A_447 = arith.maximumf %add3A_444, %max3A_446 : vector<16xf32>
      %bitcast_convert_type3A_448 = tpu.bitcast %max3A_447 : vector<16xf32> -> vector<16xi32>
      %shift_right_arithmetic3A_449 = arith.constant 1 : i32
      %shift_right_arithmetic3A_450 = vector.broadcast %shift_right_arithmetic3A_449 : i32 to vector<16xi32>
      %shift_right_arithmetic3A_451 = arith.shrsi %bitcast_convert_type3A_448, %shift_right_arithmetic3A_450 : vector<16xi32>
      %sub3A_452 = arith.constant 1597463007 : i32
      %sub3A_453 = vector.broadcast %sub3A_452 : i32 to vector<16xi32>
      %sub3A_454 = arith.subi %sub3A_453, %shift_right_arithmetic3A_451 : vector<16xi32>
      %bitcast_convert_type3A_455 = tpu.bitcast %sub3A_454 : vector<16xi32> -> vector<16xf32>
      %mul3A_456 = arith.constant 5.000000e-01 : f32
      %mul3A_457 = vector.broadcast %mul3A_456 : f32 to vector<16xf32>
      %mul3A_458 = arith.mulf %mul3A_457, %max3A_447 : vector<16xf32>
      %mul3A_459 = arith.mulf %mul3A_458, %bitcast_convert_type3A_455 : vector<16xf32>
      %mul3A_460 = arith.mulf %mul3A_459, %bitcast_convert_type3A_455 : vector<16xf32>
      %sub3A_461 = arith.constant 1.500000e+00 : f32
      %sub3A_462 = vector.broadcast %sub3A_461 : f32 to vector<16xf32>
      %sub3A_463 = arith.subf %sub3A_462, %mul3A_460 : vector<16xf32>
      %mul3A_464 = arith.mulf %bitcast_convert_type3A_455, %sub3A_463 : vector<16xf32>
      %mul3A_465 = arith.mulf %mul3A_458, %mul3A_464 : vector<16xf32>
      %mul3A_466 = arith.mulf %mul3A_465, %mul3A_464 : vector<16xf32>
      %sub3A_467 = arith.constant 1.500000e+00 : f32
      %sub3A_468 = vector.broadcast %sub3A_467 : f32 to vector<16xf32>
      %sub3A_469 = arith.subf %sub3A_468, %mul3A_466 : vector<16xf32>
      %mul3A_470 = arith.mulf %mul3A_464, %sub3A_469 : vector<16xf32>
      %mul3A_471 = arith.mulf %max3A_447, %mul3A_470 : vector<16xf32>
      %sub3A_472 = arith.constant 1.900000e+00 : f32
      %sub3A_473 = vector.broadcast %sub3A_472 : f32 to vector<16xf32>
      %sub3A_474 = arith.subf %mul3A_471, %sub3A_473 : vector<16xf32>
      %sub3A_475 = arith.constant 1.200000e+00 : f32
      %sub3A_476 = vector.broadcast %sub3A_475 : f32 to vector<16xf32>
      %sub3A_477 = arith.subf %sub3A_476, %mul3A_471 : vector<16xf32>
      %max3A_478 = arith.constant 0.000000e+00 : f32
      %max3A_479 = vector.broadcast %max3A_478 : f32 to vector<16xf32>
      %max3A_480 = arith.maximumf %sub3A_477, %max3A_479 : vector<16xf32>
      %max3A_481 = arith.maximumf %sub3A_474, %max3A_480 : vector<16xf32>
      %eq3A_482 = arith.constant 0 : i32
      %eq3A_483 = vector.broadcast %eq3A_482 : i32 to vector<16xi32>
      %eq3A_484 = arith.cmpi eq, %get3A_439, %eq3A_483 : vector<16xi32>
      %jit3A_485 = arith.constant 0.000000e+00 : f32
      %broadcast_in_dim3A_486 = vector.broadcast %jit3A_485 : f32 to vector<16xf32>
      %select_n3A_487 = arith.select %eq3A_484, %broadcast_in_dim3A_486, %max3A_481 : vector<16xi1>, vector<16xf32>
      %add3A_488 = arith.addf %scan3A_413, %select_n3A_487 : vector<16xf32>
      %scan3A_489 = arith.constant 1 : i32
      %scan3A_490 = arith.addi %scan3A_412, %scan3A_489 : i32
      %mul3A_491 = arith.constant 16 : i32
      %mul3A_492 = arith.muli %scan3A_490, %mul3A_491 : i32
      %get3A_493 = arith.index_cast %mul3A_492 : i32 to index
      %get3A_494 = tpu.vector_load %arg14[%get3A_493] {strides = array<i32>} : memref<4000xf32, #tpu.memory_space<vmem>>, vector<16xf32>,
      %get3A_495 = vector.shape_cast %get3A_494 : vector<16xf32> to vector<16xf32>
      %get3A_496 = arith.index_cast %mul3A_492 : i32 to index
      %get3A_497 = tpu.vector_load %arg17[%get3A_496] {strides = array<i32>} : memref<4000xf32, #tpu.memory_space<vmem>>, vector<16xf32>,
      %get3A_498 = vector.shape_cast %get3A_497 : vector<16xf32> to vector<16xf32>
      %sub3A_499 = arith.subf %get3A_495, %get3A_498 : vector<16xf32>
      %get3A_500 = arith.index_cast %mul3A_492 : i32 to index
      %get3A_501 = tpu.vector_load %arg15[%get3A_500] {strides = array<i32>} : memref<4000xf32, #tpu.memory_space<vmem>>, vector<16xf32>,
      %get3A_502 = vector.shape_cast %get3A_501 : vector<16xf32> to vector<16xf32>
      %get3A_503 = arith.index_cast %mul3A_492 : i32 to index
      %get3A_504 = tpu.vector_load %arg18[%get3A_503] {strides = array<i32>} : memref<4000xf32, #tpu.memory_space<vmem>>, vector<16xf32>,
      %get3A_505 = vector.shape_cast %get3A_504 : vector<16xf32> to vector<16xf32>
      %sub3A_506 = arith.subf %get3A_502, %get3A_505 : vector<16xf32>
      %get3A_507 = arith.index_cast %mul3A_492 : i32 to index
      %get3A_508 = tpu.vector_load %arg16[%get3A_507] {strides = array<i32>} : memref<4000xf32, #tpu.memory_space<vmem>>, vector<16xf32>,
      %get3A_509 = vector.shape_cast %get3A_508 : vector<16xf32> to vector<16xf32>
      %get3A_510 = arith.index_cast %mul3A_492 : i32 to index
      %get3A_511 = tpu.vector_load %arg19[%get3A_510] {strides = array<i32>} : memref<4000xf32, #tpu.memory_space<vmem>>, vector<16xf32>,
      %get3A_512 = vector.shape_cast %get3A_511 : vector<16xf32> to vector<16xf32>
      %sub3A_513 = arith.subf %get3A_509, %get3A_512 : vector<16xf32>
      %get3A_514 = arith.index_cast %mul3A_492 : i32 to index
      %get3A_515 = tpu.vector_load %arg12[%get3A_514] {strides = array<i32>} : memref<4000xi32, #tpu.memory_space<vmem>>, vector<16xi32>,
      %get3A_516 = vector.shape_cast %get3A_515 : vector<16xi32> to vector<16xi32>
      %mul3A_517 = arith.mulf %sub3A_499, %sub3A_499 : vector<16xf32>
      %mul3A_518 = arith.mulf %sub3A_506, %sub3A_506 : vector<16xf32>
      %add3A_519 = arith.addf %mul3A_517, %mul3A_518 : vector<16xf32>
      %mul3A_520 = arith.mulf %sub3A_513, %sub3A_513 : vector<16xf32>
      %add3A_521 = arith.addf %add3A_519, %mul3A_520 : vector<16xf32>
      %max3A_522 = arith.constant 1.000000e-30 : f32
      %max3A_523 = vector.broadcast %max3A_522 : f32 to vector<16xf32>
      %max3A_524 = arith.maximumf %add3A_521, %max3A_523 : vector<16xf32>
      %bitcast_convert_type3A_525 = tpu.bitcast %max3A_524 : vector<16xf32> -> vector<16xi32>
      %shift_right_arithmetic3A_526 = arith.constant 1 : i32
      %shift_right_arithmetic3A_527 = vector.broadcast %shift_right_arithmetic3A_526 : i32 to vector<16xi32>
      %shift_right_arithmetic3A_528 = arith.shrsi %bitcast_convert_type3A_525, %shift_right_arithmetic3A_527 : vector<16xi32>
      %sub3A_529 = arith.constant 1597463007 : i32
      %sub3A_530 = vector.broadcast %sub3A_529 : i32 to vector<16xi32>
      %sub3A_531 = arith.subi %sub3A_530, %shift_right_arithmetic3A_528 : vector<16xi32>
      %bitcast_convert_type3A_532 = tpu.bitcast %sub3A_531 : vector<16xi32> -> vector<16xf32>
      %mul3A_533 = arith.constant 5.000000e-01 : f32
      %mul3A_534 = vector.broadcast %mul3A_533 : f32 to vector<16xf32>
      %mul3A_535 = arith.mulf %mul3A_534, %max3A_524 : vector<16xf32>
      %mul3A_536 = arith.mulf %mul3A_535, %bitcast_convert_type3A_532 : vector<16xf32>
      %mul3A_537 = arith.mulf %mul3A_536, %bitcast_convert_type3A_532 : vector<16xf32>
      %sub3A_538 = arith.constant 1.500000e+00 : f32
      %sub3A_539 = vector.broadcast %sub3A_538 : f32 to vector<16xf32>
      %sub3A_540 = arith.subf %sub3A_539, %mul3A_537 : vector<16xf32>
      %mul3A_541 = arith.mulf %bitcast_convert_type3A_532, %sub3A_540 : vector<16xf32>
      %mul3A_542 = arith.mulf %mul3A_535, %mul3A_541 : vector<16xf32>
      %mul3A_543 = arith.mulf %mul3A_542, %mul3A_541 : vector<16xf32>
      %sub3A_544 = arith.constant 1.500000e+00 : f32
      %sub3A_545 = vector.broadcast %sub3A_544 : f32 to vector<16xf32>
      %sub3A_546 = arith.subf %sub3A_545, %mul3A_543 : vector<16xf32>
      %mul3A_547 = arith.mulf %mul3A_541, %sub3A_546 : vector<16xf32>
      %mul3A_548 = arith.mulf %max3A_524, %mul3A_547 : vector<16xf32>
      %sub3A_549 = arith.constant 1.900000e+00 : f32
      %sub3A_550 = vector.broadcast %sub3A_549 : f32 to vector<16xf32>
      %sub3A_551 = arith.subf %mul3A_548, %sub3A_550 : vector<16xf32>
      %sub3A_552 = arith.constant 1.200000e+00 : f32
      %sub3A_553 = vector.broadcast %sub3A_552 : f32 to vector<16xf32>
      %sub3A_554 = arith.subf %sub3A_553, %mul3A_548 : vector<16xf32>
      %max3A_555 = arith.constant 0.000000e+00 : f32
      %max3A_556 = vector.broadcast %max3A_555 : f32 to vector<16xf32>
      %max3A_557 = arith.maximumf %sub3A_554, %max3A_556 : vector<16xf32>
      %max3A_558 = arith.maximumf %sub3A_551, %max3A_557 : vector<16xf32>
      %eq3A_559 = arith.constant 0 : i32
      %eq3A_560 = vector.broadcast %eq3A_559 : i32 to vector<16xi32>
      %eq3A_561 = arith.cmpi eq, %get3A_516, %eq3A_560 : vector<16xi32>
      %jit3A_562 = arith.constant 0.000000e+00 : f32
      %broadcast_in_dim3A_563 = vector.broadcast %jit3A_562 : f32 to vector<16xf32>
      %select_n3A_564 = arith.select %eq3A_561, %broadcast_in_dim3A_563, %max3A_558 : vector<16xi1>, vector<16xf32>
      %add3A_565 = arith.addf %add3A_488, %select_n3A_564 : vector<16xf32>
      %scan3A_566 = arith.constant 2 : i32
      %scan3A_567 = arith.addi %scan3A_412, %scan3A_566 : i32
      %mul3A_568 = arith.constant 16 : i32
      %mul3A_569 = arith.muli %scan3A_567, %mul3A_568 : i32
      %get3A_570 = arith.index_cast %mul3A_569 : i32 to index
      %get3A_571 = tpu.vector_load %arg14[%get3A_570] {strides = array<i32>} : memref<4000xf32, #tpu.memory_space<vmem>>, vector<16xf32>,
      %get3A_572 = vector.shape_cast %get3A_571 : vector<16xf32> to vector<16xf32>
      %get3A_573 = arith.index_cast %mul3A_569 : i32 to index
      %get3A_574 = tpu.vector_load %arg17[%get3A_573] {strides = array<i32>} : memref<4000xf32, #tpu.memory_space<vmem>>, vector<16xf32>,
      %get3A_575 = vector.shape_cast %get3A_574 : vector<16xf32> to vector<16xf32>
      %sub3A_576 = arith.subf %get3A_572, %get3A_575 : vector<16xf32>
      %get3A_577 = arith.index_cast %mul3A_569 : i32 to index
      %get3A_578 = tpu.vector_load %arg15[%get3A_577] {strides = array<i32>} : memref<4000xf32, #tpu.memory_space<vmem>>, vector<16xf32>,
      %get3A_579 = vector.shape_cast %get3A_578 : vector<16xf32> to vector<16xf32>
      %get3A_580 = arith.index_cast %mul3A_569 : i32 to index
      %get3A_581 = tpu.vector_load %arg18[%get3A_580] {strides = array<i32>} : memref<4000xf32, #tpu.memory_space<vmem>>, vector<16xf32>,
      %get3A_582 = vector.shape_cast %get3A_581 : vector<16xf32> to vector<16xf32>
      %sub3A_583 = arith.subf %get3A_579, %get3A_582 : vector<16xf32>
      %get3A_584 = arith.index_cast %mul3A_569 : i32 to index
      %get3A_585 = tpu.vector_load %arg16[%get3A_584] {strides = array<i32>} : memref<4000xf32, #tpu.memory_space<vmem>>, vector<16xf32>,
      %get3A_586 = vector.shape_cast %get3A_585 : vector<16xf32> to vector<16xf32>
      %get3A_587 = arith.index_cast %mul3A_569 : i32 to index
      %get3A_588 = tpu.vector_load %arg19[%get3A_587] {strides = array<i32>} : memref<4000xf32, #tpu.memory_space<vmem>>, vector<16xf32>,
      %get3A_589 = vector.shape_cast %get3A_588 : vector<16xf32> to vector<16xf32>
      %sub3A_590 = arith.subf %get3A_586, %get3A_589 : vector<16xf32>
      %get3A_591 = arith.index_cast %mul3A_569 : i32 to index
      %get3A_592 = tpu.vector_load %arg12[%get3A_591] {strides = array<i32>} : memref<4000xi32, #tpu.memory_space<vmem>>, vector<16xi32>,
      %get3A_593 = vector.shape_cast %get3A_592 : vector<16xi32> to vector<16xi32>
      %mul3A_594 = arith.mulf %sub3A_576, %sub3A_576 : vector<16xf32>
      %mul3A_595 = arith.mulf %sub3A_583, %sub3A_583 : vector<16xf32>
      %add3A_596 = arith.addf %mul3A_594, %mul3A_595 : vector<16xf32>
      %mul3A_597 = arith.mulf %sub3A_590, %sub3A_590 : vector<16xf32>
      %add3A_598 = arith.addf %add3A_596, %mul3A_597 : vector<16xf32>
      %max3A_599 = arith.constant 1.000000e-30 : f32
      %max3A_600 = vector.broadcast %max3A_599 : f32 to vector<16xf32>
      %max3A_601 = arith.maximumf %add3A_598, %max3A_600 : vector<16xf32>
      %bitcast_convert_type3A_602 = tpu.bitcast %max3A_601 : vector<16xf32> -> vector<16xi32>
      %shift_right_arithmetic3A_603 = arith.constant 1 : i32
      %shift_right_arithmetic3A_604 = vector.broadcast %shift_right_arithmetic3A_603 : i32 to vector<16xi32>
      %shift_right_arithmetic3A_605 = arith.shrsi %bitcast_convert_type3A_602, %shift_right_arithmetic3A_604 : vector<16xi32>
      %sub3A_606 = arith.constant 1597463007 : i32
      %sub3A_607 = vector.broadcast %sub3A_606 : i32 to vector<16xi32>
      %sub3A_608 = arith.subi %sub3A_607, %shift_right_arithmetic3A_605 : vector<16xi32>
      %bitcast_convert_type3A_609 = tpu.bitcast %sub3A_608 : vector<16xi32> -> vector<16xf32>
      %mul3A_610 = arith.constant 5.000000e-01 : f32
      %mul3A_611 = vector.broadcast %mul3A_610 : f32 to vector<16xf32>
      %mul3A_612 = arith.mulf %mul3A_611, %max3A_601 : vector<16xf32>
      %mul3A_613 = arith.mulf %mul3A_612, %bitcast_convert_type3A_609 : vector<16xf32>
      %mul3A_614 = arith.mulf %mul3A_613, %bitcast_convert_type3A_609 : vector<16xf32>
      %sub3A_615 = arith.constant 1.500000e+00 : f32
      %sub3A_616 = vector.broadcast %sub3A_615 : f32 to vector<16xf32>
      %sub3A_617 = arith.subf %sub3A_616, %mul3A_614 : vector<16xf32>
      %mul3A_618 = arith.mulf %bitcast_convert_type3A_609, %sub3A_617 : vector<16xf32>
      %mul3A_619 = arith.mulf %mul3A_612, %mul3A_618 : vector<16xf32>
      %mul3A_620 = arith.mulf %mul3A_619, %mul3A_618 : vector<16xf32>
      %sub3A_621 = arith.constant 1.500000e+00 : f32
      %sub3A_622 = vector.broadcast %sub3A_621 : f32 to vector<16xf32>
      %sub3A_623 = arith.subf %sub3A_622, %mul3A_620 : vector<16xf32>
      %mul3A_624 = arith.mulf %mul3A_618, %sub3A_623 : vector<16xf32>
      %mul3A_625 = arith.mulf %max3A_601, %mul3A_624 : vector<16xf32>
      %sub3A_626 = arith.constant 1.900000e+00 : f32
      %sub3A_627 = vector.broadcast %sub3A_626 : f32 to vector<16xf32>
      %sub3A_628 = arith.subf %mul3A_625, %sub3A_627 : vector<16xf32>
      %sub3A_629 = arith.constant 1.200000e+00 : f32
      %sub3A_630 = vector.broadcast %sub3A_629 : f32 to vector<16xf32>
      %sub3A_631 = arith.subf %sub3A_630, %mul3A_625 : vector<16xf32>
      %max3A_632 = arith.constant 0.000000e+00 : f32
      %max3A_633 = vector.broadcast %max3A_632 : f32 to vector<16xf32>
      %max3A_634 = arith.maximumf %sub3A_631, %max3A_633 : vector<16xf32>
      %max3A_635 = arith.maximumf %sub3A_628, %max3A_634 : vector<16xf32>
      %eq3A_636 = arith.constant 0 : i32
      %eq3A_637 = vector.broadcast %eq3A_636 : i32 to vector<16xi32>
      %eq3A_638 = arith.cmpi eq, %get3A_593, %eq3A_637 : vector<16xi32>
      %jit3A_639 = arith.constant 0.000000e+00 : f32
      %broadcast_in_dim3A_640 = vector.broadcast %jit3A_639 : f32 to vector<16xf32>
      %select_n3A_641 = arith.select %eq3A_638, %broadcast_in_dim3A_640, %max3A_635 : vector<16xi1>, vector<16xf32>
      %add3A_642 = arith.addf %add3A_565, %select_n3A_641 : vector<16xf32>
      %scan3A_643 = arith.constant 3 : i32
      %scan3A_644 = arith.addi %scan3A_412, %scan3A_643 : i32
      %mul3A_645 = arith.constant 16 : i32
      %mul3A_646 = arith.muli %scan3A_644, %mul3A_645 : i32
      %get3A_647 = arith.index_cast %mul3A_646 : i32 to index
      %get3A_648 = tpu.vector_load %arg14[%get3A_647] {strides = array<i32>} : memref<4000xf32, #tpu.memory_space<vmem>>, vector<16xf32>,
      %get3A_649 = vector.shape_cast %get3A_648 : vector<16xf32> to vector<16xf32>
      %get3A_650 = arith.index_cast %mul3A_646 : i32 to index
      %get3A_651 = tpu.vector_load %arg17[%get3A_650] {strides = array<i32>} : memref<4000xf32, #tpu.memory_space<vmem>>, vector<16xf32>,
      %get3A_652 = vector.shape_cast %get3A_651 : vector<16xf32> to vector<16xf32>
      %sub3A_653 = arith.subf %get3A_649, %get3A_652 : vector<16xf32>
      %get3A_654 = arith.index_cast %mul3A_646 : i32 to index
      %get3A_655 = tpu.vector_load %arg15[%get3A_654] {strides = array<i32>} : memref<4000xf32, #tpu.memory_space<vmem>>, vector<16xf32>,
      %get3A_656 = vector.shape_cast %get3A_655 : vector<16xf32> to vector<16xf32>
      %get3A_657 = arith.index_cast %mul3A_646 : i32 to index
      %get3A_658 = tpu.vector_load %arg18[%get3A_657] {strides = array<i32>} : memref<4000xf32, #tpu.memory_space<vmem>>, vector<16xf32>,
      %get3A_659 = vector.shape_cast %get3A_658 : vector<16xf32> to vector<16xf32>
      %sub3A_660 = arith.subf %get3A_656, %get3A_659 : vector<16xf32>
      %get3A_661 = arith.index_cast %mul3A_646 : i32 to index
      %get3A_662 = tpu.vector_load %arg16[%get3A_661] {strides = array<i32>} : memref<4000xf32, #tpu.memory_space<vmem>>, vector<16xf32>,
      %get3A_663 = vector.shape_cast %get3A_662 : vector<16xf32> to vector<16xf32>
      %get3A_664 = arith.index_cast %mul3A_646 : i32 to index
      %get3A_665 = tpu.vector_load %arg19[%get3A_664] {strides = array<i32>} : memref<4000xf32, #tpu.memory_space<vmem>>, vector<16xf32>,
      %get3A_666 = vector.shape_cast %get3A_665 : vector<16xf32> to vector<16xf32>
      %sub3A_667 = arith.subf %get3A_663, %get3A_666 : vector<16xf32>
      %get3A_668 = arith.index_cast %mul3A_646 : i32 to index
      %get3A_669 = tpu.vector_load %arg12[%get3A_668] {strides = array<i32>} : memref<4000xi32, #tpu.memory_space<vmem>>, vector<16xi32>,
      %get3A_670 = vector.shape_cast %get3A_669 : vector<16xi32> to vector<16xi32>
      %mul3A_671 = arith.mulf %sub3A_653, %sub3A_653 : vector<16xf32>
      %mul3A_672 = arith.mulf %sub3A_660, %sub3A_660 : vector<16xf32>
      %add3A_673 = arith.addf %mul3A_671, %mul3A_672 : vector<16xf32>
      %mul3A_674 = arith.mulf %sub3A_667, %sub3A_667 : vector<16xf32>
      %add3A_675 = arith.addf %add3A_673, %mul3A_674 : vector<16xf32>
      %max3A_676 = arith.constant 1.000000e-30 : f32
      %max3A_677 = vector.broadcast %max3A_676 : f32 to vector<16xf32>
      %max3A_678 = arith.maximumf %add3A_675, %max3A_677 : vector<16xf32>
      %bitcast_convert_type3A_679 = tpu.bitcast %max3A_678 : vector<16xf32> -> vector<16xi32>
      %shift_right_arithmetic3A_680 = arith.constant 1 : i32
      %shift_right_arithmetic3A_681 = vector.broadcast %shift_right_arithmetic3A_680 : i32 to vector<16xi32>
      %shift_right_arithmetic3A_682 = arith.shrsi %bitcast_convert_type3A_679, %shift_right_arithmetic3A_681 : vector<16xi32>
      %sub3A_683 = arith.constant 1597463007 : i32
      %sub3A_684 = vector.broadcast %sub3A_683 : i32 to vector<16xi32>
      %sub3A_685 = arith.subi %sub3A_684, %shift_right_arithmetic3A_682 : vector<16xi32>
      %bitcast_convert_type3A_686 = tpu.bitcast %sub3A_685 : vector<16xi32> -> vector<16xf32>
      %mul3A_687 = arith.constant 5.000000e-01 : f32
      %mul3A_688 = vector.broadcast %mul3A_687 : f32 to vector<16xf32>
      %mul3A_689 = arith.mulf %mul3A_688, %max3A_678 : vector<16xf32>
      %mul3A_690 = arith.mulf %mul3A_689, %bitcast_convert_type3A_686 : vector<16xf32>
      %mul3A_691 = arith.mulf %mul3A_690, %bitcast_convert_type3A_686 : vector<16xf32>
      %sub3A_692 = arith.constant 1.500000e+00 : f32
      %sub3A_693 = vector.broadcast %sub3A_692 : f32 to vector<16xf32>
      %sub3A_694 = arith.subf %sub3A_693, %mul3A_691 : vector<16xf32>
      %mul3A_695 = arith.mulf %bitcast_convert_type3A_686, %sub3A_694 : vector<16xf32>
      %mul3A_696 = arith.mulf %mul3A_689, %mul3A_695 : vector<16xf32>
      %mul3A_697 = arith.mulf %mul3A_696, %mul3A_695 : vector<16xf32>
      %sub3A_698 = arith.constant 1.500000e+00 : f32
      %sub3A_699 = vector.broadcast %sub3A_698 : f32 to vector<16xf32>
      %sub3A_700 = arith.subf %sub3A_699, %mul3A_697 : vector<16xf32>
      %mul3A_701 = arith.mulf %mul3A_695, %sub3A_700 : vector<16xf32>
      %mul3A_702 = arith.mulf %max3A_678, %mul3A_701 : vector<16xf32>
      %sub3A_703 = arith.constant 1.900000e+00 : f32
      %sub3A_704 = vector.broadcast %sub3A_703 : f32 to vector<16xf32>
      %sub3A_705 = arith.subf %mul3A_702, %sub3A_704 : vector<16xf32>
      %sub3A_706 = arith.constant 1.200000e+00 : f32
      %sub3A_707 = vector.broadcast %sub3A_706 : f32 to vector<16xf32>
      %sub3A_708 = arith.subf %sub3A_707, %mul3A_702 : vector<16xf32>
      %max3A_709 = arith.constant 0.000000e+00 : f32
      %max3A_710 = vector.broadcast %max3A_709 : f32 to vector<16xf32>
      %max3A_711 = arith.maximumf %sub3A_708, %max3A_710 : vector<16xf32>
      %max3A_712 = arith.maximumf %sub3A_705, %max3A_711 : vector<16xf32>
      %eq3A_713 = arith.constant 0 : i32
      %eq3A_714 = vector.broadcast %eq3A_713 : i32 to vector<16xi32>
      %eq3A_715 = arith.cmpi eq, %get3A_670, %eq3A_714 : vector<16xi32>
      %jit3A_716 = arith.constant 0.000000e+00 : f32
      %broadcast_in_dim3A_717 = vector.broadcast %jit3A_716 : f32 to vector<16xf32>
      %select_n3A_718 = arith.select %eq3A_715, %broadcast_in_dim3A_717, %max3A_712 : vector<16xi1>, vector<16xf32>
      %add3A_719 = arith.addf %add3A_642, %select_n3A_718 : vector<16xf32>
      scf.yield %add3A_719 : vector<16xf32>
    }
    %scan3A_84 = arith.constant 248 : i32
    %scan3A_85 = arith.addi %scan3A_79, %scan3A_84 : i32
    %mul3A_86 = arith.constant 16 : i32
    %mul3A_87 = arith.muli %scan3A_85, %mul3A_86 : i32
    %get3A = arith.index_cast %mul3A_87 : i32 to index
    %get3A_88 = tpu.vector_load %arg14[%get3A] {strides = array<i32>} : memref<4000xf32, #tpu.memory_space<vmem>>, vector<16xf32>,
    %get3A_89 = vector.shape_cast %get3A_88 : vector<16xf32> to vector<16xf32>
    %get3A_90 = arith.index_cast %mul3A_87 : i32 to index
    %get3A_91 = tpu.vector_load %arg17[%get3A_90] {strides = array<i32>} : memref<4000xf32, #tpu.memory_space<vmem>>, vector<16xf32>,
    %get3A_92 = vector.shape_cast %get3A_91 : vector<16xf32> to vector<16xf32>
    %sub3A = arith.subf %get3A_89, %get3A_92 : vector<16xf32>
    %get3A_93 = arith.index_cast %mul3A_87 : i32 to index
    %get3A_94 = tpu.vector_load %arg15[%get3A_93] {strides = array<i32>} : memref<4000xf32, #tpu.memory_space<vmem>>, vector<16xf32>,
    %get3A_95 = vector.shape_cast %get3A_94 : vector<16xf32> to vector<16xf32>
    %get3A_96 = arith.index_cast %mul3A_87 : i32 to index
    %get3A_97 = tpu.vector_load %arg18[%get3A_96] {strides = array<i32>} : memref<4000xf32, #tpu.memory_space<vmem>>, vector<16xf32>,
    %get3A_98 = vector.shape_cast %get3A_97 : vector<16xf32> to vector<16xf32>
    %sub3A_99 = arith.subf %get3A_95, %get3A_98 : vector<16xf32>
    %get3A_100 = arith.index_cast %mul3A_87 : i32 to index
    %get3A_101 = tpu.vector_load %arg16[%get3A_100] {strides = array<i32>} : memref<4000xf32, #tpu.memory_space<vmem>>, vector<16xf32>,
    %get3A_102 = vector.shape_cast %get3A_101 : vector<16xf32> to vector<16xf32>
    %get3A_103 = arith.index_cast %mul3A_87 : i32 to index
    %get3A_104 = tpu.vector_load %arg19[%get3A_103] {strides = array<i32>} : memref<4000xf32, #tpu.memory_space<vmem>>, vector<16xf32>,
    %get3A_105 = vector.shape_cast %get3A_104 : vector<16xf32> to vector<16xf32>
    %sub3A_106 = arith.subf %get3A_102, %get3A_105 : vector<16xf32>
    %get3A_107 = arith.index_cast %mul3A_87 : i32 to index
    %get3A_108 = tpu.vector_load %arg12[%get3A_107] {strides = array<i32>} : memref<4000xi32, #tpu.memory_space<vmem>>, vector<16xi32>,
    %get3A_109 = vector.shape_cast %get3A_108 : vector<16xi32> to vector<16xi32>
    %mul3A_110 = arith.mulf %sub3A, %sub3A : vector<16xf32>
    %mul3A_111 = arith.mulf %sub3A_99, %sub3A_99 : vector<16xf32>
    %add3A_112 = arith.addf %mul3A_110, %mul3A_111 : vector<16xf32>
    %mul3A_113 = arith.mulf %sub3A_106, %sub3A_106 : vector<16xf32>
    %add3A_114 = arith.addf %add3A_112, %mul3A_113 : vector<16xf32>
    %max3A = arith.constant 1.000000e-30 : f32
    %max3A_115 = vector.broadcast %max3A : f32 to vector<16xf32>
    %max3A_116 = arith.maximumf %add3A_114, %max3A_115 : vector<16xf32>
    %bitcast_convert_type3A = tpu.bitcast %max3A_116 : vector<16xf32> -> vector<16xi32>
    %shift_right_arithmetic3A = arith.constant 1 : i32
    %shift_right_arithmetic3A_117 = vector.broadcast %shift_right_arithmetic3A : i32 to vector<16xi32>
    %shift_right_arithmetic3A_118 = arith.shrsi %bitcast_convert_type3A, %shift_right_arithmetic3A_117 : vector<16xi32>
    %sub3A_119 = arith.constant 1597463007 : i32
    %sub3A_120 = vector.broadcast %sub3A_119 : i32 to vector<16xi32>
    %sub3A_121 = arith.subi %sub3A_120, %shift_right_arithmetic3A_118 : vector<16xi32>
    %bitcast_convert_type3A_122 = tpu.bitcast %sub3A_121 : vector<16xi32> -> vector<16xf32>
    %mul3A_123 = arith.constant 5.000000e-01 : f32
    %mul3A_124 = vector.broadcast %mul3A_123 : f32 to vector<16xf32>
    %mul3A_125 = arith.mulf %mul3A_124, %max3A_116 : vector<16xf32>
    %mul3A_126 = arith.mulf %mul3A_125, %bitcast_convert_type3A_122 : vector<16xf32>
    %mul3A_127 = arith.mulf %mul3A_126, %bitcast_convert_type3A_122 : vector<16xf32>
    %sub3A_128 = arith.constant 1.500000e+00 : f32
    %sub3A_129 = vector.broadcast %sub3A_128 : f32 to vector<16xf32>
    %sub3A_130 = arith.subf %sub3A_129, %mul3A_127 : vector<16xf32>
    %mul3A_131 = arith.mulf %bitcast_convert_type3A_122, %sub3A_130 : vector<16xf32>
    %mul3A_132 = arith.mulf %mul3A_125, %mul3A_131 : vector<16xf32>
    %mul3A_133 = arith.mulf %mul3A_132, %mul3A_131 : vector<16xf32>
    %sub3A_134 = arith.constant 1.500000e+00 : f32
    %sub3A_135 = vector.broadcast %sub3A_134 : f32 to vector<16xf32>
    %sub3A_136 = arith.subf %sub3A_135, %mul3A_133 : vector<16xf32>
    %mul3A_137 = arith.mulf %mul3A_131, %sub3A_136 : vector<16xf32>
    %mul3A_138 = arith.mulf %max3A_116, %mul3A_137 : vector<16xf32>
    %sub3A_139 = arith.constant 1.900000e+00 : f32
    %sub3A_140 = vector.broadcast %sub3A_139 : f32 to vector<16xf32>
    %sub3A_141 = arith.subf %mul3A_138, %sub3A_140 : vector<16xf32>
    %sub3A_142 = arith.constant 1.200000e+00 : f32
    %sub3A_143 = vector.broadcast %sub3A_142 : f32 to vector<16xf32>
    %sub3A_144 = arith.subf %sub3A_143, %mul3A_138 : vector<16xf32>
    %max3A_145 = arith.constant 0.000000e+00 : f32
    %max3A_146 = vector.broadcast %max3A_145 : f32 to vector<16xf32>
    %max3A_147 = arith.maximumf %sub3A_144, %max3A_146 : vector<16xf32>
    %max3A_148 = arith.maximumf %sub3A_141, %max3A_147 : vector<16xf32>
    %eq3A_149 = arith.constant 0 : i32
    %eq3A_150 = vector.broadcast %eq3A_149 : i32 to vector<16xi32>
    %eq3A_151 = arith.cmpi eq, %get3A_109, %eq3A_150 : vector<16xi32>
    %jit3A = arith.constant 0.000000e+00 : f32
    %broadcast_in_dim3A_152 = vector.broadcast %jit3A : f32 to vector<16xf32>
    %select_n3A = arith.select %eq3A_151, %broadcast_in_dim3A_152, %max3A_148 : vector<16xi1>, vector<16xf32>
    %add3A_153 = arith.addf %scan3A_83, %select_n3A : vector<16xf32>
    %scan3A_154 = arith.constant 249 : i32
    %scan3A_155 = arith.addi %scan3A_79, %scan3A_154 : i32
    %mul3A_156 = arith.constant 16 : i32
    %mul3A_157 = arith.muli %scan3A_155, %mul3A_156 : i32
    %get3A_158 = arith.index_cast %mul3A_157 : i32 to index
    %get3A_159 = tpu.vector_load %arg14[%get3A_158] {strides = array<i32>} : memref<4000xf32, #tpu.memory_space<vmem>>, vector<16xf32>,
    %get3A_160 = vector.shape_cast %get3A_159 : vector<16xf32> to vector<16xf32>
    %get3A_161 = arith.index_cast %mul3A_157 : i32 to index
    %get3A_162 = tpu.vector_load %arg17[%get3A_161] {strides = array<i32>} : memref<4000xf32, #tpu.memory_space<vmem>>, vector<16xf32>,
    %get3A_163 = vector.shape_cast %get3A_162 : vector<16xf32> to vector<16xf32>
    %sub3A_164 = arith.subf %get3A_160, %get3A_163 : vector<16xf32>
    %get3A_165 = arith.index_cast %mul3A_157 : i32 to index
    %get3A_166 = tpu.vector_load %arg15[%get3A_165] {strides = array<i32>} : memref<4000xf32, #tpu.memory_space<vmem>>, vector<16xf32>,
    %get3A_167 = vector.shape_cast %get3A_166 : vector<16xf32> to vector<16xf32>
    %get3A_168 = arith.index_cast %mul3A_157 : i32 to index
    %get3A_169 = tpu.vector_load %arg18[%get3A_168] {strides = array<i32>} : memref<4000xf32, #tpu.memory_space<vmem>>, vector<16xf32>,
    %get3A_170 = vector.shape_cast %get3A_169 : vector<16xf32> to vector<16xf32>
    %sub3A_171 = arith.subf %get3A_167, %get3A_170 : vector<16xf32>
    %get3A_172 = arith.index_cast %mul3A_157 : i32 to index
    %get3A_173 = tpu.vector_load %arg16[%get3A_172] {strides = array<i32>} : memref<4000xf32, #tpu.memory_space<vmem>>, vector<16xf32>,
    %get3A_174 = vector.shape_cast %get3A_173 : vector<16xf32> to vector<16xf32>
    %get3A_175 = arith.index_cast %mul3A_157 : i32 to index
    %get3A_176 = tpu.vector_load %arg19[%get3A_175] {strides = array<i32>} : memref<4000xf32, #tpu.memory_space<vmem>>, vector<16xf32>,
    %get3A_177 = vector.shape_cast %get3A_176 : vector<16xf32> to vector<16xf32>
    %sub3A_178 = arith.subf %get3A_174, %get3A_177 : vector<16xf32>
    %get3A_179 = arith.index_cast %mul3A_157 : i32 to index
    %get3A_180 = tpu.vector_load %arg12[%get3A_179] {strides = array<i32>} : memref<4000xi32, #tpu.memory_space<vmem>>, vector<16xi32>,
    %get3A_181 = vector.shape_cast %get3A_180 : vector<16xi32> to vector<16xi32>
    %mul3A_182 = arith.mulf %sub3A_164, %sub3A_164 : vector<16xf32>
    %mul3A_183 = arith.mulf %sub3A_171, %sub3A_171 : vector<16xf32>
    %add3A_184 = arith.addf %mul3A_182, %mul3A_183 : vector<16xf32>
    %mul3A_185 = arith.mulf %sub3A_178, %sub3A_178 : vector<16xf32>
    %add3A_186 = arith.addf %add3A_184, %mul3A_185 : vector<16xf32>
    %max3A_187 = arith.constant 1.000000e-30 : f32
    %max3A_188 = vector.broadcast %max3A_187 : f32 to vector<16xf32>
    %max3A_189 = arith.maximumf %add3A_186, %max3A_188 : vector<16xf32>
    %bitcast_convert_type3A_190 = tpu.bitcast %max3A_189 : vector<16xf32> -> vector<16xi32>
    %shift_right_arithmetic3A_191 = arith.constant 1 : i32
    %shift_right_arithmetic3A_192 = vector.broadcast %shift_right_arithmetic3A_191 : i32 to vector<16xi32>
    %shift_right_arithmetic3A_193 = arith.shrsi %bitcast_convert_type3A_190, %shift_right_arithmetic3A_192 : vector<16xi32>
    %sub3A_194 = arith.constant 1597463007 : i32
    %sub3A_195 = vector.broadcast %sub3A_194 : i32 to vector<16xi32>
    %sub3A_196 = arith.subi %sub3A_195, %shift_right_arithmetic3A_193 : vector<16xi32>
    %bitcast_convert_type3A_197 = tpu.bitcast %sub3A_196 : vector<16xi32> -> vector<16xf32>
    %mul3A_198 = arith.constant 5.000000e-01 : f32
    %mul3A_199 = vector.broadcast %mul3A_198 : f32 to vector<16xf32>
    %mul3A_200 = arith.mulf %mul3A_199, %max3A_189 : vector<16xf32>
    %mul3A_201 = arith.mulf %mul3A_200, %bitcast_convert_type3A_197 : vector<16xf32>
    %mul3A_202 = arith.mulf %mul3A_201, %bitcast_convert_type3A_197 : vector<16xf32>
    %sub3A_203 = arith.constant 1.500000e+00 : f32
    %sub3A_204 = vector.broadcast %sub3A_203 : f32 to vector<16xf32>
    %sub3A_205 = arith.subf %sub3A_204, %mul3A_202 : vector<16xf32>
    %mul3A_206 = arith.mulf %bitcast_convert_type3A_197, %sub3A_205 : vector<16xf32>
    %mul3A_207 = arith.mulf %mul3A_200, %mul3A_206 : vector<16xf32>
    %mul3A_208 = arith.mulf %mul3A_207, %mul3A_206 : vector<16xf32>
    %sub3A_209 = arith.constant 1.500000e+00 : f32
    %sub3A_210 = vector.broadcast %sub3A_209 : f32 to vector<16xf32>
    %sub3A_211 = arith.subf %sub3A_210, %mul3A_208 : vector<16xf32>
    %mul3A_212 = arith.mulf %mul3A_206, %sub3A_211 : vector<16xf32>
    %mul3A_213 = arith.mulf %max3A_189, %mul3A_212 : vector<16xf32>
    %sub3A_214 = arith.constant 1.900000e+00 : f32
    %sub3A_215 = vector.broadcast %sub3A_214 : f32 to vector<16xf32>
    %sub3A_216 = arith.subf %mul3A_213, %sub3A_215 : vector<16xf32>
    %sub3A_217 = arith.constant 1.200000e+00 : f32
    %sub3A_218 = vector.broadcast %sub3A_217 : f32 to vector<16xf32>
    %sub3A_219 = arith.subf %sub3A_218, %mul3A_213 : vector<16xf32>
    %max3A_220 = arith.constant 0.000000e+00 : f32
    %max3A_221 = vector.broadcast %max3A_220 : f32 to vector<16xf32>
    %max3A_222 = arith.maximumf %sub3A_219, %max3A_221 : vector<16xf32>
    %max3A_223 = arith.maximumf %sub3A_216, %max3A_222 : vector<16xf32>
    %eq3A_224 = arith.constant 0 : i32
    %eq3A_225 = vector.broadcast %eq3A_224 : i32 to vector<16xi32>
    %eq3A_226 = arith.cmpi eq, %get3A_181, %eq3A_225 : vector<16xi32>
    %jit3A_227 = arith.constant 0.000000e+00 : f32
    %broadcast_in_dim3A_228 = vector.broadcast %jit3A_227 : f32 to vector<16xf32>
    %select_n3A_229 = arith.select %eq3A_226, %broadcast_in_dim3A_228, %max3A_223 : vector<16xi1>, vector<16xf32>
    %add3A_230 = arith.addf %add3A_153, %select_n3A_229 : vector<16xf32>
    %scan3A_231 = arith.constant 250 : i32
    %dma_wait3A_232 = tpu.memref_slice %arg6[%add3A_64] : memref<6400000xi32, #tpu.memory_space<hbm>> -> memref<4000xi32, #tpu.memory_space<hbm>>
    %dma_wait3A_233 = tpu.memref_slice %arg6[%add3A_64] : memref<6400000xi32, #tpu.memory_space<hbm>> -> memref<4000xi32, #tpu.memory_space<hbm>>
    tpu.wait_dma2 semaphore(%arg30 : memref<!tpu.dma_semaphore, #tpu.memory_space<semaphore_mem>>) src(%dma_wait3A_233 : memref<4000xi32, #tpu.memory_space<hbm>>) dst(%arg13 : memref<4000xi32, #tpu.memory_space<vmem>>)
    %dma_wait3A_234 = arith.constant 0 : i32
    %dma_wait3A_235 = tpu.memref_slice %arg27[%dma_wait3A_234] : memref<100000xf32, #tpu.memory_space<vmem_shared>> -> memref<100000xf32, #tpu.memory_space<vmem_shared>>
    tpu.wait_indirect_dma semaphore(%arg31 : memref<!tpu.dma_semaphore, #tpu.memory_space<semaphore_mem>>) src(%dma_wait3A_235 : memref<100000xf32, #tpu.memory_space<vmem_shared>>) dst(%arg20 : memref<4000xf32, #tpu.memory_space<vmem>>)
    %dma_wait3A_236 = arith.constant 0 : i32
    %dma_wait3A_237 = tpu.memref_slice %arg28[%dma_wait3A_236] : memref<100000xf32, #tpu.memory_space<vmem_shared>> -> memref<100000xf32, #tpu.memory_space<vmem_shared>>
    tpu.wait_indirect_dma semaphore(%arg31 : memref<!tpu.dma_semaphore, #tpu.memory_space<semaphore_mem>>) src(%dma_wait3A_237 : memref<100000xf32, #tpu.memory_space<vmem_shared>>) dst(%arg21 : memref<4000xf32, #tpu.memory_space<vmem>>)
    %dma_wait3A_238 = arith.constant 0 : i32
    %dma_wait3A_239 = tpu.memref_slice %arg4[%dma_wait3A_238] : memref<100000xf32, #tpu.memory_space<hbm>> -> memref<100000xf32, #tpu.memory_space<hbm>>
    tpu.wait_indirect_dma semaphore(%arg32 : memref<!tpu.dma_semaphore, #tpu.memory_space<semaphore_mem>>) src(%dma_wait3A_239 : memref<100000xf32, #tpu.memory_space<hbm>>) dst(%arg22 : memref<4000xf32, #tpu.memory_space<vmem>>)
    %dma_wait3A_240 = arith.constant 0 : i32
    %dma_wait3A_241 = tpu.memref_slice %arg27[%dma_wait3A_240] : memref<100000xf32, #tpu.memory_space<vmem_shared>> -> memref<100000xf32, #tpu.memory_space<vmem_shared>>
    tpu.wait_indirect_dma semaphore(%arg31 : memref<!tpu.dma_semaphore, #tpu.memory_space<semaphore_mem>>) src(%dma_wait3A_241 : memref<100000xf32, #tpu.memory_space<vmem_shared>>) dst(%arg23 : memref<4000xf32, #tpu.memory_space<vmem>>)
    %dma_wait3A_242 = arith.constant 0 : i32
    %dma_wait3A_243 = tpu.memref_slice %arg28[%dma_wait3A_242] : memref<100000xf32, #tpu.memory_space<vmem_shared>> -> memref<100000xf32, #tpu.memory_space<vmem_shared>>
    tpu.wait_indirect_dma semaphore(%arg31 : memref<!tpu.dma_semaphore, #tpu.memory_space<semaphore_mem>>) src(%dma_wait3A_243 : memref<100000xf32, #tpu.memory_space<vmem_shared>>) dst(%arg24 : memref<4000xf32, #tpu.memory_space<vmem>>)
    %dma_wait3A_244 = arith.constant 0 : i32
    %dma_wait3A_245 = tpu.memref_slice %arg29[%dma_wait3A_244] : memref<100000xf32, #tpu.memory_space<vmem_shared>> -> memref<100000xf32, #tpu.memory_space<vmem_shared>>
    tpu.wait_indirect_dma semaphore(%arg31 : memref<!tpu.dma_semaphore, #tpu.memory_space<semaphore_mem>>) src(%dma_wait3A_245 : memref<100000xf32, #tpu.memory_space<vmem_shared>>) dst(%arg25 : memref<4000xf32, #tpu.memory_space<vmem>>)
    %scan3A_246 = arith.constant 0 : i32
    %scan3A_247 = arith.constant 248 : i32
    %scan3A_248 = arith.addi %scan3A_246, %scan3A_247 : i32
    %scan3A_249 = arith.constant 4 : i32
    %scan3A_250 = scf.for %scan3A_412 = %scan3A_246 to %scan3A_248 step %scan3A_249 iter_args(%scan3A_413 = %add3A_230) -> (vector<16xf32>)  : i32 {
      %mul3A_414 = arith.constant 16 : i32
      %mul3A_415 = arith.muli %scan3A_412, %mul3A_414 : i32
      %get3A_416 = arith.index_cast %mul3A_415 : i32 to index
      %get3A_417 = tpu.vector_load %arg20[%get3A_416] {strides = array<i32>} : memref<4000xf32, #tpu.memory_space<vmem>>, vector<16xf32>,
      %get3A_418 = vector.shape_cast %get3A_417 : vector<16xf32> to vector<16xf32>
      %get3A_419 = arith.index_cast %mul3A_415 : i32 to index
      %get3A_420 = tpu.vector_load %arg23[%get3A_419] {strides = array<i32>} : memref<4000xf32, #tpu.memory_space<vmem>>, vector<16xf32>,
      %get3A_421 = vector.shape_cast %get3A_420 : vector<16xf32> to vector<16xf32>
      %sub3A_422 = arith.subf %get3A_418, %get3A_421 : vector<16xf32>
      %get3A_423 = arith.index_cast %mul3A_415 : i32 to index
      %get3A_424 = tpu.vector_load %arg21[%get3A_423] {strides = array<i32>} : memref<4000xf32, #tpu.memory_space<vmem>>, vector<16xf32>,
      %get3A_425 = vector.shape_cast %get3A_424 : vector<16xf32> to vector<16xf32>
      %get3A_426 = arith.index_cast %mul3A_415 : i32 to index
      %get3A_427 = tpu.vector_load %arg24[%get3A_426] {strides = array<i32>} : memref<4000xf32, #tpu.memory_space<vmem>>, vector<16xf32>,
      %get3A_428 = vector.shape_cast %get3A_427 : vector<16xf32> to vector<16xf32>
      %sub3A_429 = arith.subf %get3A_425, %get3A_428 : vector<16xf32>
      %get3A_430 = arith.index_cast %mul3A_415 : i32 to index
      %get3A_431 = tpu.vector_load %arg22[%get3A_430] {strides = array<i32>} : memref<4000xf32, #tpu.memory_space<vmem>>, vector<16xf32>,
      %get3A_432 = vector.shape_cast %get3A_431 : vector<16xf32> to vector<16xf32>
      %get3A_433 = arith.index_cast %mul3A_415 : i32 to index
      %get3A_434 = tpu.vector_load %arg25[%get3A_433] {strides = array<i32>} : memref<4000xf32, #tpu.memory_space<vmem>>, vector<16xf32>,
      %get3A_435 = vector.shape_cast %get3A_434 : vector<16xf32> to vector<16xf32>
      %sub3A_436 = arith.subf %get3A_432, %get3A_435 : vector<16xf32>
      %get3A_437 = arith.index_cast %mul3A_415 : i32 to index
      %get3A_438 = tpu.vector_load %arg13[%get3A_437] {strides = array<i32>} : memref<4000xi32, #tpu.memory_space<vmem>>, vector<16xi32>,
      %get3A_439 = vector.shape_cast %get3A_438 : vector<16xi32> to vector<16xi32>
      %mul3A_440 = arith.mulf %sub3A_422, %sub3A_422 : vector<16xf32>
      %mul3A_441 = arith.mulf %sub3A_429, %sub3A_429 : vector<16xf32>
      %add3A_442 = arith.addf %mul3A_440, %mul3A_441 : vector<16xf32>
      %mul3A_443 = arith.mulf %sub3A_436, %sub3A_436 : vector<16xf32>
      %add3A_444 = arith.addf %add3A_442, %mul3A_443 : vector<16xf32>
      %max3A_445 = arith.constant 1.000000e-30 : f32
      %max3A_446 = vector.broadcast %max3A_445 : f32 to vector<16xf32>
      %max3A_447 = arith.maximumf %add3A_444, %max3A_446 : vector<16xf32>
      %bitcast_convert_type3A_448 = tpu.bitcast %max3A_447 : vector<16xf32> -> vector<16xi32>
      %shift_right_arithmetic3A_449 = arith.constant 1 : i32
      %shift_right_arithmetic3A_450 = vector.broadcast %shift_right_arithmetic3A_449 : i32 to vector<16xi32>
      %shift_right_arithmetic3A_451 = arith.shrsi %bitcast_convert_type3A_448, %shift_right_arithmetic3A_450 : vector<16xi32>
      %sub3A_452 = arith.constant 1597463007 : i32
      %sub3A_453 = vector.broadcast %sub3A_452 : i32 to vector<16xi32>
      %sub3A_454 = arith.subi %sub3A_453, %shift_right_arithmetic3A_451 : vector<16xi32>
      %bitcast_convert_type3A_455 = tpu.bitcast %sub3A_454 : vector<16xi32> -> vector<16xf32>
      %mul3A_456 = arith.constant 5.000000e-01 : f32
      %mul3A_457 = vector.broadcast %mul3A_456 : f32 to vector<16xf32>
      %mul3A_458 = arith.mulf %mul3A_457, %max3A_447 : vector<16xf32>
      %mul3A_459 = arith.mulf %mul3A_458, %bitcast_convert_type3A_455 : vector<16xf32>
      %mul3A_460 = arith.mulf %mul3A_459, %bitcast_convert_type3A_455 : vector<16xf32>
      %sub3A_461 = arith.constant 1.500000e+00 : f32
      %sub3A_462 = vector.broadcast %sub3A_461 : f32 to vector<16xf32>
      %sub3A_463 = arith.subf %sub3A_462, %mul3A_460 : vector<16xf32>
      %mul3A_464 = arith.mulf %bitcast_convert_type3A_455, %sub3A_463 : vector<16xf32>
      %mul3A_465 = arith.mulf %mul3A_458, %mul3A_464 : vector<16xf32>
      %mul3A_466 = arith.mulf %mul3A_465, %mul3A_464 : vector<16xf32>
      %sub3A_467 = arith.constant 1.500000e+00 : f32
      %sub3A_468 = vector.broadcast %sub3A_467 : f32 to vector<16xf32>
      %sub3A_469 = arith.subf %sub3A_468, %mul3A_466 : vector<16xf32>
      %mul3A_470 = arith.mulf %mul3A_464, %sub3A_469 : vector<16xf32>
      %mul3A_471 = arith.mulf %max3A_447, %mul3A_470 : vector<16xf32>
      %sub3A_472 = arith.constant 1.900000e+00 : f32
      %sub3A_473 = vector.broadcast %sub3A_472 : f32 to vector<16xf32>
      %sub3A_474 = arith.subf %mul3A_471, %sub3A_473 : vector<16xf32>
      %sub3A_475 = arith.constant 1.200000e+00 : f32
      %sub3A_476 = vector.broadcast %sub3A_475 : f32 to vector<16xf32>
      %sub3A_477 = arith.subf %sub3A_476, %mul3A_471 : vector<16xf32>
      %max3A_478 = arith.constant 0.000000e+00 : f32
      %max3A_479 = vector.broadcast %max3A_478 : f32 to vector<16xf32>
      %max3A_480 = arith.maximumf %sub3A_477, %max3A_479 : vector<16xf32>
      %max3A_481 = arith.maximumf %sub3A_474, %max3A_480 : vector<16xf32>
      %eq3A_482 = arith.constant 0 : i32
      %eq3A_483 = vector.broadcast %eq3A_482 : i32 to vector<16xi32>
      %eq3A_484 = arith.cmpi eq, %get3A_439, %eq3A_483 : vector<16xi32>
      %jit3A_485 = arith.constant 0.000000e+00 : f32
      %broadcast_in_dim3A_486 = vector.broadcast %jit3A_485 : f32 to vector<16xf32>
      %select_n3A_487 = arith.select %eq3A_484, %broadcast_in_dim3A_486, %max3A_481 : vector<16xi1>, vector<16xf32>
      %add3A_488 = arith.addf %scan3A_413, %select_n3A_487 : vector<16xf32>
      %scan3A_489 = arith.constant 1 : i32
      %scan3A_490 = arith.addi %scan3A_412, %scan3A_489 : i32
      %mul3A_491 = arith.constant 16 : i32
      %mul3A_492 = arith.muli %scan3A_490, %mul3A_491 : i32
      %get3A_493 = arith.index_cast %mul3A_492 : i32 to index
      %get3A_494 = tpu.vector_load %arg20[%get3A_493] {strides = array<i32>} : memref<4000xf32, #tpu.memory_space<vmem>>, vector<16xf32>,
      %get3A_495 = vector.shape_cast %get3A_494 : vector<16xf32> to vector<16xf32>
      %get3A_496 = arith.index_cast %mul3A_492 : i32 to index
      %get3A_497 = tpu.vector_load %arg23[%get3A_496] {strides = array<i32>} : memref<4000xf32, #tpu.memory_space<vmem>>, vector<16xf32>,
      %get3A_498 = vector.shape_cast %get3A_497 : vector<16xf32> to vector<16xf32>
      %sub3A_499 = arith.subf %get3A_495, %get3A_498 : vector<16xf32>
      %get3A_500 = arith.index_cast %mul3A_492 : i32 to index
      %get3A_501 = tpu.vector_load %arg21[%get3A_500] {strides = array<i32>} : memref<4000xf32, #tpu.memory_space<vmem>>, vector<16xf32>,
      %get3A_502 = vector.shape_cast %get3A_501 : vector<16xf32> to vector<16xf32>
      %get3A_503 = arith.index_cast %mul3A_492 : i32 to index
      %get3A_504 = tpu.vector_load %arg24[%get3A_503] {strides = array<i32>} : memref<4000xf32, #tpu.memory_space<vmem>>, vector<16xf32>,
      %get3A_505 = vector.shape_cast %get3A_504 : vector<16xf32> to vector<16xf32>
      %sub3A_506 = arith.subf %get3A_502, %get3A_505 : vector<16xf32>
      %get3A_507 = arith.index_cast %mul3A_492 : i32 to index
      %get3A_508 = tpu.vector_load %arg22[%get3A_507] {strides = array<i32>} : memref<4000xf32, #tpu.memory_space<vmem>>, vector<16xf32>,
      %get3A_509 = vector.shape_cast %get3A_508 : vector<16xf32> to vector<16xf32>
      %get3A_510 = arith.index_cast %mul3A_492 : i32 to index
      %get3A_511 = tpu.vector_load %arg25[%get3A_510] {strides = array<i32>} : memref<4000xf32, #tpu.memory_space<vmem>>, vector<16xf32>,
      %get3A_512 = vector.shape_cast %get3A_511 : vector<16xf32> to vector<16xf32>
      %sub3A_513 = arith.subf %get3A_509, %get3A_512 : vector<16xf32>
      %get3A_514 = arith.index_cast %mul3A_492 : i32 to index
      %get3A_515 = tpu.vector_load %arg13[%get3A_514] {strides = array<i32>} : memref<4000xi32, #tpu.memory_space<vmem>>, vector<16xi32>,
      %get3A_516 = vector.shape_cast %get3A_515 : vector<16xi32> to vector<16xi32>
      %mul3A_517 = arith.mulf %sub3A_499, %sub3A_499 : vector<16xf32>
      %mul3A_518 = arith.mulf %sub3A_506, %sub3A_506 : vector<16xf32>
      %add3A_519 = arith.addf %mul3A_517, %mul3A_518 : vector<16xf32>
      %mul3A_520 = arith.mulf %sub3A_513, %sub3A_513 : vector<16xf32>
      %add3A_521 = arith.addf %add3A_519, %mul3A_520 : vector<16xf32>
      %max3A_522 = arith.constant 1.000000e-30 : f32
      %max3A_523 = vector.broadcast %max3A_522 : f32 to vector<16xf32>
      %max3A_524 = arith.maximumf %add3A_521, %max3A_523 : vector<16xf32>
      %bitcast_convert_type3A_525 = tpu.bitcast %max3A_524 : vector<16xf32> -> vector<16xi32>
      %shift_right_arithmetic3A_526 = arith.constant 1 : i32
      %shift_right_arithmetic3A_527 = vector.broadcast %shift_right_arithmetic3A_526 : i32 to vector<16xi32>
      %shift_right_arithmetic3A_528 = arith.shrsi %bitcast_convert_type3A_525, %shift_right_arithmetic3A_527 : vector<16xi32>
      %sub3A_529 = arith.constant 1597463007 : i32
      %sub3A_530 = vector.broadcast %sub3A_529 : i32 to vector<16xi32>
      %sub3A_531 = arith.subi %sub3A_530, %shift_right_arithmetic3A_528 : vector<16xi32>
      %bitcast_convert_type3A_532 = tpu.bitcast %sub3A_531 : vector<16xi32> -> vector<16xf32>
      %mul3A_533 = arith.constant 5.000000e-01 : f32
      %mul3A_534 = vector.broadcast %mul3A_533 : f32 to vector<16xf32>
      %mul3A_535 = arith.mulf %mul3A_534, %max3A_524 : vector<16xf32>
      %mul3A_536 = arith.mulf %mul3A_535, %bitcast_convert_type3A_532 : vector<16xf32>
      %mul3A_537 = arith.mulf %mul3A_536, %bitcast_convert_type3A_532 : vector<16xf32>
      %sub3A_538 = arith.constant 1.500000e+00 : f32
      %sub3A_539 = vector.broadcast %sub3A_538 : f32 to vector<16xf32>
      %sub3A_540 = arith.subf %sub3A_539, %mul3A_537 : vector<16xf32>
      %mul3A_541 = arith.mulf %bitcast_convert_type3A_532, %sub3A_540 : vector<16xf32>
      %mul3A_542 = arith.mulf %mul3A_535, %mul3A_541 : vector<16xf32>
      %mul3A_543 = arith.mulf %mul3A_542, %mul3A_541 : vector<16xf32>
      %sub3A_544 = arith.constant 1.500000e+00 : f32
      %sub3A_545 = vector.broadcast %sub3A_544 : f32 to vector<16xf32>
      %sub3A_546 = arith.subf %sub3A_545, %mul3A_543 : vector<16xf32>
      %mul3A_547 = arith.mulf %mul3A_541, %sub3A_546 : vector<16xf32>
      %mul3A_548 = arith.mulf %max3A_524, %mul3A_547 : vector<16xf32>
      %sub3A_549 = arith.constant 1.900000e+00 : f32
      %sub3A_550 = vector.broadcast %sub3A_549 : f32 to vector<16xf32>
      %sub3A_551 = arith.subf %mul3A_548, %sub3A_550 : vector<16xf32>
      %sub3A_552 = arith.constant 1.200000e+00 : f32
      %sub3A_553 = vector.broadcast %sub3A_552 : f32 to vector<16xf32>
      %sub3A_554 = arith.subf %sub3A_553, %mul3A_548 : vector<16xf32>
      %max3A_555 = arith.constant 0.000000e+00 : f32
      %max3A_556 = vector.broadcast %max3A_555 : f32 to vector<16xf32>
      %max3A_557 = arith.maximumf %sub3A_554, %max3A_556 : vector<16xf32>
      %max3A_558 = arith.maximumf %sub3A_551, %max3A_557 : vector<16xf32>
      %eq3A_559 = arith.constant 0 : i32
      %eq3A_560 = vector.broadcast %eq3A_559 : i32 to vector<16xi32>
      %eq3A_561 = arith.cmpi eq, %get3A_516, %eq3A_560 : vector<16xi32>
      %jit3A_562 = arith.constant 0.000000e+00 : f32
      %broadcast_in_dim3A_563 = vector.broadcast %jit3A_562 : f32 to vector<16xf32>
      %select_n3A_564 = arith.select %eq3A_561, %broadcast_in_dim3A_563, %max3A_558 : vector<16xi1>, vector<16xf32>
      %add3A_565 = arith.addf %add3A_488, %select_n3A_564 : vector<16xf32>
      %scan3A_566 = arith.constant 2 : i32
      %scan3A_567 = arith.addi %scan3A_412, %scan3A_566 : i32
      %mul3A_568 = arith.constant 16 : i32
      %mul3A_569 = arith.muli %scan3A_567, %mul3A_568 : i32
      %get3A_570 = arith.index_cast %mul3A_569 : i32 to index
      %get3A_571 = tpu.vector_load %arg20[%get3A_570] {strides = array<i32>} : memref<4000xf32, #tpu.memory_space<vmem>>, vector<16xf32>,
      %get3A_572 = vector.shape_cast %get3A_571 : vector<16xf32> to vector<16xf32>
      %get3A_573 = arith.index_cast %mul3A_569 : i32 to index
      %get3A_574 = tpu.vector_load %arg23[%get3A_573] {strides = array<i32>} : memref<4000xf32, #tpu.memory_space<vmem>>, vector<16xf32>,
      %get3A_575 = vector.shape_cast %get3A_574 : vector<16xf32> to vector<16xf32>
      %sub3A_576 = arith.subf %get3A_572, %get3A_575 : vector<16xf32>
      %get3A_577 = arith.index_cast %mul3A_569 : i32 to index
      %get3A_578 = tpu.vector_load %arg21[%get3A_577] {strides = array<i32>} : memref<4000xf32, #tpu.memory_space<vmem>>, vector<16xf32>,
      %get3A_579 = vector.shape_cast %get3A_578 : vector<16xf32> to vector<16xf32>
      %get3A_580 = arith.index_cast %mul3A_569 : i32 to index
      %get3A_581 = tpu.vector_load %arg24[%get3A_580] {strides = array<i32>} : memref<4000xf32, #tpu.memory_space<vmem>>, vector<16xf32>,
      %get3A_582 = vector.shape_cast %get3A_581 : vector<16xf32> to vector<16xf32>
      %sub3A_583 = arith.subf %get3A_579, %get3A_582 : vector<16xf32>
      %get3A_584 = arith.index_cast %mul3A_569 : i32 to index
      %get3A_585 = tpu.vector_load %arg22[%get3A_584] {strides = array<i32>} : memref<4000xf32, #tpu.memory_space<vmem>>, vector<16xf32>,
      %get3A_586 = vector.shape_cast %get3A_585 : vector<16xf32> to vector<16xf32>
      %get3A_587 = arith.index_cast %mul3A_569 : i32 to index
      %get3A_588 = tpu.vector_load %arg25[%get3A_587] {strides = array<i32>} : memref<4000xf32, #tpu.memory_space<vmem>>, vector<16xf32>,
      %get3A_589 = vector.shape_cast %get3A_588 : vector<16xf32> to vector<16xf32>
      %sub3A_590 = arith.subf %get3A_586, %get3A_589 : vector<16xf32>
      %get3A_591 = arith.index_cast %mul3A_569 : i32 to index
      %get3A_592 = tpu.vector_load %arg13[%get3A_591] {strides = array<i32>} : memref<4000xi32, #tpu.memory_space<vmem>>, vector<16xi32>,
      %get3A_593 = vector.shape_cast %get3A_592 : vector<16xi32> to vector<16xi32>
      %mul3A_594 = arith.mulf %sub3A_576, %sub3A_576 : vector<16xf32>
      %mul3A_595 = arith.mulf %sub3A_583, %sub3A_583 : vector<16xf32>
      %add3A_596 = arith.addf %mul3A_594, %mul3A_595 : vector<16xf32>
      %mul3A_597 = arith.mulf %sub3A_590, %sub3A_590 : vector<16xf32>
      %add3A_598 = arith.addf %add3A_596, %mul3A_597 : vector<16xf32>
      %max3A_599 = arith.constant 1.000000e-30 : f32
      %max3A_600 = vector.broadcast %max3A_599 : f32 to vector<16xf32>
      %max3A_601 = arith.maximumf %add3A_598, %max3A_600 : vector<16xf32>
      %bitcast_convert_type3A_602 = tpu.bitcast %max3A_601 : vector<16xf32> -> vector<16xi32>
      %shift_right_arithmetic3A_603 = arith.constant 1 : i32
      %shift_right_arithmetic3A_604 = vector.broadcast %shift_right_arithmetic3A_603 : i32 to vector<16xi32>
      %shift_right_arithmetic3A_605 = arith.shrsi %bitcast_convert_type3A_602, %shift_right_arithmetic3A_604 : vector<16xi32>
      %sub3A_606 = arith.constant 1597463007 : i32
      %sub3A_607 = vector.broadcast %sub3A_606 : i32 to vector<16xi32>
      %sub3A_608 = arith.subi %sub3A_607, %shift_right_arithmetic3A_605 : vector<16xi32>
      %bitcast_convert_type3A_609 = tpu.bitcast %sub3A_608 : vector<16xi32> -> vector<16xf32>
      %mul3A_610 = arith.constant 5.000000e-01 : f32
      %mul3A_611 = vector.broadcast %mul3A_610 : f32 to vector<16xf32>
      %mul3A_612 = arith.mulf %mul3A_611, %max3A_601 : vector<16xf32>
      %mul3A_613 = arith.mulf %mul3A_612, %bitcast_convert_type3A_609 : vector<16xf32>
      %mul3A_614 = arith.mulf %mul3A_613, %bitcast_convert_type3A_609 : vector<16xf32>
      %sub3A_615 = arith.constant 1.500000e+00 : f32
      %sub3A_616 = vector.broadcast %sub3A_615 : f32 to vector<16xf32>
      %sub3A_617 = arith.subf %sub3A_616, %mul3A_614 : vector<16xf32>
      %mul3A_618 = arith.mulf %bitcast_convert_type3A_609, %sub3A_617 : vector<16xf32>
      %mul3A_619 = arith.mulf %mul3A_612, %mul3A_618 : vector<16xf32>
      %mul3A_620 = arith.mulf %mul3A_619, %mul3A_618 : vector<16xf32>
      %sub3A_621 = arith.constant 1.500000e+00 : f32
      %sub3A_622 = vector.broadcast %sub3A_621 : f32 to vector<16xf32>
      %sub3A_623 = arith.subf %sub3A_622, %mul3A_620 : vector<16xf32>
      %mul3A_624 = arith.mulf %mul3A_618, %sub3A_623 : vector<16xf32>
      %mul3A_625 = arith.mulf %max3A_601, %mul3A_624 : vector<16xf32>
      %sub3A_626 = arith.constant 1.900000e+00 : f32
      %sub3A_627 = vector.broadcast %sub3A_626 : f32 to vector<16xf32>
      %sub3A_628 = arith.subf %mul3A_625, %sub3A_627 : vector<16xf32>
      %sub3A_629 = arith.constant 1.200000e+00 : f32
      %sub3A_630 = vector.broadcast %sub3A_629 : f32 to vector<16xf32>
      %sub3A_631 = arith.subf %sub3A_630, %mul3A_625 : vector<16xf32>
      %max3A_632 = arith.constant 0.000000e+00 : f32
      %max3A_633 = vector.broadcast %max3A_632 : f32 to vector<16xf32>
      %max3A_634 = arith.maximumf %sub3A_631, %max3A_633 : vector<16xf32>
      %max3A_635 = arith.maximumf %sub3A_628, %max3A_634 : vector<16xf32>
      %eq3A_636 = arith.constant 0 : i32
      %eq3A_637 = vector.broadcast %eq3A_636 : i32 to vector<16xi32>
      %eq3A_638 = arith.cmpi eq, %get3A_593, %eq3A_637 : vector<16xi32>
      %jit3A_639 = arith.constant 0.000000e+00 : f32
      %broadcast_in_dim3A_640 = vector.broadcast %jit3A_639 : f32 to vector<16xf32>
      %select_n3A_641 = arith.select %eq3A_638, %broadcast_in_dim3A_640, %max3A_635 : vector<16xi1>, vector<16xf32>
      %add3A_642 = arith.addf %add3A_565, %select_n3A_641 : vector<16xf32>
      %scan3A_643 = arith.constant 3 : i32
      %scan3A_644 = arith.addi %scan3A_412, %scan3A_643 : i32
      %mul3A_645 = arith.constant 16 : i32
      %mul3A_646 = arith.muli %scan3A_644, %mul3A_645 : i32
      %get3A_647 = arith.index_cast %mul3A_646 : i32 to index
      %get3A_648 = tpu.vector_load %arg20[%get3A_647] {strides = array<i32>} : memref<4000xf32, #tpu.memory_space<vmem>>, vector<16xf32>,
      %get3A_649 = vector.shape_cast %get3A_648 : vector<16xf32> to vector<16xf32>
      %get3A_650 = arith.index_cast %mul3A_646 : i32 to index
      %get3A_651 = tpu.vector_load %arg23[%get3A_650] {strides = array<i32>} : memref<4000xf32, #tpu.memory_space<vmem>>, vector<16xf32>,
      %get3A_652 = vector.shape_cast %get3A_651 : vector<16xf32> to vector<16xf32>
      %sub3A_653 = arith.subf %get3A_649, %get3A_652 : vector<16xf32>
      %get3A_654 = arith.index_cast %mul3A_646 : i32 to index
      %get3A_655 = tpu.vector_load %arg21[%get3A_654] {strides = array<i32>} : memref<4000xf32, #tpu.memory_space<vmem>>, vector<16xf32>,
      %get3A_656 = vector.shape_cast %get3A_655 : vector<16xf32> to vector<16xf32>
      %get3A_657 = arith.index_cast %mul3A_646 : i32 to index
      %get3A_658 = tpu.vector_load %arg24[%get3A_657] {strides = array<i32>} : memref<4000xf32, #tpu.memory_space<vmem>>, vector<16xf32>,
      %get3A_659 = vector.shape_cast %get3A_658 : vector<16xf32> to vector<16xf32>
      %sub3A_660 = arith.subf %get3A_656, %get3A_659 : vector<16xf32>
      %get3A_661 = arith.index_cast %mul3A_646 : i32 to index
      %get3A_662 = tpu.vector_load %arg22[%get3A_661] {strides = array<i32>} : memref<4000xf32, #tpu.memory_space<vmem>>, vector<16xf32>,
      %get3A_663 = vector.shape_cast %get3A_662 : vector<16xf32> to vector<16xf32>
      %get3A_664 = arith.index_cast %mul3A_646 : i32 to index
      %get3A_665 = tpu.vector_load %arg25[%get3A_664] {strides = array<i32>} : memref<4000xf32, #tpu.memory_space<vmem>>, vector<16xf32>,
      %get3A_666 = vector.shape_cast %get3A_665 : vector<16xf32> to vector<16xf32>
      %sub3A_667 = arith.subf %get3A_663, %get3A_666 : vector<16xf32>
      %get3A_668 = arith.index_cast %mul3A_646 : i32 to index
      %get3A_669 = tpu.vector_load %arg13[%get3A_668] {strides = array<i32>} : memref<4000xi32, #tpu.memory_space<vmem>>, vector<16xi32>,
      %get3A_670 = vector.shape_cast %get3A_669 : vector<16xi32> to vector<16xi32>
      %mul3A_671 = arith.mulf %sub3A_653, %sub3A_653 : vector<16xf32>
      %mul3A_672 = arith.mulf %sub3A_660, %sub3A_660 : vector<16xf32>
      %add3A_673 = arith.addf %mul3A_671, %mul3A_672 : vector<16xf32>
      %mul3A_674 = arith.mulf %sub3A_667, %sub3A_667 : vector<16xf32>
      %add3A_675 = arith.addf %add3A_673, %mul3A_674 : vector<16xf32>
      %max3A_676 = arith.constant 1.000000e-30 : f32
      %max3A_677 = vector.broadcast %max3A_676 : f32 to vector<16xf32>
      %max3A_678 = arith.maximumf %add3A_675, %max3A_677 : vector<16xf32>
      %bitcast_convert_type3A_679 = tpu.bitcast %max3A_678 : vector<16xf32> -> vector<16xi32>
      %shift_right_arithmetic3A_680 = arith.constant 1 : i32
      %shift_right_arithmetic3A_681 = vector.broadcast %shift_right_arithmetic3A_680 : i32 to vector<16xi32>
      %shift_right_arithmetic3A_682 = arith.shrsi %bitcast_convert_type3A_679, %shift_right_arithmetic3A_681 : vector<16xi32>
      %sub3A_683 = arith.constant 1597463007 : i32
      %sub3A_684 = vector.broadcast %sub3A_683 : i32 to vector<16xi32>
      %sub3A_685 = arith.subi %sub3A_684, %shift_right_arithmetic3A_682 : vector<16xi32>
      %bitcast_convert_type3A_686 = tpu.bitcast %sub3A_685 : vector<16xi32> -> vector<16xf32>
      %mul3A_687 = arith.constant 5.000000e-01 : f32
      %mul3A_688 = vector.broadcast %mul3A_687 : f32 to vector<16xf32>
      %mul3A_689 = arith.mulf %mul3A_688, %max3A_678 : vector<16xf32>
      %mul3A_690 = arith.mulf %mul3A_689, %bitcast_convert_type3A_686 : vector<16xf32>
      %mul3A_691 = arith.mulf %mul3A_690, %bitcast_convert_type3A_686 : vector<16xf32>
      %sub3A_692 = arith.constant 1.500000e+00 : f32
      %sub3A_693 = vector.broadcast %sub3A_692 : f32 to vector<16xf32>
      %sub3A_694 = arith.subf %sub3A_693, %mul3A_691 : vector<16xf32>
      %mul3A_695 = arith.mulf %bitcast_convert_type3A_686, %sub3A_694 : vector<16xf32>
      %mul3A_696 = arith.mulf %mul3A_689, %mul3A_695 : vector<16xf32>
      %mul3A_697 = arith.mulf %mul3A_696, %mul3A_695 : vector<16xf32>
      %sub3A_698 = arith.constant 1.500000e+00 : f32
      %sub3A_699 = vector.broadcast %sub3A_698 : f32 to vector<16xf32>
      %sub3A_700 = arith.subf %sub3A_699, %mul3A_697 : vector<16xf32>
      %mul3A_701 = arith.mulf %mul3A_695, %sub3A_700 : vector<16xf32>
      %mul3A_702 = arith.mulf %max3A_678, %mul3A_701 : vector<16xf32>
      %sub3A_703 = arith.constant 1.900000e+00 : f32
      %sub3A_704 = vector.broadcast %sub3A_703 : f32 to vector<16xf32>
      %sub3A_705 = arith.subf %mul3A_702, %sub3A_704 : vector<16xf32>
      %sub3A_706 = arith.constant 1.200000e+00 : f32
      %sub3A_707 = vector.broadcast %sub3A_706 : f32 to vector<16xf32>
      %sub3A_708 = arith.subf %sub3A_707, %mul3A_702 : vector<16xf32>
      %max3A_709 = arith.constant 0.000000e+00 : f32
      %max3A_710 = vector.broadcast %max3A_709 : f32 to vector<16xf32>
      %max3A_711 = arith.maximumf %sub3A_708, %max3A_710 : vector<16xf32>
      %max3A_712 = arith.maximumf %sub3A_705, %max3A_711 : vector<16xf32>
      %eq3A_713 = arith.constant 0 : i32
      %eq3A_714 = vector.broadcast %eq3A_713 : i32 to vector<16xi32>
      %eq3A_715 = arith.cmpi eq, %get3A_670, %eq3A_714 : vector<16xi32>
      %jit3A_716 = arith.constant 0.000000e+00 : f32
      %broadcast_in_dim3A_717 = vector.broadcast %jit3A_716 : f32 to vector<16xf32>
      %select_n3A_718 = arith.select %eq3A_715, %broadcast_in_dim3A_717, %max3A_712 : vector<16xi1>, vector<16xf32>
      %add3A_719 = arith.addf %add3A_642, %select_n3A_718 : vector<16xf32>
      scf.yield %add3A_719 : vector<16xf32>
    }
    %scan3A_251 = arith.constant 248 : i32
    %scan3A_252 = arith.addi %scan3A_246, %scan3A_251 : i32
    %mul3A_253 = arith.constant 16 : i32
    %mul3A_254 = arith.muli %scan3A_252, %mul3A_253 : i32
    %get3A_255 = arith.index_cast %mul3A_254 : i32 to index
    %get3A_256 = tpu.vector_load %arg20[%get3A_255] {strides = array<i32>} : memref<4000xf32, #tpu.memory_space<vmem>>, vector<16xf32>,
    %get3A_257 = vector.shape_cast %get3A_256 : vector<16xf32> to vector<16xf32>
    %get3A_258 = arith.index_cast %mul3A_254 : i32 to index
    %get3A_259 = tpu.vector_load %arg23[%get3A_258] {strides = array<i32>} : memref<4000xf32, #tpu.memory_space<vmem>>, vector<16xf32>,
    %get3A_260 = vector.shape_cast %get3A_259 : vector<16xf32> to vector<16xf32>
    %sub3A_261 = arith.subf %get3A_257, %get3A_260 : vector<16xf32>
    %get3A_262 = arith.index_cast %mul3A_254 : i32 to index
    %get3A_263 = tpu.vector_load %arg21[%get3A_262] {strides = array<i32>} : memref<4000xf32, #tpu.memory_space<vmem>>, vector<16xf32>,
    %get3A_264 = vector.shape_cast %get3A_263 : vector<16xf32> to vector<16xf32>
    %get3A_265 = arith.index_cast %mul3A_254 : i32 to index
    %get3A_266 = tpu.vector_load %arg24[%get3A_265] {strides = array<i32>} : memref<4000xf32, #tpu.memory_space<vmem>>, vector<16xf32>,
    %get3A_267 = vector.shape_cast %get3A_266 : vector<16xf32> to vector<16xf32>
    %sub3A_268 = arith.subf %get3A_264, %get3A_267 : vector<16xf32>
    %get3A_269 = arith.index_cast %mul3A_254 : i32 to index
    %get3A_270 = tpu.vector_load %arg22[%get3A_269] {strides = array<i32>} : memref<4000xf32, #tpu.memory_space<vmem>>, vector<16xf32>,
    %get3A_271 = vector.shape_cast %get3A_270 : vector<16xf32> to vector<16xf32>
    %get3A_272 = arith.index_cast %mul3A_254 : i32 to index
    %get3A_273 = tpu.vector_load %arg25[%get3A_272] {strides = array<i32>} : memref<4000xf32, #tpu.memory_space<vmem>>, vector<16xf32>,
    %get3A_274 = vector.shape_cast %get3A_273 : vector<16xf32> to vector<16xf32>
    %sub3A_275 = arith.subf %get3A_271, %get3A_274 : vector<16xf32>
    %get3A_276 = arith.index_cast %mul3A_254 : i32 to index
    %get3A_277 = tpu.vector_load %arg13[%get3A_276] {strides = array<i32>} : memref<4000xi32, #tpu.memory_space<vmem>>, vector<16xi32>,
    %get3A_278 = vector.shape_cast %get3A_277 : vector<16xi32> to vector<16xi32>
    %mul3A_279 = arith.mulf %sub3A_261, %sub3A_261 : vector<16xf32>
    %mul3A_280 = arith.mulf %sub3A_268, %sub3A_268 : vector<16xf32>
    %add3A_281 = arith.addf %mul3A_279, %mul3A_280 : vector<16xf32>
    %mul3A_282 = arith.mulf %sub3A_275, %sub3A_275 : vector<16xf32>
    %add3A_283 = arith.addf %add3A_281, %mul3A_282 : vector<16xf32>
    %max3A_284 = arith.constant 1.000000e-30 : f32
    %max3A_285 = vector.broadcast %max3A_284 : f32 to vector<16xf32>
    %max3A_286 = arith.maximumf %add3A_283, %max3A_285 : vector<16xf32>
    %bitcast_convert_type3A_287 = tpu.bitcast %max3A_286 : vector<16xf32> -> vector<16xi32>
    %shift_right_arithmetic3A_288 = arith.constant 1 : i32
    %shift_right_arithmetic3A_289 = vector.broadcast %shift_right_arithmetic3A_288 : i32 to vector<16xi32>
    %shift_right_arithmetic3A_290 = arith.shrsi %bitcast_convert_type3A_287, %shift_right_arithmetic3A_289 : vector<16xi32>
    %sub3A_291 = arith.constant 1597463007 : i32
    %sub3A_292 = vector.broadcast %sub3A_291 : i32 to vector<16xi32>
    %sub3A_293 = arith.subi %sub3A_292, %shift_right_arithmetic3A_290 : vector<16xi32>
    %bitcast_convert_type3A_294 = tpu.bitcast %sub3A_293 : vector<16xi32> -> vector<16xf32>
    %mul3A_295 = arith.constant 5.000000e-01 : f32
    %mul3A_296 = vector.broadcast %mul3A_295 : f32 to vector<16xf32>
    %mul3A_297 = arith.mulf %mul3A_296, %max3A_286 : vector<16xf32>
    %mul3A_298 = arith.mulf %mul3A_297, %bitcast_convert_type3A_294 : vector<16xf32>
    %mul3A_299 = arith.mulf %mul3A_298, %bitcast_convert_type3A_294 : vector<16xf32>
    %sub3A_300 = arith.constant 1.500000e+00 : f32
    %sub3A_301 = vector.broadcast %sub3A_300 : f32 to vector<16xf32>
    %sub3A_302 = arith.subf %sub3A_301, %mul3A_299 : vector<16xf32>
    %mul3A_303 = arith.mulf %bitcast_convert_type3A_294, %sub3A_302 : vector<16xf32>
    %mul3A_304 = arith.mulf %mul3A_297, %mul3A_303 : vector<16xf32>
    %mul3A_305 = arith.mulf %mul3A_304, %mul3A_303 : vector<16xf32>
    %sub3A_306 = arith.constant 1.500000e+00 : f32
    %sub3A_307 = vector.broadcast %sub3A_306 : f32 to vector<16xf32>
    %sub3A_308 = arith.subf %sub3A_307, %mul3A_305 : vector<16xf32>
    %mul3A_309 = arith.mulf %mul3A_303, %sub3A_308 : vector<16xf32>
    %mul3A_310 = arith.mulf %max3A_286, %mul3A_309 : vector<16xf32>
    %sub3A_311 = arith.constant 1.900000e+00 : f32
    %sub3A_312 = vector.broadcast %sub3A_311 : f32 to vector<16xf32>
    %sub3A_313 = arith.subf %mul3A_310, %sub3A_312 : vector<16xf32>
    %sub3A_314 = arith.constant 1.200000e+00 : f32
    %sub3A_315 = vector.broadcast %sub3A_314 : f32 to vector<16xf32>
    %sub3A_316 = arith.subf %sub3A_315, %mul3A_310 : vector<16xf32>
    %max3A_317 = arith.constant 0.000000e+00 : f32
    %max3A_318 = vector.broadcast %max3A_317 : f32 to vector<16xf32>
    %max3A_319 = arith.maximumf %sub3A_316, %max3A_318 : vector<16xf32>
    %max3A_320 = arith.maximumf %sub3A_313, %max3A_319 : vector<16xf32>
    %eq3A_321 = arith.constant 0 : i32
    %eq3A_322 = vector.broadcast %eq3A_321 : i32 to vector<16xi32>
    %eq3A_323 = arith.cmpi eq, %get3A_278, %eq3A_322 : vector<16xi32>
    %jit3A_324 = arith.constant 0.000000e+00 : f32
    %broadcast_in_dim3A_325 = vector.broadcast %jit3A_324 : f32 to vector<16xf32>
    %select_n3A_326 = arith.select %eq3A_323, %broadcast_in_dim3A_325, %max3A_320 : vector<16xi1>, vector<16xf32>
    %add3A_327 = arith.addf %scan3A_250, %select_n3A_326 : vector<16xf32>
    %scan3A_328 = arith.constant 249 : i32
    %scan3A_329 = arith.addi %scan3A_246, %scan3A_328 : i32
    %mul3A_330 = arith.constant 16 : i32
    %mul3A_331 = arith.muli %scan3A_329, %mul3A_330 : i32
    %get3A_332 = arith.index_cast %mul3A_331 : i32 to index
    %get3A_333 = tpu.vector_load %arg20[%get3A_332] {strides = array<i32>} : memref<4000xf32, #tpu.memory_space<vmem>>, vector<16xf32>,
    %get3A_334 = vector.shape_cast %get3A_333 : vector<16xf32> to vector<16xf32>
    %get3A_335 = arith.index_cast %mul3A_331 : i32 to index
    %get3A_336 = tpu.vector_load %arg23[%get3A_335] {strides = array<i32>} : memref<4000xf32, #tpu.memory_space<vmem>>, vector<16xf32>,
    %get3A_337 = vector.shape_cast %get3A_336 : vector<16xf32> to vector<16xf32>
    %sub3A_338 = arith.subf %get3A_334, %get3A_337 : vector<16xf32>
    %get3A_339 = arith.index_cast %mul3A_331 : i32 to index
    %get3A_340 = tpu.vector_load %arg21[%get3A_339] {strides = array<i32>} : memref<4000xf32, #tpu.memory_space<vmem>>, vector<16xf32>,
    %get3A_341 = vector.shape_cast %get3A_340 : vector<16xf32> to vector<16xf32>
    %get3A_342 = arith.index_cast %mul3A_331 : i32 to index
    %get3A_343 = tpu.vector_load %arg24[%get3A_342] {strides = array<i32>} : memref<4000xf32, #tpu.memory_space<vmem>>, vector<16xf32>,
    %get3A_344 = vector.shape_cast %get3A_343 : vector<16xf32> to vector<16xf32>
    %sub3A_345 = arith.subf %get3A_341, %get3A_344 : vector<16xf32>
    %get3A_346 = arith.index_cast %mul3A_331 : i32 to index
    %get3A_347 = tpu.vector_load %arg22[%get3A_346] {strides = array<i32>} : memref<4000xf32, #tpu.memory_space<vmem>>, vector<16xf32>,
    %get3A_348 = vector.shape_cast %get3A_347 : vector<16xf32> to vector<16xf32>
    %get3A_349 = arith.index_cast %mul3A_331 : i32 to index
    %get3A_350 = tpu.vector_load %arg25[%get3A_349] {strides = array<i32>} : memref<4000xf32, #tpu.memory_space<vmem>>, vector<16xf32>,
    %get3A_351 = vector.shape_cast %get3A_350 : vector<16xf32> to vector<16xf32>
    %sub3A_352 = arith.subf %get3A_348, %get3A_351 : vector<16xf32>
    %get3A_353 = arith.index_cast %mul3A_331 : i32 to index
    %get3A_354 = tpu.vector_load %arg13[%get3A_353] {strides = array<i32>} : memref<4000xi32, #tpu.memory_space<vmem>>, vector<16xi32>,
    %get3A_355 = vector.shape_cast %get3A_354 : vector<16xi32> to vector<16xi32>
    %mul3A_356 = arith.mulf %sub3A_338, %sub3A_338 : vector<16xf32>
    %mul3A_357 = arith.mulf %sub3A_345, %sub3A_345 : vector<16xf32>
    %add3A_358 = arith.addf %mul3A_356, %mul3A_357 : vector<16xf32>
    %mul3A_359 = arith.mulf %sub3A_352, %sub3A_352 : vector<16xf32>
    %add3A_360 = arith.addf %add3A_358, %mul3A_359 : vector<16xf32>
    %max3A_361 = arith.constant 1.000000e-30 : f32
    %max3A_362 = vector.broadcast %max3A_361 : f32 to vector<16xf32>
    %max3A_363 = arith.maximumf %add3A_360, %max3A_362 : vector<16xf32>
    %bitcast_convert_type3A_364 = tpu.bitcast %max3A_363 : vector<16xf32> -> vector<16xi32>
    %shift_right_arithmetic3A_365 = arith.constant 1 : i32
    %shift_right_arithmetic3A_366 = vector.broadcast %shift_right_arithmetic3A_365 : i32 to vector<16xi32>
    %shift_right_arithmetic3A_367 = arith.shrsi %bitcast_convert_type3A_364, %shift_right_arithmetic3A_366 : vector<16xi32>
    %sub3A_368 = arith.constant 1597463007 : i32
    %sub3A_369 = vector.broadcast %sub3A_368 : i32 to vector<16xi32>
    %sub3A_370 = arith.subi %sub3A_369, %shift_right_arithmetic3A_367 : vector<16xi32>
    %bitcast_convert_type3A_371 = tpu.bitcast %sub3A_370 : vector<16xi32> -> vector<16xf32>
    %mul3A_372 = arith.constant 5.000000e-01 : f32
    %mul3A_373 = vector.broadcast %mul3A_372 : f32 to vector<16xf32>
    %mul3A_374 = arith.mulf %mul3A_373, %max3A_363 : vector<16xf32>
    %mul3A_375 = arith.mulf %mul3A_374, %bitcast_convert_type3A_371 : vector<16xf32>
    %mul3A_376 = arith.mulf %mul3A_375, %bitcast_convert_type3A_371 : vector<16xf32>
    %sub3A_377 = arith.constant 1.500000e+00 : f32
    %sub3A_378 = vector.broadcast %sub3A_377 : f32 to vector<16xf32>
    %sub3A_379 = arith.subf %sub3A_378, %mul3A_376 : vector<16xf32>
    %mul3A_380 = arith.mulf %bitcast_convert_type3A_371, %sub3A_379 : vector<16xf32>
    %mul3A_381 = arith.mulf %mul3A_374, %mul3A_380 : vector<16xf32>
    %mul3A_382 = arith.mulf %mul3A_381, %mul3A_380 : vector<16xf32>
    %sub3A_383 = arith.constant 1.500000e+00 : f32
    %sub3A_384 = vector.broadcast %sub3A_383 : f32 to vector<16xf32>
    %sub3A_385 = arith.subf %sub3A_384, %mul3A_382 : vector<16xf32>
    %mul3A_386 = arith.mulf %mul3A_380, %sub3A_385 : vector<16xf32>
    %mul3A_387 = arith.mulf %max3A_363, %mul3A_386 : vector<16xf32>
    %sub3A_388 = arith.constant 1.900000e+00 : f32
    %sub3A_389 = vector.broadcast %sub3A_388 : f32 to vector<16xf32>
    %sub3A_390 = arith.subf %mul3A_387, %sub3A_389 : vector<16xf32>
    %sub3A_391 = arith.constant 1.200000e+00 : f32
    %sub3A_392 = vector.broadcast %sub3A_391 : f32 to vector<16xf32>
    %sub3A_393 = arith.subf %sub3A_392, %mul3A_387 : vector<16xf32>
    %max3A_394 = arith.constant 0.000000e+00 : f32
    %max3A_395 = vector.broadcast %max3A_394 : f32 to vector<16xf32>
    %max3A_396 = arith.maximumf %sub3A_393, %max3A_395 : vector<16xf32>
    %max3A_397 = arith.maximumf %sub3A_390, %max3A_396 : vector<16xf32>
    %eq3A_398 = arith.constant 0 : i32
    %eq3A_399 = vector.broadcast %eq3A_398 : i32 to vector<16xi32>
    %eq3A_400 = arith.cmpi eq, %get3A_355, %eq3A_399 : vector<16xi32>
    %jit3A_401 = arith.constant 0.000000e+00 : f32
    %broadcast_in_dim3A_402 = vector.broadcast %jit3A_401 : f32 to vector<16xf32>
    %select_n3A_403 = arith.select %eq3A_400, %broadcast_in_dim3A_402, %max3A_397 : vector<16xi1>, vector<16xf32>
    %add3A_404 = arith.addf %add3A_327, %select_n3A_403 : vector<16xf32>
    %scan3A_405 = arith.constant 250 : i32
    %mul3A_406 = arith.constant 1.000000e-01 : f32
    %mul3A_407 = vector.broadcast %mul3A_406 : f32 to vector<16xf32>
    %mul3A_408 = arith.mulf %add3A_404, %mul3A_407 : vector<16xf32>
    %swap3A = arith.constant 0 : index
    %swap3A_409 = tpu.vector_load %arg26[%swap3A] {strides = array<i32>} : memref<16xf32, #tpu.memory_space<vmem>>, vector<16xf32>,
    %swap3A_410 = vector.shape_cast %swap3A_409 : vector<16xf32> to vector<16xf32>
    %swap3A_411 = vector.shape_cast %mul3A_408 : vector<16xf32> to vector<16xf32>
    tpu.vector_store %arg26[%swap3A], %swap3A_411 {strides = array<i32>} : memref<16xf32, #tpu.memory_space<vmem>>, vector<16xf32>,
    "tpu.region"() ({
      %run_scoped3A = tpu.sem_alloc : memref<!tpu.dma_semaphore, #tpu.memory_space<semaphore_mem>>
      %dma_start3A_412 = arith.constant 0 : i32
      %dma_start3A_413 = tpu.memref_slice %arg7[%add3A, %dma_start3A_412] : memref<32x16xf32, #tpu.memory_space<hbm>> -> memref<1x16xf32, #tpu.memory_space<hbm>>
      %dma_start3A_414 = tpu.memref_squeeze %dma_start3A_413 : memref<1x16xf32, #tpu.memory_space<hbm>> -> memref<16xf32, #tpu.memory_space<hbm>>
      %dma_start3A_415 = arith.constant 0 : i32
      %dma_start3A_416 = tpu.memref_slice %arg7[%add3A, %dma_start3A_415] : memref<32x16xf32, #tpu.memory_space<hbm>> -> memref<1x16xf32, #tpu.memory_space<hbm>>
      %dma_start3A_417 = tpu.memref_squeeze %dma_start3A_416 : memref<1x16xf32, #tpu.memory_space<hbm>> -> memref<16xf32, #tpu.memory_space<hbm>>
      tpu.enqueue_dma source(%arg26 : memref<16xf32, #tpu.memory_space<vmem>>) target(%dma_start3A_417 : memref<16xf32, #tpu.memory_space<hbm>>) target_semaphore(%run_scoped3A : memref<!tpu.dma_semaphore, #tpu.memory_space<semaphore_mem>>)
      %dma_wait3A_418 = arith.constant 0 : i32
      %dma_wait3A_419 = tpu.memref_slice %arg7[%add3A, %dma_wait3A_418] : memref<32x16xf32, #tpu.memory_space<hbm>> -> memref<1x16xf32, #tpu.memory_space<hbm>>
      %dma_wait3A_420 = tpu.memref_squeeze %dma_wait3A_419 : memref<1x16xf32, #tpu.memory_space<hbm>> -> memref<16xf32, #tpu.memory_space<hbm>>
      %dma_wait3A_421 = arith.constant 0 : i32
      %dma_wait3A_422 = tpu.memref_slice %arg7[%add3A, %dma_wait3A_421] : memref<32x16xf32, #tpu.memory_space<hbm>> -> memref<1x16xf32, #tpu.memory_space<hbm>>
      %dma_wait3A_423 = tpu.memref_squeeze %dma_wait3A_422 : memref<1x16xf32, #tpu.memory_space<hbm>> -> memref<16xf32, #tpu.memory_space<hbm>>
      tpu.wait_dma2 semaphore(%run_scoped3A : memref<!tpu.dma_semaphore, #tpu.memory_space<semaphore_mem>>) src(%arg26 : memref<16xf32, #tpu.memory_space<vmem>>) dst(%dma_wait3A_423 : memref<16xf32, #tpu.memory_space<hbm>>)
      tpu.yield
    }) : () -> ()
    return
  }
}

</mosaic_0001>

<sc_bundles>
// kernel: kernel.3.cloned.1.call-start
scs
__scs_entry_jumppad:
0x0: {  	(pc) =	sbr.rel $0x88, $3  }
0x1: {  	(tag) =	ssettag $0x0;
	lr =	simm.s32 $0x1  }
0x2: {  	[smem:$0x3F9E] =	sst lr;
	_ =	strace $0xD0000000  }
0x3: {  	_ = 	snop  }
0x4: {  	_ = 	snop  }
0x5: {  	_ = 	snop  }
0x6: {  	_ = 	snop  }
0x7: {  	_ = 	snop  }
__scs_overlays_trampoline_lowered:
0x8: {  	[smem:$0x3FAD] =	sst s0  }
0x9: {  	[smem:$0x3FAE] =	sst s1  }
0xa: {  	[smem:$0x3FAF] =	sst s2  }
0xb: {  	[smem:$0x3FB0] =	sst s3  }
0xc: {  	[smem:$0x3FB1] =	sst s4  }
0xd: {  	[smem:$0x3FB2] =	sst s5  }
0xe: {  	[smem:$0x3FB3] =	sst s6  }
0xf: {  	[smem:$0x3FB4] =	sst s7  }
0x10: {  	[smem:$0x3FB5] =	sst s8  }
0x11: {  	[smem:$0x3FB6] =	sst s9;
	s0 =	simm.s32 @!p0 $0x0  }
0x12: {  	s1 =	sld [smem:$0x3F9C];
	s0 =	simm.s32 @p0 $0x1  }
0x13: {  	[smem:$0x3FB7] =	sst s0;
	s0 =	simm.s32 @!p1 $0x0  }
0x14: {  	s2 =	sld [smem:$0x3F9B];
	s0 =	simm.s32 @p1 $0x1  }
0x15: {  	[smem:$0x3FB8] =	sst s0;
	s0 =	simm.s32 @!p2 $0x0  }
0x16: {  	s3 =	sld [smem:$0x3FDB];
	s0 =	simm.s32 @p2 $0x1  }
0x17: {  	s4 =	simm.s32 $0x1BF5;
	[smem:$0x3FBA] =	sst s0  }
0x18: {  	s0 =	sld [smem:$0x3F9D];
	_ =	swait.ge [sflag:s4], $0x0  }
0x19: {  	s7 =	sld [smem:$0x3F9E]  }
0x1a: {  	s8 =	sadd.s32 $0xFFFFE003, lr  }
0x1b: {  	s9 =	sadd.s32 $0xFFFFFEF7, lr;
	s5 =	simm.s32 $0xFFFFFFFF;
	p2 =	slt.u32 s8, $0xFFFFF086  }
0x1c: {  	p1 =	slt.u32 s9, $0xF7A;
	s5 =	simm.s32 @!p2 $0x0  }
0x1d: {  	s5 =	simm.s32 @p1 $0x1;
	p0 =	seq.s32 s7, s2  }
0x1e: {  	s7 =	smul.u32 @!p0 $0xF7A, s2;
	p2 =	seq.s32 @!p0 s5, $0x0  }
0x1f: {  	s9 =	smul.u32 $0xF7A, s1;
	s8 =	simm.s32 @!p0 $0x1BF5;
	p2 =	por !p2, p0  }
0x20: {  	[sflag:s8] =	ssyncset.s32 @!p0 $0xFFFFF086;
	s6 =	sadd.s32 @!p0 s3, s7;
	s7 =	simm.s32 @!p0 $0x108  }
0x21: {  	s3 =	sadd.s32 s3, s9;
	s6 =	sadd.s32 @!p0 $0x88, s6;
	s7 =	simm.s32 @p2 $0x1082  }
0x22: {  	[simem:s7], [sflag:s8] =	dma.local @!p0 [hbm:s6], $0xF7A  }
0x23: {  	s9 =	sor.u32 $0xD0000000, s2;
	s6 =	simm.s32 $0x108;
	_ =	swait.ge @!p0 [sflag:s8], $0x0  }
0x24: {  	s3 =	sadd.s32 $0x88, s3;
	s6 =	simm.s32 @!p1 $0x1082;
	[sflag:s4] =	ssyncset.s32 $0xFFFFF086  }
0x25: {  	[simem:s6], [sflag:s4] =	dma.local [hbm:s3], $0xF7A  }
0x26: {  	[smem:$0x3F9E] =	sst s1;
	(tag) =	ssettag s2;
	_ =	strace s9  }
0x27: {  	s1 =	sld [smem:$0x3FAE]  }
0x28: {  	s2 =	sld [smem:$0x3FAF]  }
0x29: {  	s4 =	sld [smem:$0x3FB1]  }
0x2a: {  	p0 =	seq.s32 s5, $0x0;
	s5 =	sld [smem:$0x3FB2]  }
0x2b: {  	s6 =	sld [smem:$0x3FB3]  }
0x2c: {  	s7 =	sld [smem:$0x3FB4]  }
0x2d: {  	s3 =	simm.s32 $0x108;
	s8 =	sld [smem:$0x3FB5]  }
0x2e: {  	s3 =	simm.s32 @!p0 $0x1082;
	s9 =	sld [smem:$0x3FB6]  }
0x2f: {  	lr =	sadd.s32 s0, s3;
	s0 =	sld [smem:$0x3FAD]  }
0x30: {  	s3 =	sld [smem:$0x3FB0]  }
0x31: {  	[smem:$0x3FB9] =	sst s10  }
0x32: {  	s10 =	sld [smem:$0x3FB7];
	_ =	sdelay $0x3  }
0x33: {  	p0 =	seq.s32 s10, $0x1;
	s10 =	sld [smem:$0x3FB9];
	_ =	sdelay $0x3  }
0x34: {  	[smem:$0x3FB9] =	sst s10  }
0x35: {  	s10 =	sld [smem:$0x3FB8];
	_ =	sdelay $0x3  }
0x36: {  	p1 =	seq.s32 s10, $0x1;
	s10 =	sld [smem:$0x3FB9];
	_ =	sdelay $0x3  }
0x37: {  	[smem:$0x3FB9] =	sst s10  }
0x38: {  	s10 =	sld [smem:$0x3FBA]  }
0x39: {  	_ = 	snop;
	(pc) =	sbr.ind lr, $3  }
0x3a: {  	_ = 	snop  }
0x3b: {  	_ = 	snop  }
0x3c: {  	p2 =	seq.s32 s10, $0x1;
	s10 =	sld [smem:$0x3FB9]  }
0x3d: {  	_ =	shalt  }
0x3e: {  	_ =	shalt  }
0x3f: {  	_ =	shalt  }
0x40: {  	_ =	shalt  }
0x41: {  	_ =	shalt  }
0x42: {  	_ =	shalt  }
0x43: {  	_ =	shalt  }
0x44: {  	_ =	shalt  }
0x45: {  	_ =	shalt  }
0x46: {  	_ =	shalt  }
0x47: {  	_ =	shalt  }
0x48: {  	_ =	shalt  }
0x49: {  	_ =	shalt  }
0x4a: {  	_ =	shalt  }
0x4b: {  	_ =	shalt  }
0x4c: {  	_ =	shalt  }
0x4d: {  	_ =	shalt  }
0x4e: {  	_ =	shalt  }
0x4f: {  	_ =	shalt  }
0x50: {  	_ =	shalt  }
0x51: {  	_ =	shalt  }
0x52: {  	_ =	shalt  }
0x53: {  	_ =	shalt  }
0x54: {  	_ =	shalt  }
0x55: {  	_ =	shalt  }
0x56: {  	_ =	shalt  }
0x57: {  	_ =	shalt  }
0x58: {  	_ =	shalt  }
0x59: {  	_ =	shalt  }
0x5a: {  	_ =	shalt  }
0x5b: {  	_ =	shalt  }
0x5c: {  	_ =	shalt  }
0x5d: {  	_ =	shalt  }
0x5e: {  	_ =	shalt  }
0x5f: {  	_ =	shalt  }
0x60: {  	_ =	shalt  }
0x61: {  	_ =	shalt  }
0x62: {  	_ =	shalt  }
0x63: {  	_ =	shalt  }
0x64: {  	_ =	shalt  }
0x65: {  	_ =	shalt  }
0x66: {  	_ =	shalt  }
0x67: {  	_ =	shalt  }
0x68: {  	_ =	shalt  }
0x69: {  	_ =	shalt  }
0x6a: {  	_ =	shalt  }
0x6b: {  	_ =	shalt  }
0x6c: {  	_ =	shalt  }
0x6d: {  	_ =	shalt  }
0x6e: {  	_ =	shalt  }
0x6f: {  	_ =	shalt  }
0x70: {  	_ =	shalt  }
0x71: {  	_ =	shalt  }
0x72: {  	_ =	shalt  }
0x73: {  	_ =	shalt  }
0x74: {  	_ =	shalt  }
0x75: {  	_ =	shalt  }
0x76: {  	_ =	shalt  }
0x77: {  	_ =	shalt  }
0x78: {  	_ =	shalt  }
0x79: {  	_ =	shalt  }
0x7a: {  	_ =	shalt  }
0x7b: {  	_ =	shalt  }
0x7c: {  	_ =	shalt  }
0x7d: {  	_ =	shalt  }
0x7e: {  	_ =	shalt  }
0x7f: {  	_ =	shalt  }
0x80: {  	_ =	shalt  }
0x81: {  	_ =	shalt  }
0x82: {  	_ =	shalt  }
0x83: {  	_ =	shalt  }
0x84: {  	_ =	shalt  }
0x85: {  	_ =	shalt  }
0x86: {  	_ =	shalt  }
0x87: {  	_ =	shalt  }
.Lfunc_end0:
.L_simem_size_0:
called_computation.1_lowered:
.L_overlay_start_0:
0x88: {  	s2 =	sld [smem:$0x3FD9]  }
0x89: {  	s3 =	sld [smem:$0x3FFE];
	_ =	sdelay $0x1  }
0x8a: {  	s1 =	srdreg.scid  }
0x8b: {  	s0 =	sand.u32 $0x1, s1  }
0x8c: {  	s17 =	sshll.u32 s0, $0xA;
	s2 =	sadd.s32 s3, s2  }
0x8d: {  	s2 =	sadd.s32 s2, s17  }
0x8e: {  	[smem:$0x3FC5] =	sst s2  }
0x8f: {  	_ = 	snop  }
0x90: {  	s2 =	sld [smem:$0x3FC8];
	(tm) =	ssettm $0x1  }
0x91: {  	s18 =	sld [smem:$0x3FFB];
	_ =	sdelay $0x3  }
0x92: {  	_ =	strace s18  }
0x93: {  	s3 =	sld [smem:$0x3FFC];
	_ =	sdelay $0x3  }
0x94: {  	_ =	strace s3  }
0x95: {  	s3 =	sld [smem:$0x3FFD];
	_ =	sdelay $0x3  }
0x96: {  	_ =	strace s3  }
0x97: {  	_ =	strace $0x8FFFFFFF  }
0x98: {  	s19 =	sld [smem:$0x3FDB];
	_ =	sdelay $0x1  }
0x99: {  	s4 =	simm.s32 $_scs_section_size  }
0x9a: {  	s5 =	simm.s32 $_size__tile_overlayer_lowered;
	s6 =	simm.s32 $_tile_overlayer_lowered  }
0x9b: {  	s22 =	simm.s32 $0x1BFF;
	s21 =	sshll.u32 s6, $0x1;
	s3 =	sadd.s32 s4, s19  }
0x9c: {  	s7 =	simm.s32 $0x0;
	s20 =	sshll.u32 s5, $0x1;
	s5 =	sadd.s32 s21, s3  }
0x9d: {  	[timem:s7], [sflag:s22] =	dma.local [hbm:s5], s20  }
0x9e: {  	_ =	swait.ge [sflag:s22], s20  }
0x9f: {  	s4 =	ssub.s32 $0x0, s20;
	[sflag:s22] =	ssyncset.done $0x0  }
0xa0: {  	[sflag:s22] =	ssyncadd.s32 s4;
	_ =	sdelay $0x1  }
0xa1: {  	s23 =	simm.s32 $0x1B8B  }
0xa2: {  	_ =	swait.ge [sflag:s23], $0x1  }
0xa3: {  	[sflag:s23] =	ssyncset.done $0x0  }
0xa4: {  	s25 =	simm.s32 $0x1B8E;
	s24 =	sld [smem:$0x3FFE];
	[sflag:s23] =	ssyncadd.s32 $0xFFFFFFFF  }
0xa5: {  	s26 =	simm.s32 $execute0_lowered;
	[smem:$0x3FD2] =	sst s25  }
0xa6: {  	s5 =	sshll.u32 s26, $0x1;
	_ =	strace $0x80000049;
	[dreg:$0x1] =	wrdreg $0xFFFFFFFF  }
0xa7: {  	s28 =	simm.s32 $_size_execute0_lowered;
	s3 =	sadd.s32 s3, s5;
	[dreg:$0x0] =	wrdreg $0x0  }
0xa8: {  	s5 =	sshll.u32 s28, $0x1;
	[dreg:$0x2] =	wrdreg s3  }
0xa9: {  	[dreg:$0x3] =	wrdreg s5  }
0xaa: {  	[dreg:$0x4] =	wrdreg $0xC0  }
0xab: {  	_ =	task [dreg:s7], $0x5FFFF  }
0xac: {  	[dreg:$0x1] =	wrdreg $0xFFFFFFFF  }
0xad: {  	[dreg:$0x0] =	wrdreg $0x60  }
0xae: {  	[dreg:$0x2] =	wrdreg s24  }
0xaf: {  	[dreg:$0x3] =	wrdreg s2  }
0xb0: {  	[dreg:$0x4] =	wrdreg $0x120800  }
0xb1: {  	[dreg:$0x5] =	wrdreg $0x138F00  }
0xb2: {  	[dreg:$0x6] =	wrdreg $0x151600  }
0xb3: {  	[dreg:$0x7] =	wrdreg $0x9  }
0xb4: {  	_ =	task.clear_ibuf [dreg:s7], $0x8FFFF;
	_ =	strace $0x90000049  }
0xb5: {  	s29 =	simm.s32 $0x9;
	_ =	strace $0x8000004B  }
0xb6: {  	_ =	swait.ge [sflag:s29], $0x1  }
0xb7: {  	[sflag:s29] =	ssyncadd.s32 $0xFFFFFFFF  }
0xb8: {  	_ =	strace $0x9000004B  }
0xb9: {  	_ =	sfence  }
0xba: {  	s30 =	sld [smem:$0x0];
	_ =	sdelay $0x2  }
0xbb: {  	s31 =	sshll.u32 s1, $0xD;
	s1 =	sshrl.u32 s1, $0x2  }
0xbc: {  	s3 =	sand.u32 $0x4000, s31;
	s1 =	sadd.s32 s1, s30  }
0xbd: {  	s0 =	sor.u32 s3, s0;
	s1 =	sshll.u32 s1, $0x11  }
0xbe: {  	s0 =	sor.u32 s1, s0  }
0xbf: {  	s0 =	sadd.s32 $0x8F2B, s0  }
0xc0: {  	[sflag:s0] =	ssyncadd.remote.s32 $0x1  }
0xc1: {  	_ =	sfence.sel $0xFFFF  }
0xc2: {  	[dreg:$0x0] =	wrdreg $0xFFFFFFFF;
	(pc) =	sbr.abs _section_cstart, $3  }
0xc3: {  	[dreg:$0x1] =	wrdreg $0xFFFFFFFF  }
0xc4: {  	_ =	task.clear_ibuf [dreg:s7], $0x2FFFF;
	_ =	strace $0x9FFFFFFF  }
0xc5: {  	(tm) =	ssettm $0x7FFFFFFF  }
tec
execute0_lowered:
.L_overlay_start_1:
0x0: {  	(tag) =	ssettag $0x1  }
0x1: {  	s1 =	rddreg [dreg:$0x0]  }
0x2: {  	s2 =	rddreg [dreg:$0x1]  }
0x3: {  	s3 =	rddreg [dreg:$0x2]  }
0x4: {  	s4 =	rddreg [dreg:$0x3]  }
0x5: {  	s5 =	rddreg [dreg:$0x4];
	s6 =	simm.s32 $0x0  }
0x6: {  	s0 =	srdreg.scid;
	s7 =	stileid.u32;
	s28 =	simm.s32 $0x3000  }
0x7: {  	s30 =	simm.s32 $0xFA0;
	s18 =	simm.s32 $0x3;
	s23 =	simm.s32 $0xF000  }
0x8: {  	s15 =	simm.s32 $0x10000;
	[smem:$0x7FF] =	sst s6;
	s0 =	sand.u32 $0x1, s0  }
0x9: {  	s8 =	sshll.u32 s7, $0x1;
	s9 =	sadd.s32 $0x18CE00, s1;
	s24 =	sadd.s32 $0x189C00, s1  }
0xa: {  	p0 =	sne.s32 s7, $0x0;
	_ =	strace $0x8000004A;
	s8 =	sor.u32 s0, s8  }
0xb: {  	s0 =	ssub.s32 $0x2, s0;
	s10 =	smul.u32 $0x30D40, s8;
	s8 =	sshll.u32 s8, $0x4  }
0xc: {  	[dreg:$0x6] =	wrdreg s9;
	s13 =	sshrl.u32 s0, $0x1;
	s8 =	sadd.s32 s8, s1  }
0xd: {  	[dreg:$0x7] =	wrdreg s24;
	s0 =	ssub.s32 s0, s13;
	s8 =	sadd.s32 $0x190000, s8  }
0xe: {  	s12 =	sshrl.u32 s10, $0x3;
	s0 =	smax.u32 s0, $0x1;
	[dreg:$0xe] =	wrdreg s8  }
0xf: {  	s9 =	sadd.s32 $0x186A00, s1;
	s14 =	sadd.s32 s1, s12;
	[dreg:$0xf] =	wrdreg s0  }
0x10: {  	s24 =	simm.s32 $0x2000;
	s12 =	sadd.s32 s2, s12;
	[dreg:$0x8] =	wrdreg s14  }
0x11: {  	s11 =	sadd.s32 $0xFA0, s10;
	s0 =	sshrl.u32 @!p0 s3, $0x3;
	[dreg:$0xc] =	wrdreg s12  }
0x12: {  	s26 =	sshrl.u32 s11, $0x3;
	s25 =	sadd.s32 $0xC3500, s14;
	[dreg:$0x10] =	wrdreg s0  }
0x13: {  	s16 =	sadd.s32 $0x1F40, s10;
	s13 =	sadd.s32 s1, s26;
	[dreg:$0x9] =	wrdreg s25  }
0x14: {  	s17 =	sadd.s32 $0x2EE0, s10;
	s29 =	sadd.s32 $0xC36F4, s14;
	[dreg:$0xa] =	wrdreg s13  }
0x15: {  	s10 =	simm.s32 $0x11000;
	s31 =	sadd.s32 $0x5FB4, s12;
	[dreg:$0xb] =	wrdreg s29  }
0x16: {  	s8 =	simm.s32 $0x0;
	s0 =	sshrl.u32 @!p0 s4, $0x3;
	[dreg:$0xd] =	wrdreg s31  }
0x17: {  	s26 =	simm.s32 $0x1000;
	[dreg:$0x11] =	wrdreg s0;
	s0 =	sshrl.u32 @!p0 s5, $0x3  }
0x18: {  	s14 =	simm.s32 $0x2;
	s25 =	simm.s32 $0x1;
	[dreg:$0x12] =	wrdreg s0  }
.LBB2_1:
0x19: {  	[dreg:$0x13] =	wrdreg s8  }
0x1a: {  	s7 =	rddreg [dreg:$0x6]  }
0x1b: {  	s0 =	simm.s32 @!p0 $0x1C04;
	s8 =	rddreg [dreg:$0x10]  }
0x1c: {  	[spmem:s8], [sflag:s0] =	dma.local @!p0 [hbm:s7], $0x30E0  }
0x1d: {  	s7 =	simm.s32 @!p0 $0x4  }
0x1e: {  	_ =	swait.ge @!p0 [sflag:s7], $0x30E0  }
0x1f: {  	[sflag:s7] =	ssyncset.done @!p0 $0x0;
	s8 =	rddreg [dreg:$0x7]  }
0x20: {  	s12 =	rddreg [dreg:$0x11];
	[sflag:s7] =	ssyncadd.s32 @!p0 $0xFFFFCF20  }
0x21: {  	[spmem:s12], [sflag:s0] =	dma.local @!p0 [hbm:s8], $0x30E0  }
0x22: {  	_ =	swait.ge @!p0 [sflag:s7], $0x30E0  }
0x23: {  	[sflag:s7] =	ssyncset.done @!p0 $0x0  }
0x24: {  	s8 =	rddreg [dreg:$0x12];
	[sflag:s7] =	ssyncadd.s32 @!p0 $0xFFFFCF20  }
0x25: {  	[spmem:s8], [sflag:s0] =	dma.local @!p0 [hbm:s9], $0x30E0  }
0x26: {  	_ =	swait.ge @!p0 [sflag:s7], $0x30E0  }
0x27: {  	[sflag:s7] =	ssyncset.done @!p0 $0x0  }
0x28: {  	[sflag:s7] =	ssyncadd.s32 @!p0 $0xFFFFCF20  }
0x29: {  	[bflag:$0x0] =	sbarrier.arrive $0xFFFF  }
0x2a: {  	s21 =	rddreg [dreg:$0x8]  }
0x2b: {  	[tilespmem:s6], [sflag:$0x1] =	stream.linear.gather [hbm4b:s21+s6], $0xFA0, $0x38;
	[tilespmem:$0x169D0] =	vst v63  }
0x2c: {  	s22 =	rddreg [dreg:$0x9]  }
0x2d: {  	[tilespmem:s24], [sflag:$0x1] =	stream.linear.gather [hbm4b:s22+s6], $0xFA0, $0x38;
	[tilespmem:$0x169D0] =	vst v63  }
0x2e: {  	_ =	swait.ge [sflag:s25], $0xFA0  }
0x2f: {  	[sflag:s25] =	ssyncset.done $0x0  }
0x30: {  	[sflag:s25] =	ssyncadd.s32 $0xFFFFF060  }
0x31: {  	_ =	swait.ge [sflag:s25], $0xFA0  }
0x32: {  	[sflag:s25] =	ssyncset.done $0x0  }
0x33: {  	s31 =	rddreg [dreg:$0xa];
	[sflag:s25] =	ssyncadd.s32 $0xFFFFF060  }
0x34: {  	[tilespmem:s26], [sflag:$0x1] =	stream.linear.gather [hbm4b:s31+s6], $0xFA0, $0x38;
	[tilespmem:$0x169D0] =	vst v63  }
0x35: {  	s7 =	rddreg [dreg:$0xb]  }
0x36: {  	[tilespmem:s28], [sflag:$0x1] =	stream.linear.gather [hbm4b:s7+s6], $0xFA0, $0x38;
	[tilespmem:$0x169D0] =	vst v63  }
0x37: {  	s12 =	simm.s32 $0x4000;
	s8 =	rddreg [dreg:$0xc]  }
0x38: {  	[tilespmem:s12], [sflag:$0x1] =	stream.linear.gather [hbm4b:s8+s6], $0xFA0, $0x38;
	[tilespmem:$0x169D0] =	vst v63  }
0x39: {  	s13 =	simm.s32 $0x6000  }
0x3a: {  	[tilespmem:s13], [sflag:$0x2] =	stream.indirect.gather [spmem:s3], $0x1, s6, s30, $0xb8;
	[tilespmem:$0x169D0] =	vst v63  }
0x3b: {  	s19 =	simm.s32 $0x7000  }
0x3c: {  	[tilespmem:s19], [sflag:$0x2] =	stream.indirect.gather [spmem:s4], $0x1, s6, s30, $0xb8;
	[tilespmem:$0x169D0] =	vst v63  }
0x3d: {  	s20 =	simm.s32 $0x8000  }
0x3e: {  	[tilespmem:s20], [sflag:$0x3] =	stream.indirect.gather [hbm4b:s9+s30], $0x1, s6, s30, $0xb8;
	[tilespmem:$0x169D0] =	vst v63  }
0x3f: {  	s21 =	simm.s32 $0x9000  }
0x40: {  	[tilespmem:s21], [sflag:$0x2] =	stream.indirect.gather [spmem:s3], $0x1, s24, s30, $0xb8;
	[tilespmem:$0x169D0] =	vst v63  }
0x41: {  	s22 =	simm.s32 $0xA000  }
0x42: {  	[tilespmem:s22], [sflag:$0x2] =	stream.indirect.gather [spmem:s4], $0x1, s24, s30, $0xb8;
	[tilespmem:$0x169D0] =	vst v63  }
0x43: {  	s31 =	simm.s32 $0xB000  }
0x44: {  	[tilespmem:s31], [sflag:$0x2] =	stream.indirect.gather [spmem:s5], $0x1, s24, s30, $0xb8;
	[tilespmem:$0x169D0] =	vst v63  }
0x45: {  	_ =	swait.ge [sflag:s25], $0xFA0  }
0x46: {  	[sflag:s25] =	ssyncset.done $0x0  }
0x47: {  	[sflag:s25] =	ssyncadd.s32 $0xFFFFF060  }
0x48: {  	_ =	swait.ge [sflag:s25], $0xFA0  }
0x49: {  	[sflag:s25] =	ssyncset.done $0x0  }
0x4a: {  	[sflag:s25] =	ssyncadd.s32 $0xFFFFF060  }
0x4b: {  	_ =	swait.ge [sflag:s25], $0xFA0  }
0x4c: {  	[sflag:s25] =	ssyncset.done $0x0  }
0x4d: {  	[sflag:s25] =	ssyncadd.s32 $0xFFFFF060  }
0x4e: {  	_ =	swait.ge [sflag:s14], $0xFA0  }
0x4f: {  	[sflag:s14] =	ssyncset.done $0x0  }
0x50: {  	[sflag:s14] =	ssyncadd.s32 $0xFFFFF060  }
0x51: {  	_ =	swait.ge [sflag:s14], $0xFA0  }
0x52: {  	[sflag:s14] =	ssyncset.done $0x0  }
0x53: {  	[sflag:s14] =	ssyncadd.s32 $0xFFFFF060  }
0x54: {  	_ =	swait.ge [sflag:s18], $0xFA0  }
0x55: {  	[sflag:s18] =	ssyncset.done $0x0  }
0x56: {  	[sflag:s18] =	ssyncadd.s32 $0xFFFFF060  }
0x57: {  	_ =	swait.ge [sflag:s14], $0xFA0  }
0x58: {  	[sflag:s14] =	ssyncset.done $0x0  }
0x59: {  	[sflag:s14] =	ssyncadd.s32 $0xFFFFF060  }
0x5a: {  	_ =	swait.ge [sflag:s14], $0xFA0  }
0x5b: {  	[sflag:s14] =	ssyncset.done $0x0  }
0x5c: {  	[sflag:s14] =	ssyncadd.s32 $0xFFFFF060  }
0x5d: {  	_ =	swait.ge [sflag:s14], $0xFA0  }
0x5e: {  	[sflag:s14] =	ssyncset.done $0x0  }
0x5f: {  	v0 =	vimm.f32 $0.0e+00;
	s29 =	simm.s32 $0x0;
	[sflag:s14] =	ssyncadd.s32 $0xFFFFF060  }
.LBB2_2:
0x60: {  	s0 =	smul.u32 $0x1F40, s29;
	_ =	sdelay $0x1  }
0x61: {  	s7 =	sadd.s32 s0, s16  }
0x62: {  	s31 =	sshrl.u32 s7, $0x3  }
0x63: {  	s7 =	sadd.s32 s1, s31  }
0x64: {  	[tilespmem:s6], [sflag:$0x1] =	stream.linear.gather [hbm4b:s7+s6], $0xFA0, $0x38;
	[tilespmem:$0x169D0] =	vst v63  }
0x65: {  	s19 =	sadd.s32 s0, s11;
	s7 =	sadd.s32 $0xC3500, s7  }
0x66: {  	[tilespmem:s24], [sflag:$0x1] =	stream.linear.gather [hbm4b:s7+s6], $0xFA0, $0x38;
	[tilespmem:$0x169D0] =	vst v63  }
0x67: {  	s7 =	sshrl.u32 s19, $0x3  }
0x68: {  	s8 =	simm.s32 $0x5000;
	s7 =	sadd.s32 s2, s7  }
0x69: {  	[tilespmem:s8], [sflag:$0x1] =	stream.linear.gather [hbm4b:s7+s6], $0xFA0, $0x38;
	[tilespmem:$0x169D0] =	vst v63  }
0x6a: {  	s20 =	simm.s32 $0xC000  }
0x6b: {  	[tilespmem:s20], [sflag:$0x2] =	stream.indirect.gather [spmem:s3], $0x1, s26, s30, $0xb8;
	[tilespmem:$0x169D0] =	vst v63  }
0x6c: {  	s21 =	simm.s32 $0xD000  }
0x6d: {  	[tilespmem:s21], [sflag:$0x2] =	stream.indirect.gather [spmem:s4], $0x1, s26, s30, $0xb8;
	[tilespmem:$0x169D0] =	vst v63  }
0x6e: {  	s22 =	simm.s32 $0xE000  }
0x6f: {  	[tilespmem:s22], [sflag:$0x3] =	stream.indirect.gather [hbm4b:s9+s30], $0x1, s26, s30, $0xb8;
	[tilespmem:$0x169D0] =	vst v63  }
0x70: {  	_ = 	snop  }
0x71: {  	[tilespmem:s23], [sflag:$0x2] =	stream.indirect.gather [spmem:s3], $0x1, s28, s30, $0xb8;
	[tilespmem:$0x169D0] =	vst v63  }
0x72: {  	_ = 	snop  }
0x73: {  	[tilespmem:s15], [sflag:$0x2] =	stream.indirect.gather [spmem:s4], $0x1, s28, s30, $0xb8;
	[tilespmem:$0x169D0] =	vst v63  }
0x74: {  	s20 =	simm.s32 $0x8020  }
0x75: {  	[tilespmem:s10], [sflag:$0x2] =	stream.indirect.gather [spmem:s5], $0x1, s28, s30, $0xb8;
	[tilespmem:$0x169D0] =	vst v63  }
0x76: {  	s7 =	simm.s32 $0xB020;
	v1 =	vld [tilespmem:s20+$0x10]  }
0x77: {  	v2 =	vld [tilespmem:s7+$0x10]  }
0x78: {  	v3 =	vld [tilespmem:s20+$0x0]  }
0x79: {  	s8 =	simm.s32 $0x6020;
	v4 =	vld [tilespmem:s7+$0x0]  }
0x7a: {  	s12 =	simm.s32 $0x9020;
	v5 =	vld [tilespmem:s8+$0x10]  }
0x7b: {  	s13 =	simm.s32 $0x7020;
	v6 =	vld [tilespmem:s12+$0x10]  }
0x7c: {  	s19 =	simm.s32 $0xA020;
	v8 =	vld [tilespmem:s13+$0x10]  }
0x7d: {  	v9 =	vld [tilespmem:s19+$0x10]  }
0x7e: {  	v10 =	vld [tilespmem:s8+$0x0]  }
0x7f: {  	v11 =	vld [tilespmem:s12+$0x0]  }
0x80: {  	v12 =	vld [tilespmem:s13+$0x0]  }
0x81: {  	v13 =	vld [tilespmem:s19+$0x0]  }
0x82: {  	v14 =	vld [tilespmem:s20+$0xFFFFFFE0]  }
0x83: {  	v15 =	vld [tilespmem:s7+$0xFFFFFFE0]  }
0x84: {  	v16 =	vld [tilespmem:s8+$0xFFFFFFF0]  }
0x85: {  	v17 =	vld [tilespmem:s12+$0xFFFFFFF0]  }
0x86: {  	v18 =	vld [tilespmem:s13+$0xFFFFFFF0]  }
0x87: {  	v19 =	vld [tilespmem:s8+$0xFFFFFFE0]  }
0x88: {  	v20 =	vld [tilespmem:s12+$0xFFFFFFE0]  }
0x89: {  	v21 =	vld [tilespmem:s13+$0xFFFFFFE0]  }
0x8a: {  	v22 =	vld [tilespmem:s19+$0xFFFFFFE0]  }
0x8b: {  	v23 =	vld [tilespmem:s7+$0xFFFFFFF0];
	v1 =	vsub.f32 v1, v2;
	v7 =	vsub.f32 v3, v4  }
0x8c: {  	v3 =	vld [tilespmem:s19+$0xFFFFFFF0];
	v2 =	vsub.f32 v5, v6;
	v4 =	vsub.f32 v10, v11  }
0x8d: {  	v5 =	vld [tilespmem:s20+$0xFFFFFFF0];
	v6 =	vsub.f32 v8, v9;
	v14 =	vsub.f32 v14, v15  }
0x8e: {  	v24 =	vsub.f32 v12, v13;
	s20 =	simm.s32 $0x4020;
	v15 =	vsub.f32 v19, v20  }
0x8f: {  	v19 =	vsub.f32 v21, v22;
	v10 =	vmul.f32 v1, v1;
	v1 =	vld [tilespmem:s20+$0x10];
	v11 =	vmul.f32 v2, v2  }
0x90: {  	v8 =	vsub.f32 v16, v17;
	v2 =	vld [tilespmem:s20+$0x0];
	v12 =	vmul.f32 v4, v4;
	v13 =	vmul.f32 v6, v6  }
0x91: {  	v17 =	vmul.f32 v15, v15;
	v4 =	vld [tilespmem:s20+$0xFFFFFFF0];
	v9 =	vsub.f32 v18, v3;
	v18 =	vmul.f32 v19, v19  }
0x92: {  	s21 =	simm.s32 $0x0;
	s22 =	simm.s32 $0x8060;
	v15 =	vmul.f32 v14, v14;
	v16 =	vmul.f32 v24, v24;
	v3 =	vld [tilespmem:s20+$0xFFFFFFE0];
	v14 =	vsub.f32 v5, v23  }
.LBB2_3:
0x93: {  	v5 =	vld [tilespmem:s22+$0x10];
	v6 =	vadd.f32 v18, v17;
	v8 =	vmul.f32 v8, v8;
	v9 =	vmul.f32 v9, v9;
	s7 =	sadd.s32 $0x40, s7  }
0x94: {  	v7 =	vmul.f32 v7, v7;
	v11 =	vadd.f32 v13, v11;
	v17 =	vld [tilespmem:s7+$0x10];
	v12 =	vadd.f32 v16, v12  }
0x95: {  	v13 =	vld [tilespmem:s22+$0x0];
	v6 =	vadd.f32 v15, v6;
	v8 =	vadd.f32 v9, v8;
	v9 =	vmul.f32 v14, v14  }
0x96: {  	s8 =	sadd.s32 $0x40, s8;
	v10 =	vadd.f32 v10, v11;
	v14 =	vld [tilespmem:s7+$0x0]  }
0x97: {  	s12 =	sadd.s32 $0x40, s12;
	v7 =	vadd.f32 v7, v12;
	v11 =	vld [tilespmem:s8+$0x10];
	v6 =	vmax.f32 v6, $1.000000000e-30;
	v8 =	vadd.f32 v9, v8  }
0x98: {  	s13 =	sadd.s32 $0x40, s13;
	v10 =	vmax.f32 v10, $1.000000000e-30;
	v9 =	vld [tilespmem:s12+$0x10];
	v12 =	vshra.s32 v6, $0x1;
	v15 =	vmul.f32 $5.000000000e-01, v6  }
0x99: {  	s19 =	sadd.s32 $0x40, s19;
	v19 =	vmax.f32 v7, $1.000000000e-30;
	v16 =	vld [tilespmem:s13+$0x10];
	v12 =	vsub.s32 $0x5F3759DF, v12;
	v18 =	vmax.f32 v8, $1.000000000e-30  }
0x9a: {  	v8 =	vld [tilespmem:s19+$0x10];
	v7 =	vmul.f32 v12, v15;
	v20 =	vshra.s32 v18, $0x1;
	v21 =	vmul.f32 $5.000000000e-01, v18  }
0x9b: {  	v23 =	vshra.s32 v19, $0x1;
	v24 =	vmul.f32 $5.000000000e-01, v19;
	v22 =	vld [tilespmem:s8+$0x0];
	v20 =	vsub.s32 $0x5F3759DF, v20  }
0x9c: {  	v23 =	vsub.s32 $0x5F3759DF, v23;
	v25 =	vld [tilespmem:s12+$0x0];
	v7 =	vmul.f32 v12, v7;
	v26 =	vmul.f32 v20, v21  }
0x9d: {  	v29 =	vshra.s32 v10, $0x1;
	v30 =	vmul.f32 $5.000000000e-01, v10;
	v28 =	vmul.f32 v23, v24;
	v27 =	vld [tilespmem:s13+$0x0]  }
0x9e: {  	v29 =	vsub.s32 $0x5F3759DF, v29;
	v31 =	vld [tilespmem:s19+$0x0];
	v7 =	vsub.f32 $1.500000000e+00, v7;
	v26 =	vmul.f32 v20, v26  }
0x9f: {  	vm0 =	veq.s32 v1, $0x0;
	v33 =	vmul.f32 v29, v30;
	v28 =	vmul.f32 v23, v28;
	v32 =	vld [tilespmem:s22+$0xFFFFFFE0]  }
0xa0: {  	vm1 =	veq.s32 v2, $0x0;
	v1 =	vld [tilespmem:s7+$0xFFFFFFE0];
	v12 =	vmul.f32 v12, v7;
	v7 =	vsub.f32 $1.500000000e+00, v26  }
0xa1: {  	vm2 =	veq.s32 v4, $0x0;
	v4 =	vsub.f32 $1.500000000e+00, v28;
	v26 =	vmul.f32 v29, v33;
	v2 =	vld [tilespmem:s8+$0xFFFFFFF0]  }
0xa2: {  	v5 =	vsub.f32 v5, v17;
	v28 =	vld [tilespmem:s12+$0xFFFFFFF0];
	v15 =	vmul.f32 v12, v15;
	v17 =	vmul.f32 v20, v7  }
0xa3: {  	v4 =	vmul.f32 v23, v4;
	v7 =	vsub.f32 v13, v14;
	v13 =	vsub.f32 $1.500000000e+00, v26;
	v20 =	vld [tilespmem:s13+$0xFFFFFFF0]  }
0xa4: {  	v11 =	vsub.f32 v11, v9;
	v14 =	vld [tilespmem:s19+$0xFFFFFFF0];
	v9 =	vmul.f32 v15, v12;
	v15 =	vmul.f32 v17, v21  }
0xa5: {  	v16 =	vsub.f32 v16, v8;
	v22 =	vsub.f32 v22, v25;
	v13 =	vmul.f32 v29, v13;
	v21 =	vld [tilespmem:s8+$0xFFFFFFE0]  }
0xa6: {  	v23 =	vld [tilespmem:s12+$0xFFFFFFE0];
	v8 =	vsub.f32 $1.500000000e+00, v9;
	v9 =	vmul.f32 v15, v17;
	v15 =	vmul.f32 v4, v24  }
0xa7: {  	v26 =	vsub.f32 v27, v31;
	v25 =	vsub.f32 v32, v1;
	v1 =	vmul.f32 v13, v30;
	v24 =	vld [tilespmem:s13+$0xFFFFFFE0]  }
0xa8: {  	v27 =	vld [tilespmem:s19+$0xFFFFFFE0];
	v12 =	vmul.f32 v8, v12;
	v29 =	vsub.f32 $1.500000000e+00, v9;
	v15 =	vmul.f32 v15, v4  }
0xa9: {  	v8 =	vsub.f32 v2, v28;
	v1 =	vmul.f32 v1, v13;
	v9 =	vsub.f32 v20, v14  }
0xaa: {  	v2 =	vmul.f32 v12, v6;
	v6 =	vmul.f32 v29, v17;
	v12 =	vsub.f32 $1.500000000e+00, v15  }
0xab: {  	vm3 =	veq.s32 v3, $0x0;
	v1 =	vsub.f32 $1.500000000e+00, v1;
	v14 =	vsub.f32 v21, v23  }
0xac: {  	v3 =	vsub.f32 $1.200000050e+00, v2;
	v6 =	vmul.f32 v6, v18;
	v4 =	vmul.f32 v12, v4  }
0xad: {  	v2 =	vadd.f32 $-1.899999980e+00, v2;
	v1 =	vmul.f32 v1, v13;
	v15 =	vsub.f32 v24, v27  }
0xae: {  	v3 =	vmax.f32 v3, $0.0e+00;
	v12 =	vsub.f32 $1.200000050e+00, v6;
	v4 =	vmul.f32 v4, v19  }
0xaf: {  	v1 =	vmul.f32 v1, v10;
	v2 =	vmax.f32 v2, v3;
	v3 =	vadd.f32 $-1.899999980e+00, v6  }
0xb0: {  	s21 =	sadd.s32 $0x4, s21;
	v2 =	vsel vm3, $0x0, v2;
	v6 =	vmax.f32 v12, $0.0e+00;
	v10 =	vsub.f32 $1.200000050e+00, v4  }
0xb1: {  	p1 =	slt.u32 s21, $0xF4;
	v0 =	vadd.f32 v2, v0;
	v2 =	vmax.f32 v3, v6;
	v3 =	vadd.f32 $-1.899999980e+00, v4  }
0xb2: {  	v12 =	vsub.f32 $1.200000050e+00, v1;
	v6 =	vld [tilespmem:s22+$0xFFFFFFF0];
	v2 =	vsel vm2, $0x0, v2;
	v4 =	vmax.f32 v10, $0.0e+00  }
0xb3: {  	v19 =	vld [tilespmem:s7+$0xFFFFFFF0];
	v0 =	vadd.f32 v2, v0;
	v2 =	vmax.f32 v3, v4;
	v3 =	vadd.f32 $-1.899999980e+00, v1  }
.Ltmp0:
0xb4: {  	s20 =	sadd.s32 $0x40, s20;
	v10 =	vmul.f32 v5, v5;
	v4 =	vmax.f32 v12, $0.0e+00;
	v2 =	vsel vm1, $0x0, v2;
	(pc) =	sbr.rel @p1 .LBB2_3-.Ltmp0, $4  }
0xb5: {  	v11 =	vmul.f32 v11, v11;
	v1 =	vld [tilespmem:s20+$0x10];
	v0 =	vadd.f32 v2, v0;
	v3 =	vmax.f32 v3, v4  }
0xb6: {  	v13 =	vmul.f32 v16, v16;
	v12 =	vmul.f32 v22, v22;
	v2 =	vld [tilespmem:s20+$0x0];
	v3 =	vsel vm0, $0x0, v3  }
0xb7: {  	v17 =	vmul.f32 v14, v14;
	v18 =	vmul.f32 v15, v15;
	v4 =	vld [tilespmem:s20+$0xFFFFFFF0];
	v0 =	vadd.f32 v3, v0  }
0xb8: {  	v16 =	vmul.f32 v26, v26;
	v15 =	vmul.f32 v25, v25;
	s22 =	sadd.s32 $0x40, s22;
	v3 =	vld [tilespmem:s20+$0xFFFFFFE0];
	v14 =	vsub.f32 v6, v19  }
0xb9: {  	v19 =	vld [tilespmem:$0x6F80]  }
0xba: {  	v20 =	vld [tilespmem:$0x9F80]  }
0xbb: {  	v21 =	vld [tilespmem:$0x7F80]  }
0xbc: {  	v22 =	vld [tilespmem:$0xAF80]  }
0xbd: {  	v23 =	vld [tilespmem:$0x8F80]  }
0xbe: {  	v24 =	vld [tilespmem:$0xBF80]  }
0xbf: {  	v6 =	vld [tilespmem:$0x4F80]  }
0xc0: {  	v25 =	vld [tilespmem:$0x6F90]  }
0xc1: {  	v26 =	vld [tilespmem:$0x9F90]  }
0xc2: {  	v27 =	vld [tilespmem:$0x7F90]  }
0xc3: {  	v28 =	vld [tilespmem:$0xAF90]  }
0xc4: {  	v29 =	vld [tilespmem:$0x8F90]  }
0xc5: {  	v30 =	vld [tilespmem:$0xBF90]  }
0xc6: {  	v5 =	vld [tilespmem:$0x4F90];
	_ =	swait.ge [sflag:s25], $0xFA0  }
0xc7: {  	[sflag:s25] =	ssyncset.done $0x0  }
0xc8: {  	[sflag:s25] =	ssyncadd.s32 $0xFFFFF060  }
0xc9: {  	_ =	swait.ge [sflag:s14], $0xFA0  }
0xca: {  	[sflag:s14] =	ssyncset.done $0x0  }
0xcb: {  	[sflag:s14] =	ssyncadd.s32 $0xFFFFF060  }
0xcc: {  	_ =	swait.ge [sflag:s14], $0xFA0  }
0xcd: {  	[sflag:s14] =	ssyncset.done $0x0  }
0xce: {  	[sflag:s14] =	ssyncadd.s32 $0xFFFFF060  }
0xcf: {  	_ =	swait.ge [sflag:s18], $0xFA0  }
0xd0: {  	v17 =	vadd.f32 v18, v17;
	v8 =	vmul.f32 v8, v8;
	v9 =	vmul.f32 v9, v9;
	[sflag:s18] =	ssyncset.done $0x0  }
0xd1: {  	v11 =	vadd.f32 v13, v11;
	v7 =	vmul.f32 v7, v7;
	v12 =	vadd.f32 v16, v12;
	[sflag:s18] =	ssyncadd.s32 $0xFFFFF060  }
0xd2: {  	v13 =	vadd.f32 v15, v17;
	v8 =	vadd.f32 v9, v8;
	v9 =	vmul.f32 v14, v14;
	_ =	swait.ge [sflag:s14], $0xFA0  }
0xd3: {  	v10 =	vadd.f32 v10, v11;
	[sflag:s14] =	ssyncset.done $0x0  }
0xd4: {  	v7 =	vadd.f32 v7, v12;
	v11 =	vmax.f32 v13, $1.000000000e-30;
	v8 =	vadd.f32 v9, v8;
	[sflag:s14] =	ssyncadd.s32 $0xFFFFF060  }
0xd5: {  	v10 =	vmax.f32 v10, $1.000000000e-30;
	v9 =	vshra.s32 v11, $0x1;
	v12 =	vmul.f32 $5.000000000e-01, v11;
	_ =	swait.ge [sflag:s14], $0xFA0  }
0xd6: {  	v7 =	vmax.f32 v7, $1.000000000e-30;
	v31 =	vshra.s32 v10, $0x1;
	v32 =	vmul.f32 $5.000000000e-01, v10;
	[sflag:s14] =	ssyncset.done $0x0  }
0xd7: {  	v8 =	vmax.f32 v8, $1.000000000e-30;
	v9 =	vsub.s32 $0x5F3759DF, v9;
	v16 =	vshra.s32 v7, $0x1;
	[sflag:s14] =	ssyncadd.s32 $0xFFFFF060  }
0xd8: {  	v17 =	vmul.f32 $5.000000000e-01, v7;
	v13 =	vshra.s32 v8, $0x1;
	v14 =	vmul.f32 $5.000000000e-01, v8;
	_ =	swait.ge [sflag:s14], $0xFA0  }
0xd9: {  	v15 =	vmul.f32 v9, v12;
	v16 =	vsub.s32 $0x5F3759DF, v16;
	v13 =	vsub.s32 $0x5F3759DF, v13;
	[sflag:s14] =	ssyncset.done $0x0  }
0xda: {  	v31 =	vsub.s32 $0x5F3759DF, v31;
	v33 =	vmul.f32 v16, v17;
	v18 =	vmul.f32 v13, v14;
	[sflag:s14] =	ssyncadd.s32 $0xFFFFF060  }
0xdb: {  	v34 =	vmul.f32 v31, v32;
	v15 =	vmul.f32 v9, v15;
	_ =	swait.ge [sflag:s25], $0xFA0  }
0xdc: {  	v33 =	vmul.f32 v16, v33;
	v18 =	vmul.f32 v13, v18;
	[sflag:s25] =	ssyncset.done $0x0  }
0xdd: {  	v34 =	vmul.f32 v31, v34;
	v15 =	vsub.f32 $1.500000000e+00, v15;
	[sflag:s25] =	ssyncadd.s32 $0xFFFFF060  }
0xde: {  	s0 =	sadd.s32 s0, s17;
	v33 =	vsub.f32 $1.500000000e+00, v33;
	v18 =	vsub.f32 $1.500000000e+00, v18;
	_ =	swait.ge [sflag:s25], $0xFA0  }
0xdf: {  	s0 =	sshrl.u32 s0, $0x3;
	v9 =	vmul.f32 v9, v15;
	v15 =	vsub.f32 $1.500000000e+00, v34;
	[sflag:s25] =	ssyncset.done $0x0  }
0xe0: {  	s0 =	sadd.s32 s1, s0;
	v48 =	vsub.f32 v25, v26;
	v16 =	vmul.f32 v16, v33;
	v13 =	vmul.f32 v13, v18;
	[sflag:s25] =	ssyncadd.s32 $0xFFFFF060  }
0xe1: {  	v18 =	vsub.f32 v19, v20;
	v19 =	vsub.f32 v21, v22;
	v15 =	vmul.f32 v31, v15;
	[tilespmem:s26], [sflag:$0x1] =	stream.linear.gather [hbm4b:s0+s6], $0xFA0, $0x38;
	[tilespmem:$0x169D0] =	vst v63  }
0xe2: {  	v49 =	vsub.f32 v27, v28;
	v12 =	vmul.f32 v9, v12;
	v21 =	vmul.f32 v48, v48;
	s0 =	sadd.s32 $0xC3500, s0  }
0xe3: {  	v47 =	vsub.f32 v23, v24;
	v18 =	vmul.f32 v18, v18;
	v19 =	vmul.f32 v19, v19;
	[tilespmem:s28], [sflag:$0x1] =	stream.linear.gather [hbm4b:s0+s6], $0xFA0, $0x38;
	[tilespmem:$0x169D0] =	vst v63  }
0xe4: {  	s8 =	sadd.s32 s2, s31;
	s7 =	simm.s32 $0x4000;
	v50 =	vsub.f32 v29, v30;
	v22 =	vmul.f32 v49, v49;
	v12 =	vmul.f32 v12, v9  }
0xe5: {  	v14 =	vmul.f32 v13, v14;
	v18 =	vadd.f32 v19, v18;
	v19 =	vmul.f32 v47, v47;
	[tilespmem:s7], [sflag:$0x1] =	stream.linear.gather [hbm4b:s8+s6], $0xFA0, $0x38;
	[tilespmem:$0x169D0] =	vst v63  }
0xe6: {  	s12 =	simm.s32 $0x6000;
	v20 =	vmul.f32 v50, v50;
	v17 =	vmul.f32 v16, v17;
	v12 =	vsub.f32 $1.500000000e+00, v12  }
0xe7: {  	v14 =	vmul.f32 v14, v13;
	v18 =	vadd.f32 v19, v18;
	v19 =	vadd.f32 v22, v21;
	[tilespmem:s12], [sflag:$0x2] =	stream.indirect.gather [spmem:s3], $0x1, s6, s30, $0xb8;
	[tilespmem:$0x169D0] =	vst v63  }
0xe8: {  	s13 =	simm.s32 $0x7000;
	v51 =	vmul.f32 v15, v32;
	v9 =	vmul.f32 v12, v9  }
0xe9: {  	v12 =	vsub.f32 $1.500000000e+00, v14;
	v14 =	vmax.f32 v18, $1.000000000e-30;
	v18 =	vadd.f32 v20, v19;
	[tilespmem:s13], [sflag:$0x2] =	stream.indirect.gather [spmem:s4], $0x1, s6, s30, $0xb8;
	[tilespmem:$0x169D0] =	vst v63  }
0xea: {  	s19 =	simm.s32 $0x8000;
	v17 =	vmul.f32 v17, v16;
	v19 =	vshra.s32 v14, $0x1;
	v52 =	vmul.f32 $5.000000000e-01, v14  }
0xeb: {  	v9 =	vmul.f32 v9, v11;
	v11 =	vsub.s32 $0x5F3759DF, v19;
	v18 =	vmax.f32 v18, $1.000000000e-30;
	[tilespmem:s19], [sflag:$0x3] =	stream.indirect.gather [hbm4b:s9+s30], $0x1, s6, s30, $0xb8;
	[tilespmem:$0x169D0] =	vst v63  }
0xec: {  	s20 =	simm.s32 $0x9000;
	v19 =	vmul.f32 v11, v52;
	v53 =	vshra.s32 v18, $0x1;
	v54 =	vmul.f32 $5.000000000e-01, v18  }
0xed: {  	v21 =	vmul.f32 v51, v15;
	v12 =	vmul.f32 v12, v13;
	v13 =	vsub.s32 $0x5F3759DF, v53;
	[tilespmem:s20], [sflag:$0x2] =	stream.indirect.gather [spmem:s3], $0x1, s24, s30, $0xb8;
	[tilespmem:$0x169D0] =	vst v63  }
0xee: {  	s21 =	simm.s32 $0xA000;
	vm0 =	veq.s32 v4, $0x0;
	v4 =	vmul.f32 v11, v19;
	v19 =	vmul.f32 v13, v54  }
0xef: {  	vm1 =	veq.s32 v3, $0x0;
	v17 =	vsub.f32 $1.500000000e+00, v17;
	v3 =	vsub.f32 $1.500000000e+00, v21;
	[tilespmem:s21], [sflag:$0x2] =	stream.indirect.gather [spmem:s4], $0x1, s24, s30, $0xb8;
	[tilespmem:$0x169D0] =	vst v63  }
0xf0: {  	s22 =	simm.s32 $0xB000;
	v55 =	vsub.f32 $1.200000050e+00, v9;
	v4 =	vsub.f32 $1.500000000e+00, v4;
	v19 =	vmul.f32 v13, v19;
	s13 =	simm.s32 $0xE020  }
0xf1: {  	v8 =	vmul.f32 v12, v8;
	v12 =	vmul.f32 v17, v16;
	v9 =	vadd.f32 $-1.899999980e+00, v9;
	[tilespmem:s22], [sflag:$0x2] =	stream.indirect.gather [spmem:s5], $0x1, s24, s30, $0xb8;
	[tilespmem:$0x169D0] =	vst v63  }
0xf2: {  	v17 =	vmax.f32 v55, $0.0e+00;
	s0 =	simm.s32 $0x11020;
	v4 =	vmul.f32 v11, v4;
	v11 =	vsub.f32 $1.500000000e+00, v19;
	v16 =	vld [tilespmem:s13+$0x10]  }
0xf3: {  	v3 =	vmul.f32 v3, v15;
	v7 =	vmul.f32 v12, v7;
	v9 =	vmax.f32 v9, v17;
	v15 =	vld [tilespmem:s0+$0x10]  }
0xf4: {  	v19 =	vsub.f32 $1.200000050e+00, v8;
	v17 =	vmul.f32 v4, v52;
	v11 =	vmul.f32 v13, v11;
	v12 =	vld [tilespmem:s13+$0x0]  }
0xf5: {  	s31 =	simm.s32 $0xC020;
	v3 =	vmul.f32 v3, v10;
	v56 =	vsub.f32 $1.200000050e+00, v7;
	v8 =	vadd.f32 $-1.899999980e+00, v8;
	v13 =	vld [tilespmem:s0+$0x0]  }
0xf6: {  	s7 =	simm.s32 $0xF020;
	v10 =	vmax.f32 v19, $0.0e+00;
	v17 =	vmul.f32 v17, v4;
	v57 =	vmul.f32 v11, v54;
	v19 =	vld [tilespmem:s31+$0x10]  }
0xf7: {  	v9 =	vsel vm1, $0x0, v9;
	v7 =	vadd.f32 $-1.899999980e+00, v7;
	s8 =	simm.s32 $0xD020;
	v20 =	vmax.f32 v56, $0.0e+00;
	v58 =	vld [tilespmem:s7+$0x10]  }
0xf8: {  	s12 =	simm.s32 $0x10020;
	v8 =	vmax.f32 v8, v10;
	v17 =	vsub.f32 $1.500000000e+00, v17;
	v21 =	vmul.f32 v57, v11;
	v10 =	vld [tilespmem:s8+$0x10]  }
0xf9: {  	vm12 =	veq.s32 v2, $0x0;
	v0 =	vadd.f32 v9, v0;
	v7 =	vmax.f32 v7, v20;
	v59 =	vld [tilespmem:s12+$0x10]  }
0xfa: {  	v8 =	vsel vm0, $0x0, v8;
	v2 =	vmul.f32 v17, v4;
	v4 =	vsub.f32 $1.500000000e+00, v21;
	v9 =	vld [tilespmem:s31+$0x0]  }
0xfb: {  	v7 =	vsel vm12, $0x0, v7;
	v0 =	vadd.f32 v8, v0;
	v8 =	vsub.f32 $1.200000050e+00, v3;
	v17 =	vld [tilespmem:s7+$0x0]  }
0xfc: {  	v3 =	vadd.f32 $-1.899999980e+00, v3;
	v2 =	vmul.f32 v2, v14;
	v4 =	vmul.f32 v4, v11;
	v60 =	vld [tilespmem:s8+$0x0]  }
0xfd: {  	vm13 =	veq.s32 v1, $0x0;
	v1 =	vmax.f32 v8, $0.0e+00;
	v0 =	vadd.f32 v7, v0;
	v11 =	vld [tilespmem:s12+$0x0]  }
0xfe: {  	v1 =	vmax.f32 v3, v1;
	v7 =	vld [tilespmem:s13+$0xFFFFFFE0];
	v3 =	vsub.f32 $1.200000050e+00, v2;
	v4 =	vmul.f32 v4, v18  }
0xff: {  	v1 =	vsel vm13, $0x0, v1;
	v8 =	vld [tilespmem:s0+$0xFFFFFFE0];
	v2 =	vadd.f32 $-1.899999980e+00, v2  }
0x100: {  	v0 =	vadd.f32 v1, v0;
	v14 =	vld [tilespmem:s31+$0xFFFFFFF0];
	v1 =	vmax.f32 v3, $0.0e+00;
	v3 =	vsub.f32 $1.200000050e+00, v4  }
0x101: {  	vm14 =	veq.s32 v6, $0x0;
	v6 =	vld [tilespmem:s31+$0xFFFFFFE0];
	v1 =	vmax.f32 v2, v1;
	v2 =	vadd.f32 $-1.899999980e+00, v4  }
0x102: {  	v4 =	vld [tilespmem:s8+$0xFFFFFFF0];
	v1 =	vsel vm14, $0x0, v1;
	v3 =	vmax.f32 v3, $0.0e+00  }
0x103: {  	v0 =	vadd.f32 v1, v0;
	v1 =	vmax.f32 v2, v3;
	v2 =	vld [tilespmem:s7+$0xFFFFFFE0]  }
0x104: {  	vm15 =	veq.s32 v5, $0x0;
	v3 =	vld [tilespmem:s8+$0xFFFFFFE0]  }
0x105: {  	v5 =	vsub.f32 v12, v13;
	v12 =	vld [tilespmem:s12+$0xFFFFFFF0];
	v1 =	vsel vm15, $0x0, v1  }
0x106: {  	v0 =	vadd.f32 v1, v0;
	v1 =	vld [tilespmem:s12+$0xFFFFFFE0]  }
0x107: {  	v18 =	vld [tilespmem:s7+$0xFFFFFFF0]  }
0x108: {  	v62 =	vld [tilespmem:s0+$0xFFFFFFF0];
	v15 =	vsub.f32 v16, v15;
	v13 =	vsub.f32 v19, v58  }
0x109: {  	v16 =	vsub.f32 v9, v17;
	v17 =	vld [tilespmem:s13+$0xFFFFFFF0];
	v19 =	vsub.f32 v10, v59  }
0x10a: {  	v61 =	vsub.f32 v7, v8;
	s13 =	simm.s32 $0x5020;
	v8 =	vmul.f32 v15, v15;
	v2 =	vsub.f32 v6, v2  }
0x10b: {  	v9 =	vmul.f32 v13, v13;
	v7 =	vsub.f32 v4, v12;
	v4 =	vld [tilespmem:s13+$0xFFFFFFF0];
	v63 =	vsub.f32 v3, v1  }
0x10c: {  	v20 =	vsub.f32 v60, v11;
	v10 =	vmul.f32 v16, v16;
	v11 =	vmul.f32 v19, v19;
	v1 =	vld [tilespmem:s13+$0x10]  }
0x10d: {  	v6 =	vsub.f32 v14, v18;
	v3 =	vld [tilespmem:s13+$0x0];
	v14 =	vmul.f32 v2, v2;
	v15 =	vmul.f32 v63, v63  }
0x10e: {  	s19 =	simm.s32 $0x0;
	s20 =	simm.s32 $0xE060;
	v13 =	vmul.f32 v61, v61;
	v16 =	vmul.f32 v20, v20;
	v12 =	vsub.f32 v17, v62;
	v2 =	vld [tilespmem:s13+$0xFFFFFFE0]  }
.LBB2_5:
0x10f: {  	v17 =	vld [tilespmem:s20+$0x10];
	v14 =	vadd.f32 v15, v14;
	v6 =	vmul.f32 v6, v6;
	v7 =	vmul.f32 v7, v7;
	s0 =	sadd.s32 $0x40, s0  }
0x110: {  	v5 =	vmul.f32 v5, v5;
	v9 =	vadd.f32 v11, v9;
	v15 =	vld [tilespmem:s0+$0x10];
	v10 =	vadd.f32 v16, v10  }
0x111: {  	v11 =	vld [tilespmem:s20+$0x0];
	v13 =	vadd.f32 v13, v14;
	v6 =	vadd.f32 v7, v6;
	v7 =	vmul.f32 v12, v12  }
0x112: {  	s31 =	sadd.s32 $0x40, s31;
	v8 =	vadd.f32 v8, v9;
	v12 =	vld [tilespmem:s0+$0x0]  }
0x113: {  	s7 =	sadd.s32 $0x40, s7;
	v5 =	vadd.f32 v5, v10;
	v9 =	vld [tilespmem:s31+$0x10];
	v13 =	vmax.f32 v13, $1.000000000e-30;
	v6 =	vadd.f32 v7, v6  }
0x114: {  	s8 =	sadd.s32 $0x40, s8;
	v8 =	vmax.f32 v8, $1.000000000e-30;
	v7 =	vld [tilespmem:s7+$0x10];
	v10 =	vshra.s32 v13, $0x1;
	v14 =	vmul.f32 $5.000000000e-01, v13  }
0x115: {  	s12 =	sadd.s32 $0x40, s12;
	v19 =	vmax.f32 v5, $1.000000000e-30;
	v16 =	vld [tilespmem:s8+$0x10];
	v10 =	vsub.s32 $0x5F3759DF, v10;
	v18 =	vmax.f32 v6, $1.000000000e-30  }
0x116: {  	v6 =	vld [tilespmem:s12+$0x10];
	v5 =	vmul.f32 v10, v14;
	v20 =	vshra.s32 v18, $0x1;
	v21 =	vmul.f32 $5.000000000e-01, v18  }
0x117: {  	v23 =	vshra.s32 v19, $0x1;
	v24 =	vmul.f32 $5.000000000e-01, v19;
	v22 =	vld [tilespmem:s31+$0x0];
	v20 =	vsub.s32 $0x5F3759DF, v20  }
0x118: {  	v23 =	vsub.s32 $0x5F3759DF, v23;
	v25 =	vld [tilespmem:s7+$0x0];
	v5 =	vmul.f32 v10, v5;
	v26 =	vmul.f32 v20, v21  }
0x119: {  	v29 =	vshra.s32 v8, $0x1;
	v30 =	vmul.f32 $5.000000000e-01, v8;
	v28 =	vmul.f32 v23, v24;
	v27 =	vld [tilespmem:s8+$0x0]  }
0x11a: {  	v29 =	vsub.s32 $0x5F3759DF, v29;
	v31 =	vld [tilespmem:s12+$0x0];
	v5 =	vsub.f32 $1.500000000e+00, v5;
	v26 =	vmul.f32 v20, v26  }
0x11b: {  	vm0 =	veq.s32 v1, $0x0;
	v33 =	vmul.f32 v29, v30;
	v28 =	vmul.f32 v23, v28;
	v32 =	vld [tilespmem:s20+$0xFFFFFFE0]  }
0x11c: {  	vm1 =	veq.s32 v3, $0x0;
	v1 =	vld [tilespmem:s0+$0xFFFFFFE0];
	v10 =	vmul.f32 v10, v5;
	v5 =	vsub.f32 $1.500000000e+00, v26  }
0x11d: {  	vm2 =	veq.s32 v4, $0x0;
	v4 =	vsub.f32 $1.500000000e+00, v28;
	v26 =	vmul.f32 v29, v33;
	v3 =	vld [tilespmem:s31+$0xFFFFFFF0]  }
0x11e: {  	v15 =	vsub.f32 v17, v15;
	v28 =	vld [tilespmem:s7+$0xFFFFFFF0];
	v14 =	vmul.f32 v10, v14;
	v17 =	vmul.f32 v20, v5  }
0x11f: {  	v4 =	vmul.f32 v23, v4;
	v5 =	vsub.f32 v11, v12;
	v11 =	vsub.f32 $1.500000000e+00, v26;
	v20 =	vld [tilespmem:s8+$0xFFFFFFF0]  }
0x120: {  	v9 =	vsub.f32 v9, v7;
	v12 =	vld [tilespmem:s12+$0xFFFFFFF0];
	v7 =	vmul.f32 v14, v10;
	v14 =	vmul.f32 v17, v21  }
0x121: {  	v16 =	vsub.f32 v16, v6;
	v22 =	vsub.f32 v22, v25;
	v11 =	vmul.f32 v29, v11;
	v21 =	vld [tilespmem:s31+$0xFFFFFFE0]  }
0x122: {  	v23 =	vld [tilespmem:s7+$0xFFFFFFE0];
	v6 =	vsub.f32 $1.500000000e+00, v7;
	v7 =	vmul.f32 v14, v17;
	v14 =	vmul.f32 v4, v24  }
0x123: {  	v26 =	vsub.f32 v27, v31;
	v25 =	vsub.f32 v32, v1;
	v1 =	vmul.f32 v11, v30;
	v24 =	vld [tilespmem:s8+$0xFFFFFFE0]  }
0x124: {  	v27 =	vld [tilespmem:s12+$0xFFFFFFE0];
	v10 =	vmul.f32 v6, v10;
	v29 =	vsub.f32 $1.500000000e+00, v7;
	v14 =	vmul.f32 v14, v4  }
0x125: {  	v6 =	vsub.f32 v3, v28;
	v1 =	vmul.f32 v1, v11;
	v7 =	vsub.f32 v20, v12  }
0x126: {  	v3 =	vmul.f32 v10, v13;
	v10 =	vmul.f32 v29, v17;
	v12 =	vsub.f32 $1.500000000e+00, v14  }
0x127: {  	vm3 =	veq.s32 v2, $0x0;
	v1 =	vsub.f32 $1.500000000e+00, v1;
	v13 =	vsub.f32 v21, v23  }
0x128: {  	v2 =	vsub.f32 $1.200000050e+00, v3;
	v10 =	vmul.f32 v10, v18;
	v4 =	vmul.f32 v12, v4  }
0x129: {  	v3 =	vadd.f32 $-1.899999980e+00, v3;
	v1 =	vmul.f32 v1, v11;
	v12 =	vsub.f32 v24, v27  }
0x12a: {  	v2 =	vmax.f32 v2, $0.0e+00;
	v11 =	vsub.f32 $1.200000050e+00, v10;
	v4 =	vmul.f32 v4, v19  }
0x12b: {  	v1 =	vmul.f32 v1, v8;
	v2 =	vmax.f32 v3, v2;
	v3 =	vadd.f32 $-1.899999980e+00, v10  }
0x12c: {  	s19 =	sadd.s32 $0x4, s19;
	v2 =	vsel vm3, $0x0, v2;
	v8 =	vmax.f32 v11, $0.0e+00;
	v10 =	vsub.f32 $1.200000050e+00, v4  }
0x12d: {  	p1 =	slt.u32 s19, $0xF4;
	v0 =	vadd.f32 v2, v0;
	v2 =	vmax.f32 v3, v8;
	v3 =	vadd.f32 $-1.899999980e+00, v4  }
0x12e: {  	v17 =	vld [tilespmem:s20+$0xFFFFFFF0];
	v2 =	vsel vm2, $0x0, v2;
	v4 =	vmax.f32 v10, $0.0e+00;
	v10 =	vsub.f32 $1.200000050e+00, v1  }
0x12f: {  	v18 =	vld [tilespmem:s0+$0xFFFFFFF0];
	v0 =	vadd.f32 v2, v0;
	v2 =	vmax.f32 v3, v4;
	v3 =	vadd.f32 $-1.899999980e+00, v1  }
.Ltmp1:
0x130: {  	s13 =	sadd.s32 $0x40, s13;
	v8 =	vmul.f32 v15, v15;
	v2 =	vsel vm1, $0x0, v2;
	v4 =	vmax.f32 v10, $0.0e+00;
	(pc) =	sbr.rel @p1 .LBB2_5-.Ltmp1, $4  }
0x131: {  	v9 =	vmul.f32 v9, v9;
	v1 =	vld [tilespmem:s13+$0x10];
	v0 =	vadd.f32 v2, v0;
	v2 =	vmax.f32 v3, v4  }
0x132: {  	v11 =	vmul.f32 v16, v16;
	v10 =	vmul.f32 v22, v22;
	v3 =	vld [tilespmem:s13+$0x0];
	v2 =	vsel vm0, $0x0, v2  }
0x133: {  	v14 =	vmul.f32 v13, v13;
	v15 =	vmul.f32 v12, v12;
	v4 =	vld [tilespmem:s13+$0xFFFFFFF0];
	v0 =	vadd.f32 v2, v0  }
0x134: {  	v13 =	vmul.f32 v25, v25;
	v16 =	vmul.f32 v26, v26;
	s20 =	sadd.s32 $0x40, s20;
	v2 =	vld [tilespmem:s13+$0xFFFFFFE0];
	v12 =	vsub.f32 v17, v18  }
0x135: {  	v52 =	vld [tilespmem:$0xCF80]  }
0x136: {  	v55 =	vld [tilespmem:$0xFF80]  }
0x137: {  	v14 =	vadd.f32 v15, v14;
	v57 =	vld [tilespmem:$0xDF80]  }
0x138: {  	v6 =	vmul.f32 v6, v6;
	v7 =	vmul.f32 v7, v7;
	v9 =	vadd.f32 v11, v9;
	v20 =	vld [tilespmem:$0x10F80]  }
0x139: {  	v5 =	vmul.f32 v5, v5;
	v23 =	vld [tilespmem:$0xEF80];
	v10 =	vadd.f32 v16, v10;
	v47 =	vadd.f32 v13, v14  }
0x13a: {  	v25 =	vld [tilespmem:$0x11F80];
	v48 =	vmul.f32 v12, v12;
	v6 =	vadd.f32 v7, v6;
	v8 =	vadd.f32 v8, v9  }
0x13b: {  	v5 =	vadd.f32 v5, v10  }
0x13c: {  	v49 =	vmax.f32 v47, $1.000000000e-30;
	v6 =	vadd.f32 v48, v6;
	v8 =	vmax.f32 v8, $1.000000000e-30  }
0x13d: {  	v27 =	vld [tilespmem:$0xCF90];
	v50 =	vshra.s32 v49, $0x1;
	v51 =	vmul.f32 $5.000000000e-01, v49;
	v5 =	vmax.f32 v5, $1.000000000e-30  }
0x13e: {  	v28 =	vld [tilespmem:$0xFF90];
	v21 =	vshra.s32 v8, $0x1;
	v22 =	vmul.f32 $5.000000000e-01, v8;
	v11 =	vsub.f32 v52, v55  }
0x13f: {  	v59 =	vld [tilespmem:$0xEF90];
	v60 =	vsub.f32 v57, v20;
	v62 =	vsub.f32 v23, v25;
	v6 =	vmax.f32 v6, $1.000000000e-30  }
0x140: {  	v61 =	vld [tilespmem:$0x11F90];
	v7 =	vsub.s32 $0x5F3759DF, v50;
	v17 =	vshra.s32 v5, $0x1;
	v18 =	vmul.f32 $5.000000000e-01, v5  }
0x141: {  	v21 =	vsub.s32 $0x5F3759DF, v21;
	v53 =	vshra.s32 v6, $0x1;
	v54 =	vmul.f32 $5.000000000e-01, v6  }
0x142: {  	v56 =	vmul.f32 v7, v51;
	v17 =	vsub.s32 $0x5F3759DF, v17;
	v26 =	vmul.f32 v21, v22  }
0x143: {  	v11 =	vmul.f32 v11, v11;
	v14 =	vmul.f32 v60, v60;
	v12 =	vsub.s32 $0x5F3759DF, v53  }
0x144: {  	v29 =	vld [tilespmem:$0xDF90];
	v63 =	vsub.f32 v27, v28;
	v24 =	vmul.f32 v17, v18;
	v19 =	vmul.f32 v12, v54  }
0x145: {  	v30 =	vld [tilespmem:$0x10F90];
	v16 =	vsub.f32 v59, v61;
	v15 =	vmul.f32 v7, v56;
	v26 =	vmul.f32 v21, v26  }
0x146: {  	v25 =	vmul.f32 v62, v62;
	v11 =	vadd.f32 v14, v11;
	v24 =	vmul.f32 v17, v24  }
0x147: {  	v19 =	vmul.f32 v12, v19;
	v15 =	vsub.f32 $1.500000000e+00, v15;
	v58 =	vsub.f32 $1.500000000e+00, v26  }
0x148: {  	v16 =	vmul.f32 v16, v16;
	v11 =	vadd.f32 v25, v11;
	v24 =	vsub.f32 $1.500000000e+00, v24  }
0x149: {  	v26 =	vmul.f32 v63, v63;
	v19 =	vsub.f32 $1.500000000e+00, v19;
	v7 =	vmul.f32 v7, v15  }
0x14a: {  	v31 =	vmax.f32 v11, $1.000000000e-30;
	v17 =	vmul.f32 v17, v24;
	v24 =	vsub.f32 v29, v30  }
0x14b: {  	v15 =	vmul.f32 v21, v58;
	v34 =	vmul.f32 $5.000000000e-01, v31  }
0x14c: {  	v12 =	vmul.f32 v12, v19;
	v27 =	vmul.f32 v24, v24  }
0x14d: {  	v33 =	vshra.s32 v31, $0x1;
	v10 =	vmul.f32 v7, v51;
	v30 =	vmul.f32 v15, v22  }
0x14e: {  	v35 =	vsub.s32 $0x5F3759DF, v33;
	v13 =	vmul.f32 v12, v54;
	v29 =	vadd.f32 v27, v26  }
0x14f: {  	v28 =	vmul.f32 v17, v18;
	v37 =	vmul.f32 v35, v34  }
0x150: {  	v10 =	vmul.f32 v10, v7;
	v13 =	vmul.f32 v13, v12;
	v16 =	vadd.f32 v16, v29  }
0x151: {  	v32 =	vld [tilespmem:$0x5F80];
	vm13 =	veq.s32 v1, $0x0;
	v19 =	vmul.f32 v30, v15;
	v14 =	vmul.f32 v28, v17  }
0x152: {  	v36 =	vld [tilespmem:$0x5F90];
	_ =	swait.ge [sflag:s25], $0xFA0;
	v22 =	vmul.f32 v35, v37;
	v13 =	vsub.f32 $1.500000000e+00, v13;
	v16 =	vmax.f32 v16, $1.000000000e-30  }
0x153: {  	[sflag:s25] =	ssyncset.done $0x0;
	v10 =	vsub.f32 $1.500000000e+00, v10;
	v38 =	vshra.s32 v16, $0x1;
	v39 =	vmul.f32 $5.000000000e-01, v16  }
0x154: {  	[sflag:s25] =	ssyncadd.s32 $0xFFFFF060;
	v40 =	vsub.f32 $1.500000000e+00, v19;
	v12 =	vmul.f32 v13, v12;
	v13 =	vsub.s32 $0x5F3759DF, v38  }
0x155: {  	vm0 =	veq.s32 v3, $0x0;
	_ =	swait.ge [sflag:s14], $0xFA0;
	v14 =	vsub.f32 $1.500000000e+00, v14;
	v41 =	vmul.f32 v13, v39  }
0x156: {  	[sflag:s14] =	ssyncset.done $0x0;
	v43 =	vsub.f32 $1.500000000e+00, v22;
	v7 =	vmul.f32 v10, v7;
	v9 =	vmul.f32 v40, v15  }
0x157: {  	vm1 =	veq.s32 v4, $0x0;
	[sflag:s14] =	ssyncadd.s32 $0xFFFFF060;
	v42 =	vmul.f32 v14, v17;
	v44 =	vmul.f32 v13, v41  }
0x158: {  	vm2 =	veq.s32 v2, $0x0;
	_ =	swait.ge [sflag:s14], $0xFA0;
	v3 =	vmul.f32 v35, v43;
	v7 =	vmul.f32 v7, v49  }
0x159: {  	[sflag:s14] =	ssyncset.done $0x0;
	v50 =	vmul.f32 v9, v8;
	v5 =	vmul.f32 v42, v5;
	v2 =	vsub.f32 $1.500000000e+00, v44  }
0x15a: {  	[sflag:s14] =	ssyncadd.s32 $0xFFFFF060;
	v49 =	vmul.f32 v3, v34;
	v6 =	vmul.f32 v12, v6;
	v45 =	vsub.f32 $1.200000050e+00, v7  }
0x15b: {  	_ =	swait.ge [sflag:s18], $0xFA0;
	v46 =	vadd.f32 $-1.899999980e+00, v7;
	v58 =	vsub.f32 $1.200000050e+00, v50;
	v2 =	vmul.f32 v13, v2  }
0x15c: {  	[sflag:s18] =	ssyncset.done $0x0;
	v61 =	vadd.f32 $-1.899999980e+00, v50;
	v51 =	vmul.f32 v49, v3;
	v53 =	vsub.f32 $1.200000050e+00, v5  }
0x15d: {  	[sflag:s18] =	ssyncadd.s32 $0xFFFFF060;
	v5 =	vadd.f32 $-1.899999980e+00, v5;
	v47 =	vmax.f32 v45, $0.0e+00;
	v52 =	vmul.f32 v2, v39  }
0x15e: {  	_ =	swait.ge [sflag:s14], $0xFA0;
	v48 =	vsub.f32 $1.200000050e+00, v6;
	v6 =	vadd.f32 $-1.899999980e+00, v6;
	v4 =	vmax.f32 v46, v47  }
0x15f: {  	[sflag:s14] =	ssyncset.done $0x0;
	v55 =	vsub.f32 $1.500000000e+00, v51;
	v4 =	vsel vm2, $0x0, v4;
	v56 =	vmul.f32 v52, v2  }
0x160: {  	[sflag:s14] =	ssyncadd.s32 $0xFFFFF060;
	v57 =	vmax.f32 v53, $0.0e+00;
	v12 =	vmax.f32 v48, $0.0e+00;
	v0 =	vadd.f32 v4, v0  }
0x161: {  	_ =	swait.ge [sflag:s14], $0xFA0;
	v54 =	vmax.f32 v6, v12;
	v3 =	vmul.f32 v55, v3;
	v59 =	vsub.f32 $1.500000000e+00, v56  }
0x162: {  	[sflag:s14] =	ssyncset.done $0x0;
	v1 =	vmax.f32 v58, $0.0e+00;
	v60 =	vmax.f32 v5, v57;
	v4 =	vsel vm1, $0x0, v54  }
0x163: {  	[sflag:s14] =	ssyncadd.s32 $0xFFFFF060;
	v0 =	vadd.f32 v4, v0;
	v3 =	vmul.f32 v3, v31;
	v2 =	vmul.f32 v59, v2  }
0x164: {  	_ =	swait.ge [sflag:s14], $0xFA0;
	v1 =	vmax.f32 v61, v1;
	v4 =	vsel vm0, $0x0, v60  }
0x165: {  	[sflag:s14] =	ssyncset.done $0x0;
	v0 =	vadd.f32 v4, v0;
	v62 =	vsub.f32 $1.200000050e+00, v3;
	v2 =	vmul.f32 v2, v16  }
0x166: {  	s29 =	sadd.s32 $0x1, s29;
	[sflag:s14] =	ssyncadd.s32 $0xFFFFF060;
	v1 =	vsel vm13, $0x0, v1;
	v3 =	vadd.f32 $-1.899999980e+00, v3  }
0x167: {  	p1 =	sne.s32 s29, $0x18;
	_ =	swait.ge [sflag:s25], $0xFA0;
	v0 =	vadd.f32 v1, v0;
	v1 =	vmax.f32 v62, $0.0e+00;
	v63 =	vsub.f32 $1.200000050e+00, v2  }
.Ltmp2:
0x168: {  	vm14 =	veq.s32 v32, $0x0;
	[sflag:s25] =	ssyncset.done $0x0;
	v1 =	vmax.f32 v3, v1;
	v2 =	vadd.f32 $-1.899999980e+00, v2;
	(pc) =	sbr.rel @p1 .LBB2_2-.Ltmp2, $4  }
0x169: {  	[sflag:s25] =	ssyncadd.s32 $0xFFFFF060;
	v1 =	vsel vm14, $0x0, v1;
	v3 =	vmax.f32 v63, $0.0e+00  }
0x16a: {  	vm15 =	veq.s32 v36, $0x0;
	_ =	swait.ge [sflag:s25], $0xFA0;
	v0 =	vadd.f32 v1, v0;
	v1 =	vmax.f32 v2, v3  }
0x16b: {  	[sflag:s25] =	ssyncset.done $0x0;
	v1 =	vsel vm15, $0x0, v1  }
0x16c: {  	[sflag:s25] =	ssyncadd.s32 $0xFFFFF060;
	v0 =	vadd.f32 v1, v0  }
0x16d: {  	s0 =	rddreg [dreg:$0xd];
	s7 =	simm.s32 $0x5000  }
0x16e: {  	[tilespmem:s7], [sflag:$0x1] =	stream.linear.gather [hbm4b:s0+s6], $0xFA0, $0x38;
	[tilespmem:$0x169D0] =	vst v63  }
0x16f: {  	s22 =	simm.s32 $0xC000  }
0x170: {  	[tilespmem:s22], [sflag:$0x2] =	stream.indirect.gather [spmem:s3], $0x1, s26, s30, $0xb8;
	[tilespmem:$0x169D0] =	vst v63  }
0x171: {  	s29 =	simm.s32 $0xD000  }
0x172: {  	[tilespmem:s29], [sflag:$0x2] =	stream.indirect.gather [spmem:s4], $0x1, s26, s30, $0xb8;
	[tilespmem:$0x169D0] =	vst v63  }
0x173: {  	s31 =	simm.s32 $0xE000  }
0x174: {  	[tilespmem:s31], [sflag:$0x3] =	stream.indirect.gather [hbm4b:s9+s30], $0x1, s26, s30, $0xb8;
	[tilespmem:$0x169D0] =	vst v63  }
0x175: {  	_ = 	snop  }
0x176: {  	[tilespmem:s23], [sflag:$0x2] =	stream.indirect.gather [spmem:s3], $0x1, s28, s30, $0xb8;
	[tilespmem:$0x169D0] =	vst v63  }
0x177: {  	_ = 	snop  }
0x178: {  	[tilespmem:s15], [sflag:$0x2] =	stream.indirect.gather [spmem:s4], $0x1, s28, s30, $0xb8;
	[tilespmem:$0x169D0] =	vst v63  }
0x179: {  	s19 =	simm.s32 $0x8020  }
0x17a: {  	[tilespmem:s10], [sflag:$0x2] =	stream.indirect.gather [spmem:s5], $0x1, s28, s30, $0xb8;
	[tilespmem:$0x169D0] =	vst v63  }
0x17b: {  	s0 =	simm.s32 $0xB020;
	v1 =	vld [tilespmem:s19+$0x10]  }
0x17c: {  	v2 =	vld [tilespmem:s0+$0x10]  }
0x17d: {  	v3 =	vld [tilespmem:s19+$0x0]  }
0x17e: {  	s7 =	simm.s32 $0x6020;
	v4 =	vld [tilespmem:s0+$0x0]  }
0x17f: {  	s8 =	simm.s32 $0x9020;
	v6 =	vld [tilespmem:s7+$0x10]  }
0x180: {  	s12 =	simm.s32 $0x7020;
	v7 =	vld [tilespmem:s8+$0x10]  }
0x181: {  	s13 =	simm.s32 $0xA020;
	v8 =	vld [tilespmem:s12+$0x10]  }
0x182: {  	v9 =	vld [tilespmem:s13+$0x10]  }
0x183: {  	v10 =	vld [tilespmem:s7+$0x0]  }
0x184: {  	v11 =	vld [tilespmem:s8+$0x0]  }
0x185: {  	v12 =	vld [tilespmem:s12+$0x0]  }
0x186: {  	v13 =	vld [tilespmem:s13+$0x0]  }
0x187: {  	v14 =	vld [tilespmem:s19+$0xFFFFFFE0]  }
0x188: {  	v15 =	vld [tilespmem:s0+$0xFFFFFFE0]  }
0x189: {  	v16 =	vld [tilespmem:s7+$0xFFFFFFF0]  }
0x18a: {  	v17 =	vld [tilespmem:s8+$0xFFFFFFF0]  }
0x18b: {  	v18 =	vld [tilespmem:s12+$0xFFFFFFF0]  }
0x18c: {  	v19 =	vld [tilespmem:s7+$0xFFFFFFE0]  }
0x18d: {  	v20 =	vld [tilespmem:s8+$0xFFFFFFE0]  }
0x18e: {  	v21 =	vld [tilespmem:s12+$0xFFFFFFE0]  }
0x18f: {  	v22 =	vld [tilespmem:s13+$0xFFFFFFE0]  }
0x190: {  	v23 =	vld [tilespmem:s19+$0xFFFFFFF0];
	v1 =	vsub.f32 v1, v2;
	v5 =	vsub.f32 v3, v4  }
0x191: {  	v3 =	vld [tilespmem:s13+$0xFFFFFFF0];
	v2 =	vsub.f32 v6, v7;
	v4 =	vsub.f32 v10, v11  }
0x192: {  	v24 =	vld [tilespmem:s0+$0xFFFFFFF0];
	v7 =	vsub.f32 v8, v9;
	v14 =	vsub.f32 v14, v15  }
0x193: {  	s19 =	simm.s32 $0x4020;
	v25 =	vsub.f32 v12, v13;
	v12 =	vsub.f32 v19, v20  }
0x194: {  	v13 =	vsub.f32 v21, v22;
	v8 =	vmul.f32 v1, v1;
	v1 =	vld [tilespmem:s19+$0x10];
	v9 =	vmul.f32 v2, v2  }
0x195: {  	v6 =	vsub.f32 v16, v17;
	v2 =	vld [tilespmem:s19+$0x0];
	v10 =	vmul.f32 v4, v4;
	v11 =	vmul.f32 v7, v7  }
0x196: {  	v15 =	vmul.f32 v12, v12;
	v16 =	vmul.f32 v13, v13;
	v4 =	vld [tilespmem:s19+$0xFFFFFFF0];
	v7 =	vsub.f32 v18, v3  }
0x197: {  	s20 =	simm.s32 $0x0;
	s21 =	simm.s32 $0x8060;
	v13 =	vmul.f32 v14, v14;
	v12 =	vsub.f32 v23, v24;
	v14 =	vmul.f32 v25, v25;
	v3 =	vld [tilespmem:s19+$0xFFFFFFE0]  }
.LBB2_8:
0x198: {  	v17 =	vld [tilespmem:s21+$0x10];
	v15 =	vadd.f32 v16, v15;
	v6 =	vmul.f32 v6, v6;
	v7 =	vmul.f32 v7, v7;
	s0 =	sadd.s32 $0x40, s0  }
0x199: {  	v5 =	vmul.f32 v5, v5;
	v9 =	vadd.f32 v11, v9;
	v16 =	vld [tilespmem:s0+$0x10];
	v10 =	vadd.f32 v14, v10  }
0x19a: {  	v11 =	vld [tilespmem:s21+$0x0];
	v13 =	vadd.f32 v13, v15;
	v6 =	vadd.f32 v7, v6;
	v7 =	vmul.f32 v12, v12  }
0x19b: {  	s7 =	sadd.s32 $0x40, s7;
	v8 =	vadd.f32 v8, v9;
	v12 =	vld [tilespmem:s0+$0x0]  }
0x19c: {  	s8 =	sadd.s32 $0x40, s8;
	v5 =	vadd.f32 v5, v10;
	v9 =	vld [tilespmem:s7+$0x10];
	v13 =	vmax.f32 v13, $1.000000000e-30;
	v6 =	vadd.f32 v7, v6  }
0x19d: {  	s12 =	sadd.s32 $0x40, s12;
	v8 =	vmax.f32 v8, $1.000000000e-30;
	v7 =	vld [tilespmem:s8+$0x10];
	v10 =	vshra.s32 v13, $0x1;
	v14 =	vmul.f32 $5.000000000e-01, v13  }
0x19e: {  	s13 =	sadd.s32 $0x40, s13;
	v19 =	vmax.f32 v5, $1.000000000e-30;
	v15 =	vld [tilespmem:s12+$0x10];
	v10 =	vsub.s32 $0x5F3759DF, v10;
	v18 =	vmax.f32 v6, $1.000000000e-30  }
0x19f: {  	v6 =	vld [tilespmem:s13+$0x10];
	v5 =	vmul.f32 v10, v14;
	v20 =	vshra.s32 v18, $0x1;
	v21 =	vmul.f32 $5.000000000e-01, v18  }
0x1a0: {  	v23 =	vshra.s32 v19, $0x1;
	v24 =	vmul.f32 $5.000000000e-01, v19;
	v22 =	vld [tilespmem:s7+$0x0];
	v20 =	vsub.s32 $0x5F3759DF, v20  }
0x1a1: {  	v23 =	vsub.s32 $0x5F3759DF, v23;
	v25 =	vld [tilespmem:s8+$0x0];
	v5 =	vmul.f32 v10, v5;
	v26 =	vmul.f32 v20, v21  }
0x1a2: {  	v29 =	vshra.s32 v8, $0x1;
	v30 =	vmul.f32 $5.000000000e-01, v8;
	v28 =	vmul.f32 v23, v24;
	v27 =	vld [tilespmem:s12+$0x0]  }
0x1a3: {  	v29 =	vsub.s32 $0x5F3759DF, v29;
	v31 =	vld [tilespmem:s13+$0x0];
	v5 =	vsub.f32 $1.500000000e+00, v5;
	v26 =	vmul.f32 v20, v26  }
0x1a4: {  	vm0 =	veq.s32 v1, $0x0;
	v33 =	vmul.f32 v29, v30;
	v28 =	vmul.f32 v23, v28;
	v32 =	vld [tilespmem:s21+$0xFFFFFFE0]  }
0x1a5: {  	vm1 =	veq.s32 v2, $0x0;
	v1 =	vld [tilespmem:s0+$0xFFFFFFE0];
	v10 =	vmul.f32 v10, v5;
	v5 =	vsub.f32 $1.500000000e+00, v26  }
0x1a6: {  	vm2 =	veq.s32 v4, $0x0;
	v4 =	vsub.f32 $1.500000000e+00, v28;
	v26 =	vmul.f32 v29, v33;
	v2 =	vld [tilespmem:s7+$0xFFFFFFF0]  }
0x1a7: {  	v16 =	vsub.f32 v17, v16;
	v28 =	vld [tilespmem:s8+$0xFFFFFFF0];
	v14 =	vmul.f32 v10, v14;
	v17 =	vmul.f32 v20, v5  }
0x1a8: {  	v4 =	vmul.f32 v23, v4;
	v5 =	vsub.f32 v11, v12;
	v11 =	vsub.f32 $1.500000000e+00, v26;
	v20 =	vld [tilespmem:s12+$0xFFFFFFF0]  }
0x1a9: {  	v9 =	vsub.f32 v9, v7;
	v12 =	vld [tilespmem:s13+$0xFFFFFFF0];
	v7 =	vmul.f32 v14, v10;
	v14 =	vmul.f32 v17, v21  }
0x1aa: {  	v15 =	vsub.f32 v15, v6;
	v22 =	vsub.f32 v22, v25;
	v11 =	vmul.f32 v29, v11;
	v21 =	vld [tilespmem:s7+$0xFFFFFFE0]  }
0x1ab: {  	v23 =	vld [tilespmem:s8+$0xFFFFFFE0];
	v6 =	vsub.f32 $1.500000000e+00, v7;
	v7 =	vmul.f32 v14, v17;
	v14 =	vmul.f32 v4, v24  }
0x1ac: {  	v26 =	vsub.f32 v27, v31;
	v25 =	vsub.f32 v32, v1;
	v1 =	vmul.f32 v11, v30;
	v24 =	vld [tilespmem:s12+$0xFFFFFFE0]  }
0x1ad: {  	v27 =	vld [tilespmem:s13+$0xFFFFFFE0];
	v10 =	vmul.f32 v6, v10;
	v29 =	vsub.f32 $1.500000000e+00, v7;
	v14 =	vmul.f32 v14, v4  }
0x1ae: {  	v6 =	vsub.f32 v2, v28;
	v1 =	vmul.f32 v1, v11;
	v7 =	vsub.f32 v20, v12  }
0x1af: {  	v2 =	vmul.f32 v10, v13;
	v10 =	vmul.f32 v29, v17;
	v12 =	vsub.f32 $1.500000000e+00, v14  }
0x1b0: {  	vm3 =	veq.s32 v3, $0x0;
	v1 =	vsub.f32 $1.500000000e+00, v1;
	v13 =	vsub.f32 v21, v23  }
0x1b1: {  	v3 =	vsub.f32 $1.200000050e+00, v2;
	v10 =	vmul.f32 v10, v18;
	v4 =	vmul.f32 v12, v4  }
0x1b2: {  	v2 =	vadd.f32 $-1.899999980e+00, v2;
	v1 =	vmul.f32 v1, v11;
	v12 =	vsub.f32 v24, v27  }
0x1b3: {  	v3 =	vmax.f32 v3, $0.0e+00;
	v11 =	vsub.f32 $1.200000050e+00, v10;
	v4 =	vmul.f32 v4, v19  }
0x1b4: {  	v1 =	vmul.f32 v1, v8;
	v2 =	vmax.f32 v2, v3;
	v3 =	vadd.f32 $-1.899999980e+00, v10  }
0x1b5: {  	s20 =	sadd.s32 $0x4, s20;
	v2 =	vsel vm3, $0x0, v2;
	v8 =	vmax.f32 v11, $0.0e+00;
	v10 =	vsub.f32 $1.200000050e+00, v4  }
0x1b6: {  	p1 =	slt.u32 s20, $0xF4;
	v0 =	vadd.f32 v2, v0;
	v2 =	vmax.f32 v3, v8;
	v3 =	vadd.f32 $-1.899999980e+00, v4  }
0x1b7: {  	v14 =	vld [tilespmem:s21+$0xFFFFFFF0];
	v2 =	vsel vm2, $0x0, v2;
	v4 =	vmax.f32 v10, $0.0e+00;
	v10 =	vsub.f32 $1.200000050e+00, v1  }
0x1b8: {  	v17 =	vld [tilespmem:s0+$0xFFFFFFF0];
	v0 =	vadd.f32 v2, v0;
	v2 =	vmax.f32 v3, v4;
	v3 =	vadd.f32 $-1.899999980e+00, v1  }
.Ltmp3:
0x1b9: {  	s19 =	sadd.s32 $0x40, s19;
	v8 =	vmul.f32 v16, v16;
	v2 =	vsel vm1, $0x0, v2;
	v4 =	vmax.f32 v10, $0.0e+00;
	(pc) =	sbr.rel @p1 .LBB2_8-.Ltmp3, $4  }
0x1ba: {  	v9 =	vmul.f32 v9, v9;
	v1 =	vld [tilespmem:s19+$0x10];
	v0 =	vadd.f32 v2, v0;
	v3 =	vmax.f32 v3, v4  }
0x1bb: {  	v11 =	vmul.f32 v15, v15;
	v10 =	vmul.f32 v22, v22;
	v2 =	vld [tilespmem:s19+$0x0];
	v3 =	vsel vm0, $0x0, v3  }
0x1bc: {  	v15 =	vmul.f32 v13, v13;
	v16 =	vmul.f32 v12, v12;
	v4 =	vld [tilespmem:s19+$0xFFFFFFF0];
	v0 =	vadd.f32 v3, v0  }
0x1bd: {  	v13 =	vmul.f32 v25, v25;
	s21 =	sadd.s32 $0x40, s21;
	v3 =	vld [tilespmem:s19+$0xFFFFFFE0];
	v12 =	vsub.f32 v14, v17;
	v14 =	vmul.f32 v26, v26  }
0x1be: {  	v17 =	vld [tilespmem:$0x6F80]  }
0x1bf: {  	v15 =	vadd.f32 v16, v15;
	v16 =	vld [tilespmem:$0x9F80]  }
0x1c0: {  	v9 =	vadd.f32 v11, v9;
	v11 =	vld [tilespmem:$0x7F80]  }
0x1c1: {  	v6 =	vmul.f32 v6, v6;
	v7 =	vmul.f32 v7, v7;
	v19 =	vld [tilespmem:$0x6F90]  }
0x1c2: {  	v5 =	vmul.f32 v5, v5;
	v24 =	vld [tilespmem:$0x7F90];
	v10 =	vadd.f32 v14, v10  }
0x1c3: {  	v27 =	vld [tilespmem:$0xAF90];
	v13 =	vadd.f32 v13, v15;
	v6 =	vadd.f32 v7, v6;
	v7 =	vmul.f32 v12, v12  }
0x1c4: {  	v21 =	vld [tilespmem:$0x9F90];
	v8 =	vadd.f32 v8, v9;
	vm12 =	veq.s32 v2, $0x0;
	v10 =	vadd.f32 v5, v10  }
0x1c5: {  	v30 =	vld [tilespmem:$0x8F90];
	vm0 =	veq.s32 v4, $0x0;
	v9 =	vmax.f32 v13, $1.000000000e-30;
	v6 =	vadd.f32 v7, v6  }
0x1c6: {  	v14 =	vld [tilespmem:$0x8F80];
	v8 =	vmax.f32 v8, $1.000000000e-30;
	v13 =	vshra.s32 v9, $0x1;
	v15 =	vmul.f32 $5.000000000e-01, v9  }
0x1c7: {  	v12 =	vld [tilespmem:$0xAF80];
	v10 =	vmax.f32 v10, $1.000000000e-30;
	v29 =	vmul.f32 $5.000000000e-01, v8;
	v18 =	vmax.f32 v6, $1.000000000e-30  }
0x1c8: {  	v7 =	vld [tilespmem:$0xBF80];
	v16 =	vsub.f32 v17, v16;
	v17 =	vsub.f32 v24, v27;
	v6 =	vshra.s32 v18, $0x1  }
0x1c9: {  	v33 =	vld [tilespmem:$0xBF90];
	v13 =	vsub.s32 $0x5F3759DF, v13;
	v23 =	vsub.s32 $0x5F3759DF, v6;
	v6 =	vshra.s32 v10, $0x1  }
0x1ca: {  	v5 =	vld [tilespmem:$0x4F80];
	v22 =	vmul.f32 v13, v15;
	v28 =	vsub.s32 $0x5F3759DF, v6;
	v6 =	vshra.s32 v8, $0x1  }
0x1cb: {  	v25 =	vmul.f32 $5.000000000e-01, v10;
	v20 =	vmul.f32 $5.000000000e-01, v18;
	v32 =	vsub.s32 $0x5F3759DF, v6;
	v6 =	vld [tilespmem:$0x4F90];
	_ =	swait.ge [sflag:s25], $0xFA0  }
0x1cc: {  	v11 =	vsub.f32 v11, v12;
	v17 =	vmul.f32 v17, v17;
	v22 =	vmul.f32 v13, v22;
	[sflag:s25] =	ssyncset.done $0x0  }
0x1cd: {  	v26 =	vmul.f32 v23, v20;
	v7 =	vsub.f32 v14, v7;
	v14 =	vmul.f32 v16, v16;
	[sflag:s25] =	ssyncadd.s32 $0xFFFFF060  }
0x1ce: {  	v11 =	vmul.f32 v11, v11;
	v31 =	vmul.f32 v28, v25;
	v22 =	vsub.f32 $1.500000000e+00, v22;
	_ =	swait.ge [sflag:s14], $0xFA0  }
0x1cf: {  	v16 =	vsub.f32 v19, v21;
	v26 =	vmul.f32 v23, v26;
	v34 =	vmul.f32 v32, v29;
	[sflag:s14] =	ssyncset.done $0x0  }
0x1d0: {  	v19 =	vsub.f32 v30, v33;
	v7 =	vmul.f32 v7, v7;
	v13 =	vmul.f32 v13, v22;
	[sflag:s14] =	ssyncadd.s32 $0xFFFFF060  }
0x1d1: {  	v11 =	vadd.f32 v11, v14;
	v16 =	vmul.f32 v16, v16;
	v31 =	vmul.f32 v28, v31;
	_ =	swait.ge [sflag:s14], $0xFA0  }
0x1d2: {  	v26 =	vsub.f32 $1.500000000e+00, v26;
	v34 =	vmul.f32 v32, v34;
	v15 =	vmul.f32 v13, v15;
	[sflag:s14] =	ssyncset.done $0x0  }
0x1d3: {  	v7 =	vadd.f32 v7, v11;
	v11 =	vadd.f32 v17, v16;
	v16 =	vmul.f32 v19, v19;
	[sflag:s14] =	ssyncadd.s32 $0xFFFFF060  }
0x1d4: {  	v31 =	vsub.f32 $1.500000000e+00, v31;
	v52 =	vmul.f32 v23, v26;
	v15 =	vmul.f32 v15, v13;
	_ =	swait.ge [sflag:s18], $0xFA0  }
0x1d5: {  	v53 =	vsub.f32 $1.500000000e+00, v34;
	v7 =	vmax.f32 v7, $1.000000000e-30;
	v11 =	vadd.f32 v16, v11;
	[sflag:s18] =	ssyncset.done $0x0  }
0x1d6: {  	v54 =	vmul.f32 v28, v31;
	v19 =	vmul.f32 $5.000000000e-01, v7;
	v15 =	vsub.f32 $1.500000000e+00, v15;
	[sflag:s18] =	ssyncadd.s32 $0xFFFFF060  }
0x1d7: {  	v16 =	vshra.s32 v7, $0x1;
	v12 =	vmul.f32 v32, v53;
	v14 =	vmul.f32 v52, v20;
	_ =	swait.ge [sflag:s14], $0xFA0  }
0x1d8: {  	v11 =	vmax.f32 v11, $1.000000000e-30;
	v55 =	vmul.f32 v54, v25;
	v13 =	vmul.f32 v15, v13;
	[sflag:s14] =	ssyncset.done $0x0  }
0x1d9: {  	v56 =	vshra.s32 v11, $0x1;
	v14 =	vmul.f32 v14, v52;
	v17 =	vmul.f32 v12, v29;
	[sflag:s14] =	ssyncadd.s32 $0xFFFFF060  }
0x1da: {  	v15 =	vmul.f32 v55, v54;
	v9 =	vmul.f32 v13, v9;
	v13 =	vsub.s32 $0x5F3759DF, v16;
	_ =	swait.ge [sflag:s14], $0xFA0  }
0x1db: {  	v57 =	vmul.f32 $5.000000000e-01, v11;
	v20 =	vsub.s32 $0x5F3759DF, v56;
	v16 =	vmul.f32 v13, v19;
	[sflag:s14] =	ssyncset.done $0x0  }
0x1dc: {  	v14 =	vsub.f32 $1.500000000e+00, v14;
	v17 =	vmul.f32 v17, v12;
	v15 =	vsub.f32 $1.500000000e+00, v15;
	[sflag:s14] =	ssyncadd.s32 $0xFFFFF060  }
0x1dd: {  	vm1 =	veq.s32 v3, $0x0;
	v4 =	vmul.f32 v13, v16;
	v16 =	vmul.f32 v20, v57;
	_ =	swait.ge [sflag:s14], $0xFA0  }
0x1de: {  	v14 =	vmul.f32 v14, v52;
	v3 =	vsub.f32 $1.500000000e+00, v17;
	v15 =	vmul.f32 v15, v54;
	[sflag:s14] =	ssyncset.done $0x0  }
0x1df: {  	s13 =	simm.s32 $0xE020;
	v17 =	vsub.f32 $1.200000050e+00, v9;
	v4 =	vsub.f32 $1.500000000e+00, v4;
	v16 =	vmul.f32 v20, v16;
	[sflag:s14] =	ssyncadd.s32 $0xFFFFF060  }
0x1e0: {  	s0 =	simm.s32 $0x11020;
	v14 =	vmul.f32 v14, v18;
	v9 =	vadd.f32 $-1.899999980e+00, v9;
	v10 =	vmul.f32 v15, v10;
	v18 =	vld [tilespmem:s13+$0x10]  }
0x1e1: {  	v3 =	vmul.f32 v3, v12;
	v4 =	vmul.f32 v13, v4;
	v12 =	vsub.f32 $1.500000000e+00, v16;
	v13 =	vld [tilespmem:s0+$0x10]  }
0x1e2: {  	s7 =	simm.s32 $0xF020;
	v58 =	vsub.f32 $1.200000050e+00, v10;
	v16 =	vmax.f32 v17, $0.0e+00;
	v17 =	vsub.f32 $1.200000050e+00, v14;
	v15 =	vld [tilespmem:s13+$0x0]  }
0x1e3: {  	s12 =	simm.s32 $0x10020;
	v9 =	vmax.f32 v9, v16;
	v59 =	vld [tilespmem:s7+$0x10];
	v16 =	vmul.f32 v4, v19;
	v12 =	vmul.f32 v20, v12  }
0x1e4: {  	s8 =	simm.s32 $0xD020;
	v3 =	vmul.f32 v3, v8;
	v10 =	vadd.f32 $-1.899999980e+00, v10;
	v14 =	vadd.f32 $-1.899999980e+00, v14;
	v60 =	vld [tilespmem:s12+$0x10]  }
0x1e5: {  	s29 =	simm.s32 $0xC020;
	v61 =	vld [tilespmem:s8+$0x0];
	v8 =	vmax.f32 v17, $0.0e+00;
	v16 =	vmul.f32 v16, v4;
	v21 =	vmul.f32 v12, v57  }
0x1e6: {  	v62 =	vld [tilespmem:s29+$0xFFFFFFE0];
	v9 =	vsel vm1, $0x0, v9;
	v20 =	vmax.f32 v58, $0.0e+00;
	v8 =	vmax.f32 v14, v8  }
0x1e7: {  	v19 =	vld [tilespmem:s0+$0x0];
	v0 =	vadd.f32 v9, v0;
	v16 =	vsub.f32 $1.500000000e+00, v16;
	v21 =	vmul.f32 v21, v12  }
0x1e8: {  	vm15 =	veq.s32 v6, $0x0;
	v17 =	vld [tilespmem:s29+$0x10];
	v9 =	vmax.f32 v10, v20;
	v8 =	vsel vm0, $0x0, v8  }
0x1e9: {  	v14 =	vld [tilespmem:s8+$0x10];
	v0 =	vadd.f32 v8, v0;
	v2 =	vmul.f32 v16, v4;
	v4 =	vsub.f32 $1.500000000e+00, v21  }
0x1ea: {  	v10 =	vld [tilespmem:s29+$0x0];
	v9 =	vsel vm12, $0x0, v9;
	v8 =	vsub.f32 $1.200000050e+00, v3;
	v3 =	vadd.f32 $-1.899999980e+00, v3  }
0x1eb: {  	v6 =	vsub.f32 v18, v13;
	v13 =	vld [tilespmem:s12+$0xFFFFFFF0];
	v2 =	vmul.f32 v2, v7;
	v4 =	vmul.f32 v4, v12  }
0x1ec: {  	vm13 =	veq.s32 v1, $0x0;
	v1 =	vmax.f32 v8, $0.0e+00;
	v0 =	vadd.f32 v9, v0;
	v8 =	vld [tilespmem:s13+$0xFFFFFFE0]  }
0x1ed: {  	v9 =	vld [tilespmem:s0+$0xFFFFFFE0];
	v1 =	vmax.f32 v3, v1;
	v3 =	vsub.f32 $1.200000050e+00, v2;
	v4 =	vmul.f32 v4, v11  }
0x1ee: {  	v16 =	vld [tilespmem:s7+$0x0];
	v1 =	vsel vm13, $0x0, v1;
	v2 =	vadd.f32 $-1.899999980e+00, v2  }
0x1ef: {  	v7 =	vld [tilespmem:s12+$0x0];
	v0 =	vadd.f32 v1, v0;
	v1 =	vmax.f32 v3, $0.0e+00;
	v3 =	vsub.f32 $1.200000050e+00, v4  }
0x1f0: {  	vm14 =	veq.s32 v5, $0x0;
	v12 =	vld [tilespmem:s7+$0xFFFFFFF0];
	v1 =	vmax.f32 v2, v1;
	v2 =	vadd.f32 $-1.899999980e+00, v4  }
0x1f1: {  	v4 =	vld [tilespmem:s8+$0xFFFFFFF0];
	v1 =	vsel vm14, $0x0, v1;
	v3 =	vmax.f32 v3, $0.0e+00  }
0x1f2: {  	v0 =	vadd.f32 v1, v0;
	v1 =	vmax.f32 v2, v3;
	v2 =	vld [tilespmem:s7+$0xFFFFFFE0]  }
0x1f3: {  	v3 =	vld [tilespmem:s8+$0xFFFFFFE0];
	v1 =	vsel vm15, $0x0, v1  }
0x1f4: {  	v0 =	vadd.f32 v1, v0;
	v1 =	vld [tilespmem:s12+$0xFFFFFFE0]  }
0x1f5: {  	v5 =	vsub.f32 v15, v19;
	v11 =	vld [tilespmem:s29+$0xFFFFFFF0]  }
0x1f6: {  	v18 =	vld [tilespmem:s0+$0xFFFFFFF0];
	v15 =	vsub.f32 v17, v59;
	v14 =	vsub.f32 v14, v60  }
0x1f7: {  	v17 =	vsub.f32 v8, v9;
	v10 =	vsub.f32 v10, v16;
	v16 =	vld [tilespmem:s13+$0xFFFFFFF0]  }
0x1f8: {  	v8 =	vmul.f32 v6, v6;
	s13 =	simm.s32 $0x5020;
	v19 =	vsub.f32 v61, v7;
	v7 =	vsub.f32 v4, v13  }
0x1f9: {  	v9 =	vmul.f32 v15, v15;
	v4 =	vld [tilespmem:s13+$0xFFFFFFF0];
	v2 =	vsub.f32 v62, v2;
	v63 =	vsub.f32 v3, v1  }
0x1fa: {  	v10 =	vmul.f32 v10, v10;
	v6 =	vsub.f32 v11, v12;
	v11 =	vmul.f32 v14, v14;
	v1 =	vld [tilespmem:s13+$0x10]  }
0x1fb: {  	v3 =	vld [tilespmem:s13+$0x0];
	v14 =	vmul.f32 v2, v2;
	v15 =	vmul.f32 v63, v63  }
0x1fc: {  	s19 =	simm.s32 $0x0;
	s20 =	simm.s32 $0xE060;
	v12 =	vsub.f32 v16, v18;
	v16 =	vmul.f32 v19, v19;
	v13 =	vmul.f32 v17, v17;
	v2 =	vld [tilespmem:s13+$0xFFFFFFE0]  }
.LBB2_10:
0x1fd: {  	v17 =	vld [tilespmem:s20+$0x10];
	v14 =	vadd.f32 v15, v14;
	v6 =	vmul.f32 v6, v6;
	v7 =	vmul.f32 v7, v7;
	s0 =	sadd.s32 $0x40, s0  }
0x1fe: {  	v5 =	vmul.f32 v5, v5;
	v9 =	vadd.f32 v11, v9;
	v15 =	vld [tilespmem:s0+$0x10];
	v10 =	vadd.f32 v16, v10  }
0x1ff: {  	v11 =	vld [tilespmem:s20+$0x0];
	v13 =	vadd.f32 v13, v14;
	v6 =	vadd.f32 v7, v6;
	v7 =	vmul.f32 v12, v12  }
0x200: {  	s29 =	sadd.s32 $0x40, s29;
	v8 =	vadd.f32 v8, v9;
	v12 =	vld [tilespmem:s0+$0x0]  }
0x201: {  	s7 =	sadd.s32 $0x40, s7;
	v5 =	vadd.f32 v5, v10;
	v9 =	vld [tilespmem:s29+$0x10];
	v13 =	vmax.f32 v13, $1.000000000e-30;
	v6 =	vadd.f32 v7, v6  }
0x202: {  	s8 =	sadd.s32 $0x40, s8;
	v8 =	vmax.f32 v8, $1.000000000e-30;
	v7 =	vld [tilespmem:s7+$0x10];
	v10 =	vshra.s32 v13, $0x1;
	v14 =	vmul.f32 $5.000000000e-01, v13  }
0x203: {  	s12 =	sadd.s32 $0x40, s12;
	v19 =	vmax.f32 v5, $1.000000000e-30;
	v16 =	vld [tilespmem:s8+$0x10];
	v10 =	vsub.s32 $0x5F3759DF, v10;
	v18 =	vmax.f32 v6, $1.000000000e-30  }
0x204: {  	v6 =	vld [tilespmem:s12+$0x10];
	v5 =	vmul.f32 v10, v14;
	v20 =	vshra.s32 v18, $0x1;
	v21 =	vmul.f32 $5.000000000e-01, v18  }
0x205: {  	v23 =	vshra.s32 v19, $0x1;
	v24 =	vmul.f32 $5.000000000e-01, v19;
	v22 =	vld [tilespmem:s29+$0x0];
	v20 =	vsub.s32 $0x5F3759DF, v20  }
0x206: {  	v23 =	vsub.s32 $0x5F3759DF, v23;
	v25 =	vld [tilespmem:s7+$0x0];
	v5 =	vmul.f32 v10, v5;
	v26 =	vmul.f32 v20, v21  }
0x207: {  	v29 =	vshra.s32 v8, $0x1;
	v30 =	vmul.f32 $5.000000000e-01, v8;
	v28 =	vmul.f32 v23, v24;
	v27 =	vld [tilespmem:s8+$0x0]  }
0x208: {  	v29 =	vsub.s32 $0x5F3759DF, v29;
	v31 =	vld [tilespmem:s12+$0x0];
	v5 =	vsub.f32 $1.500000000e+00, v5;
	v26 =	vmul.f32 v20, v26  }
0x209: {  	vm0 =	veq.s32 v1, $0x0;
	v33 =	vmul.f32 v29, v30;
	v28 =	vmul.f32 v23, v28;
	v32 =	vld [tilespmem:s20+$0xFFFFFFE0]  }
0x20a: {  	vm1 =	veq.s32 v3, $0x0;
	v1 =	vld [tilespmem:s0+$0xFFFFFFE0];
	v10 =	vmul.f32 v10, v5;
	v5 =	vsub.f32 $1.500000000e+00, v26  }
0x20b: {  	vm2 =	veq.s32 v4, $0x0;
	v4 =	vsub.f32 $1.500000000e+00, v28;
	v26 =	vmul.f32 v29, v33;
	v3 =	vld [tilespmem:s29+$0xFFFFFFF0]  }
0x20c: {  	v15 =	vsub.f32 v17, v15;
	v28 =	vld [tilespmem:s7+$0xFFFFFFF0];
	v14 =	vmul.f32 v10, v14;
	v17 =	vmul.f32 v20, v5  }
0x20d: {  	v4 =	vmul.f32 v23, v4;
	v5 =	vsub.f32 v11, v12;
	v11 =	vsub.f32 $1.500000000e+00, v26;
	v20 =	vld [tilespmem:s8+$0xFFFFFFF0]  }
0x20e: {  	v9 =	vsub.f32 v9, v7;
	v12 =	vld [tilespmem:s12+$0xFFFFFFF0];
	v7 =	vmul.f32 v14, v10;
	v14 =	vmul.f32 v17, v21  }
0x20f: {  	v16 =	vsub.f32 v16, v6;
	v22 =	vsub.f32 v22, v25;
	v11 =	vmul.f32 v29, v11;
	v21 =	vld [tilespmem:s29+$0xFFFFFFE0]  }
0x210: {  	v23 =	vld [tilespmem:s7+$0xFFFFFFE0];
	v6 =	vsub.f32 $1.500000000e+00, v7;
	v7 =	vmul.f32 v14, v17;
	v14 =	vmul.f32 v4, v24  }
0x211: {  	v26 =	vsub.f32 v27, v31;
	v25 =	vsub.f32 v32, v1;
	v1 =	vmul.f32 v11, v30;
	v24 =	vld [tilespmem:s8+$0xFFFFFFE0]  }
0x212: {  	v27 =	vld [tilespmem:s12+$0xFFFFFFE0];
	v10 =	vmul.f32 v6, v10;
	v29 =	vsub.f32 $1.500000000e+00, v7;
	v14 =	vmul.f32 v14, v4  }
0x213: {  	v6 =	vsub.f32 v3, v28;
	v1 =	vmul.f32 v1, v11;
	v7 =	vsub.f32 v20, v12  }
0x214: {  	v3 =	vmul.f32 v10, v13;
	v10 =	vmul.f32 v29, v17;
	v12 =	vsub.f32 $1.500000000e+00, v14  }
0x215: {  	vm3 =	veq.s32 v2, $0x0;
	v1 =	vsub.f32 $1.500000000e+00, v1;
	v13 =	vsub.f32 v21, v23  }
0x216: {  	v2 =	vsub.f32 $1.200000050e+00, v3;
	v10 =	vmul.f32 v10, v18;
	v4 =	vmul.f32 v12, v4  }
0x217: {  	v3 =	vadd.f32 $-1.899999980e+00, v3;
	v1 =	vmul.f32 v1, v11;
	v12 =	vsub.f32 v24, v27  }
0x218: {  	v2 =	vmax.f32 v2, $0.0e+00;
	v11 =	vsub.f32 $1.200000050e+00, v10;
	v4 =	vmul.f32 v4, v19  }
0x219: {  	v1 =	vmul.f32 v1, v8;
	v2 =	vmax.f32 v3, v2;
	v3 =	vadd.f32 $-1.899999980e+00, v10  }
0x21a: {  	s19 =	sadd.s32 $0x4, s19;
	v2 =	vsel vm3, $0x0, v2;
	v8 =	vmax.f32 v11, $0.0e+00;
	v10 =	vsub.f32 $1.200000050e+00, v4  }
0x21b: {  	p1 =	slt.u32 s19, $0xF4;
	v0 =	vadd.f32 v2, v0;
	v2 =	vmax.f32 v3, v8;
	v3 =	vadd.f32 $-1.899999980e+00, v4  }
0x21c: {  	v17 =	vld [tilespmem:s20+$0xFFFFFFF0];
	v2 =	vsel vm2, $0x0, v2;
	v4 =	vmax.f32 v10, $0.0e+00;
	v10 =	vsub.f32 $1.200000050e+00, v1  }
0x21d: {  	v18 =	vld [tilespmem:s0+$0xFFFFFFF0];
	v0 =	vadd.f32 v2, v0;
	v2 =	vmax.f32 v3, v4;
	v3 =	vadd.f32 $-1.899999980e+00, v1  }
.Ltmp4:
0x21e: {  	s13 =	sadd.s32 $0x40, s13;
	v8 =	vmul.f32 v15, v15;
	v2 =	vsel vm1, $0x0, v2;
	v4 =	vmax.f32 v10, $0.0e+00;
	(pc) =	sbr.rel @p1 .LBB2_10-.Ltmp4, $4  }
0x21f: {  	v9 =	vmul.f32 v9, v9;
	v1 =	vld [tilespmem:s13+$0x10];
	v0 =	vadd.f32 v2, v0;
	v2 =	vmax.f32 v3, v4  }
0x220: {  	v11 =	vmul.f32 v16, v16;
	v10 =	vmul.f32 v22, v22;
	v3 =	vld [tilespmem:s13+$0x0];
	v2 =	vsel vm0, $0x0, v2  }
0x221: {  	v14 =	vmul.f32 v13, v13;
	v15 =	vmul.f32 v12, v12;
	v4 =	vld [tilespmem:s13+$0xFFFFFFF0];
	v0 =	vadd.f32 v2, v0  }
0x222: {  	v13 =	vmul.f32 v25, v25;
	v16 =	vmul.f32 v26, v26;
	s20 =	sadd.s32 $0x40, s20;
	v2 =	vld [tilespmem:s13+$0xFFFFFFE0];
	v12 =	vsub.f32 v17, v18  }
0x223: {  	v48 =	vld [tilespmem:$0xCF80]  }
0x224: {  	v51 =	vld [tilespmem:$0xFF80]  }
0x225: {  	v53 =	vld [tilespmem:$0xDF80]  }
0x226: {  	v20 =	vld [tilespmem:$0x10F80]  }
0x227: {  	v23 =	vld [tilespmem:$0xEF80]  }
0x228: {  	v25 =	vld [tilespmem:$0x11F80]  }
0x229: {  	v27 =	vld [tilespmem:$0xCF90]  }
0x22a: {  	v14 =	vadd.f32 v15, v14;
	v28 =	vld [tilespmem:$0xFF90]  }
0x22b: {  	v6 =	vmul.f32 v6, v6;
	v7 =	vmul.f32 v7, v7;
	v9 =	vadd.f32 v11, v9;
	v29 =	vld [tilespmem:$0xDF90]  }
0x22c: {  	v5 =	vmul.f32 v5, v5;
	v30 =	vld [tilespmem:$0x10F90];
	v10 =	vadd.f32 v16, v10;
	v43 =	vadd.f32 v13, v14  }
0x22d: {  	v55 =	vld [tilespmem:$0xEF90];
	v44 =	vmul.f32 v12, v12;
	v6 =	vadd.f32 v7, v6;
	v8 =	vadd.f32 v8, v9  }
0x22e: {  	v57 =	vld [tilespmem:$0x11F90];
	v5 =	vadd.f32 v5, v10;
	v45 =	vmax.f32 v43, $1.000000000e-30  }
0x22f: {  	v6 =	vadd.f32 v44, v6;
	v8 =	vmax.f32 v8, $1.000000000e-30;
	v46 =	vshra.s32 v45, $0x1  }
0x230: {  	v47 =	vmul.f32 $5.000000000e-01, v45;
	v5 =	vmax.f32 v5, $1.000000000e-30;
	v11 =	vsub.f32 v48, v51  }
0x231: {  	v21 =	vshra.s32 v8, $0x1;
	v56 =	vsub.f32 v53, v20;
	v58 =	vsub.f32 v23, v25  }
0x232: {  	v22 =	vmul.f32 $5.000000000e-01, v8;
	v59 =	vsub.f32 v27, v28;
	v60 =	vsub.f32 v29, v30  }
0x233: {  	v16 =	vsub.f32 v55, v57;
	v6 =	vmax.f32 v6, $1.000000000e-30;
	v7 =	vsub.s32 $0x5F3759DF, v46  }
0x234: {  	v18 =	vmul.f32 $5.000000000e-01, v5;
	v21 =	vsub.s32 $0x5F3759DF, v21;
	v50 =	vmul.f32 $5.000000000e-01, v6  }
0x235: {  	v17 =	vshra.s32 v5, $0x1;
	v52 =	vmul.f32 v7, v47;
	v26 =	vmul.f32 v21, v22  }
0x236: {  	v49 =	vshra.s32 v6, $0x1;
	v11 =	vmul.f32 v11, v11;
	v14 =	vmul.f32 v56, v56  }
0x237: {  	v17 =	vsub.s32 $0x5F3759DF, v17;
	v61 =	vmul.f32 v58, v58;
	v62 =	vmul.f32 v59, v59  }
0x238: {  	v63 =	vmul.f32 v60, v60;
	v16 =	vmul.f32 v16, v16;
	v12 =	vsub.s32 $0x5F3759DF, v49  }
0x239: {  	v24 =	vmul.f32 v17, v18;
	v19 =	vmul.f32 v12, v50  }
0x23a: {  	v15 =	vmul.f32 v7, v52;
	v26 =	vmul.f32 v21, v26  }
0x23b: {  	v11 =	vadd.f32 v14, v11;
	v25 =	vadd.f32 v63, v62;
	v24 =	vmul.f32 v17, v24  }
0x23c: {  	v19 =	vmul.f32 v12, v19;
	v15 =	vsub.f32 $1.500000000e+00, v15;
	v54 =	vsub.f32 $1.500000000e+00, v26  }
0x23d: {  	v11 =	vadd.f32 v61, v11;
	v28 =	vadd.f32 v16, v25  }
0x23e: {  	v24 =	vsub.f32 $1.500000000e+00, v24;
	v19 =	vsub.f32 $1.500000000e+00, v19  }
0x23f: {  	v7 =	vmul.f32 v7, v15;
	v15 =	vmul.f32 v21, v54;
	v11 =	vmax.f32 v11, $1.000000000e-30  }
0x240: {  	v31 =	vmax.f32 v28, $1.000000000e-30;
	v17 =	vmul.f32 v17, v24;
	v30 =	vmul.f32 $5.000000000e-01, v11  }
0x241: {  	v29 =	vshra.s32 v11, $0x1;
	v34 =	vmul.f32 $5.000000000e-01, v31;
	v12 =	vmul.f32 v12, v19  }
0x242: {  	v33 =	vshra.s32 v31, $0x1;
	v10 =	vmul.f32 v7, v47;
	v26 =	vmul.f32 v15, v22  }
0x243: {  	v9 =	vsub.s32 $0x5F3759DF, v29;
	v35 =	vsub.s32 $0x5F3759DF, v33;
	v24 =	vmul.f32 v17, v18  }
0x244: {  	v32 =	vmul.f32 v9, v30;
	v37 =	vmul.f32 v35, v34  }
0x245: {  	vm0 =	veq.s32 v3, $0x0;
	v10 =	vmul.f32 v10, v7;
	v13 =	vmul.f32 v12, v50  }
0x246: {  	vm1 =	veq.s32 v4, $0x0;
	v38 =	vmul.f32 v26, v15;
	v14 =	vmul.f32 v24, v17  }
0x247: {  	v36 =	vmul.f32 v9, v32;
	v40 =	vmul.f32 v35, v37;
	v10 =	vsub.f32 $1.500000000e+00, v10  }
0x248: {  	v13 =	vmul.f32 v13, v12;
	v4 =	vsub.f32 $1.500000000e+00, v38;
	v14 =	vsub.f32 $1.500000000e+00, v14  }
0x249: {  	v55 =	vld [tilespmem:$0x5F80];
	v39 =	vsub.f32 $1.500000000e+00, v36;
	v3 =	vsub.f32 $1.500000000e+00, v40;
	v7 =	vmul.f32 v10, v7  }
0x24a: {  	v27 =	vsub.f32 $1.500000000e+00, v13;
	v4 =	vmul.f32 v4, v15;
	v41 =	vmul.f32 v14, v17  }
0x24b: {  	vm2 =	veq.s32 v2, $0x0;
	v2 =	vmul.f32 v9, v39;
	v3 =	vmul.f32 v35, v3  }
0x24c: {  	v7 =	vmul.f32 v7, v45;
	v10 =	vmul.f32 v27, v12  }
0x24d: {  	vm13 =	veq.s32 v1, $0x0;
	v4 =	vmul.f32 v4, v8;
	v5 =	vmul.f32 v41, v5  }
0x24e: {  	vm14 =	veq.s32 v55, $0x0;
	v45 =	vmul.f32 v2, v30;
	v47 =	vmul.f32 v3, v34  }
0x24f: {  	v6 =	vmul.f32 v10, v6;
	v42 =	vsub.f32 $1.200000050e+00, v7;
	v7 =	vadd.f32 $-1.899999980e+00, v7  }
0x250: {  	v53 =	vsub.f32 $1.200000050e+00, v4;
	v4 =	vadd.f32 $-1.899999980e+00, v4;
	v46 =	vmul.f32 v45, v2  }
0x251: {  	v49 =	vsub.f32 $1.200000050e+00, v5;
	v51 =	vmul.f32 v47, v3;
	v5 =	vadd.f32 $-1.899999980e+00, v5  }
0x252: {  	v43 =	vmax.f32 v42, $0.0e+00;
	v44 =	vsub.f32 $1.200000050e+00, v6;
	v50 =	vsub.f32 $1.500000000e+00, v46  }
0x253: {  	v6 =	vadd.f32 $-1.899999980e+00, v6;
	v7 =	vmax.f32 v7, v43;
	v54 =	vsub.f32 $1.500000000e+00, v51  }
0x254: {  	v7 =	vsel vm2, $0x0, v7;
	v48 =	vmax.f32 v44, $0.0e+00;
	v2 =	vmul.f32 v50, v2  }
0x255: {  	v52 =	vmax.f32 v49, $0.0e+00;
	v0 =	vadd.f32 v7, v0;
	v6 =	vmax.f32 v6, v48  }
0x256: {  	v3 =	vmul.f32 v54, v3;
	v6 =	vsel vm1, $0x0, v6;
	v2 =	vmul.f32 v2, v11  }
0x257: {  	v56 =	vmax.f32 v53, $0.0e+00;
	v5 =	vmax.f32 v5, v52;
	v0 =	vadd.f32 v6, v0  }
0x258: {  	v58 =	vld [tilespmem:$0x5F90];
	v5 =	vsel vm0, $0x0, v5;
	v3 =	vmul.f32 v3, v31;
	v57 =	vsub.f32 $1.200000050e+00, v2  }
0x259: {  	v1 =	vmax.f32 v4, v56;
	v0 =	vadd.f32 v5, v0;
	v2 =	vadd.f32 $-1.899999980e+00, v2  }
0x25a: {  	v1 =	vsel vm13, $0x0, v1;
	v60 =	vsub.f32 $1.200000050e+00, v3;
	v59 =	vmax.f32 v57, $0.0e+00  }
0x25b: {  	v61 =	vadd.f32 $-1.899999980e+00, v3;
	v0 =	vadd.f32 v1, v0;
	v1 =	vmax.f32 v2, v59  }
0x25c: {  	v62 =	vmax.f32 v60, $0.0e+00;
	v1 =	vsel vm14, $0x0, v1  }
0x25d: {  	vm15 =	veq.s32 v58, $0x0;
	v63 =	vmax.f32 v61, v62;
	v0 =	vadd.f32 v1, v0  }
0x25e: {  	v1 =	vsel vm15, $0x0, v63  }
0x25f: {  	v0 =	vadd.f32 v1, v0;
	_ =	sdelay $0x1  }
0x260: {  	v0 =	vmul.f32 $1.000000010e-01, v0;
	_ =	sdelay $0x1  }
0x261: {  	s0 =	rddreg [dreg:$0xe];
	s7 =	simm.s32 $0x12000;
	s29 =	simm.s32 $0x4;
	[tilespmem:$0x12000] =	vst v0  }
0x262: {  	[hbm4b:s0+s6] =	stream.linear.scatter [tilespmem:s7], [sflag:$0x4], $0x80, $0x38;
	[tilespmem:$0x169D0] =	vst v63  }
0x263: {  	_ =	swait.ge [sflag:s29], $0x80  }
0x264: {  	s8 =	rddreg [dreg:$0x13]  }
0x265: {  	s31 =	rddreg [dreg:$0xf];
	s8 =	sadd.s32 $0x1, s8  }
0x266: {  	p1 =	sne.s32 s8, s31  }
.Ltmp5:
0x267: {  	_ = 	snop;
	(pc) =	sbr.rel @p1 .LBB2_1-.Ltmp5, $3  }
0x268: {  	_ =	sdelay $0x1  }
0x269: {  	[sflag:s29] =	ssyncset.done $0x0  }
0x26a: {  	[sflag:s29] =	ssyncadd.s32 $0xFFFFFF80  }
0x26b: {  	_ =	sfence.sel $0x180000  }
0x26c: {  	[bflag:$0x0] =	sbarrier.arrive $0xFFFF  }
0x26d: {  	_ =	strace $0x9000004A  }
0x26e: {  	[bflag:$0x2] =	sbarrier.arrive $0xFFFF  }
0x26f: {  	s0 =	rddreg [dreg:$0x5]  }
0x270: {  	s0 =	sadd.s32 @!p0 $0x100000, s0  }
0x271: {  	[sflag:s0] =	ssyncadd.tile.s32 @!p0 $0x1;
	_ =	shalt  }
.Lfunc_end2:
_tile_overlayer_lowered:
.L_overlay_start_2:
0x272: {  	(tag) =	ssettag $0x2  }
0x273: {  	s0 =	rddreg [dreg:$0x0];
	s2 =	stileid.u32  }
0x274: {  	s1 =	rddreg [dreg:$0x1];
	p0 =	sne.s32 s2, $0x0  }
0x275: {  	s3 =	rddreg [dreg:$0x2];
	[bflag:$0x3] =	sbarrier.arrive $0xFFFF;
	s2 =	simm.s32 @!p0 $0x1C04  }
0x276: {  	[timem:s3], [sflag:s2] =	dma.local @!p0 [hbm:s0], s1  }
0x277: {  	s0 =	simm.s32 @!p0 $0x4  }
0x278: {  	_ =	swait.ge @!p0 [sflag:s0], s1  }
0x279: {  	s1 =	ssub.s32 @!p0 $0x0, s1;
	[sflag:s0] =	ssyncset.done @!p0 $0x0  }
0x27a: {  	[sflag:s0] =	ssyncadd.s32 @!p0 s1  }
0x27b: {  	[bflag:$0x3] =	sbarrier.arrive $0xFFFF  }
0x27c: {  	_ =	shalt  }

// kernel: sparse-core-data-format-call.cloned.1.call-start
scs
called_computation_lowered:
.L_overlay_start_0:
0x0: {  	s2 =	sld [smem:$0x3FD9]  }
0x1: {  	s3 =	sld [smem:$0x3FFE];
	_ =	sdelay $0x1  }
0x2: {  	s1 =	srdreg.scid  }
0x3: {  	s0 =	sand.u32 $0x1, s1  }
0x4: {  	s18 =	sshll.u32 s0, $0xA;
	s2 =	sadd.s32 s3, s2  }
0x5: {  	s2 =	sadd.s32 s2, s18  }
0x6: {  	[smem:$0x3FC5] =	sst s2  }
0x7: {  	_ = 	snop  }
0x8: {  	s2 =	sld [smem:$0x3FC7];
	(tm) =	ssettm $0x1  }
0x9: {  	s19 =	sld [smem:$0x3FFB];
	_ =	sdelay $0x3  }
0xa: {  	_ =	strace s19  }
0xb: {  	s3 =	sld [smem:$0x3FFC];
	_ =	sdelay $0x3  }
0xc: {  	_ =	strace s3  }
0xd: {  	s3 =	sld [smem:$0x3FFD];
	_ =	sdelay $0x3  }
0xe: {  	_ =	strace s3  }
0xf: {  	_ =	strace $0x8FFFFFFF  }
0x10: {  	s20 =	sld [smem:$0x3FDB];
	_ =	sdelay $0x1  }
0x11: {  	s4 =	simm.s32 $_scs_section_size  }
0x12: {  	s5 =	simm.s32 $_size__tile_overlayer_lowered;
	s6 =	simm.s32 $_tile_overlayer_lowered  }
0x13: {  	s23 =	simm.s32 $0x1BFF;
	s22 =	sshll.u32 s6, $0x1;
	s3 =	sadd.s32 s4, s20  }
0x14: {  	s7 =	simm.s32 $0x0;
	s21 =	sshll.u32 s5, $0x1;
	s5 =	sadd.s32 s22, s3  }
0x15: {  	[timem:s7], [sflag:s23] =	dma.local [hbm:s5], s21  }
0x16: {  	_ =	swait.ge [sflag:s23], s21  }
0x17: {  	s4 =	ssub.s32 $0x0, s21;
	[sflag:s23] =	ssyncset.done $0x0  }
0x18: {  	[sflag:s23] =	ssyncadd.s32 s4;
	_ =	sdelay $0x1  }
0x19: {  	s24 =	simm.s32 $0x1B8B  }
0x1a: {  	_ =	swait.ge [sflag:s24], $0x1  }
0x1b: {  	[sflag:s24] =	ssyncset.done $0x0  }
0x1c: {  	s26 =	simm.s32 $0x1B8E;
	s25 =	sld [smem:$0x3FFE];
	[sflag:s24] =	ssyncadd.s32 $0xFFFFFFFF  }
0x1d: {  	s27 =	simm.s32 $execute0_lowered;
	[smem:$0x3FD2] =	sst s26  }
0x1e: {  	s5 =	sshll.u32 s27, $0x1;
	_ =	strace $0x80000046;
	[dreg:$0x1] =	wrdreg $0xFFFFFFFF  }
0x1f: {  	s28 =	simm.s32 $_size_execute0_lowered;
	s3 =	sadd.s32 s3, s5;
	[dreg:$0x0] =	wrdreg $0x0  }
0x20: {  	s5 =	sshll.u32 s28, $0x1;
	[dreg:$0x2] =	wrdreg s3  }
0x21: {  	[dreg:$0x3] =	wrdreg s5  }
0x22: {  	[dreg:$0x4] =	wrdreg $0xC0  }
0x23: {  	_ =	task [dreg:s7], $0x5FFFF  }
0x24: {  	[dreg:$0x1] =	wrdreg $0xFFFFFFFF  }
0x25: {  	[dreg:$0x0] =	wrdreg $0x60  }
0x26: {  	[dreg:$0x2] =	wrdreg s2  }
0x27: {  	[dreg:$0x3] =	wrdreg s25  }
0x28: {  	[dreg:$0x4] =	wrdreg $0x9  }
0x29: {  	_ =	task.clear_ibuf [dreg:s7], $0x5FFFF;
	_ =	strace $0x90000046  }
0x2a: {  	s29 =	simm.s32 $0x9;
	_ =	strace $0x80000048  }
0x2b: {  	_ =	swait.ge [sflag:s29], $0x1  }
0x2c: {  	[sflag:s29] =	ssyncadd.s32 $0xFFFFFFFF  }
0x2d: {  	_ =	strace $0x90000048  }
0x2e: {  	_ =	sfence  }
0x2f: {  	s30 =	sld [smem:$0x0];
	_ =	sdelay $0x2  }
0x30: {  	s31 =	sshll.u32 s1, $0xD;
	s1 =	sshrl.u32 s1, $0x2  }
0x31: {  	s3 =	sand.u32 $0x4000, s31;
	s1 =	sadd.s32 s1, s30  }
0x32: {  	s0 =	sor.u32 s3, s0;
	s1 =	sshll.u32 s1, $0x11  }
0x33: {  	s0 =	sor.u32 s1, s0  }
0x34: {  	s0 =	sadd.s32 $0x8F2B, s0  }
0x35: {  	[sflag:s0] =	ssyncadd.remote.s32 $0x1  }
0x36: {  	_ =	sfence.sel $0xFFFF  }
0x37: {  	[dreg:$0x0] =	wrdreg $0xFFFFFFFF;
	(pc) =	sbr.abs _section_cstart, $3  }
0x38: {  	[dreg:$0x1] =	wrdreg $0xFFFFFFFF  }
0x39: {  	_ =	task.clear_ibuf [dreg:s7], $0x2FFFF;
	_ =	strace $0x9FFFFFFF  }
0x3a: {  	(tm) =	ssettm $0x7FFFFFFF  }
0x3b: {  	_ =	shalt  }
tec
execute0_lowered:
.L_overlay_start_1:
0x0: {  	(tag) =	ssettag $0x1  }
0x1: {  	s0 =	stileid.u32  }
0x2: {  	s1 =	srdreg.scid;
	s7 =	rddreg [dreg:$0x0]  }
0x3: {  	s4 =	rddreg [dreg:$0x1];
	s31 =	simm.s32 $0x2;
	s10 =	simm.s32 $0x0  }
0x4: {  	s14 =	simm.s32 $0x0;
	s15 =	simm.s32 $0x0;
	s11 =	simm.s32 $0x0  }
0x5: {  	s13 =	simm.s32 $0x0;
	s2 =	sand.u32 $0x1, s1;
	s3 =	sshll.u32 s0, $0x7  }
0x6: {  	s1 =	rddreg [dreg:$0x2];
	s30 =	ssub.s32 $0xC300, s3;
	s5 =	ssub.s32 $0x2, s2  }
.Ltmp0:
0x7: {  	s6 =	sshrl.u32 s30, $0xB;
	s8 =	sshrl.u32 s5, $0x1;
	(pc) =	sbr.rel .LBB1_1-.Ltmp0, $4  }
0x8: {  	_ =	strace $0x80000047;
	s6 =	sadd.s32 $0x1, s6;
	s8 =	ssub.s32 s5, s8  }
0x9: {  	s9 =	sshll.u32 s2, $0x4;
	s5 =	simm.s32 $0x1;
	s6 =	smul.u32 s6, s8  }
0xa: {  	s12 =	smov.u32 s3;
	s7 =	sadd.s32 s7, s9;
	[sflag:s5] =	ssyncpa.u1 $0x0  }
0xb: {  	s9 =	simm.s32 $0x0;
	[sflag:s31] =	ssyncpa.u1 $0x0;
	s8 =	sadd.s32 $0x1, s6  }
.LBB1_4:
0xc: {  	s21 =	simm.s32 $0x0  }
.LBB1_8:
0xd: {  	_ =	sdelay $0x3  }
0xe: {  	v6 =	vld [tilespmem:s18+$0xFFFFFFC0];
	[tilespmem:v0+s20+$0x30 ss:$0x1] =	vst.idx.msk @p0 $0xffff, v2  }
0xf: {  	v58 =	vld [tilespmem:s18+$0xFFFFFFD0];
	[tilespmem:v0+s20+$0x40 ss:$0x1] =	vst.idx.msk @p0 $0xffff, v3;
	s21 =	sadd.s32 @p0 $0x80, s21  }
0x10: {  	v59 =	vld [tilespmem:s18+$0xFFFFFFE0];
	[tilespmem:v0+s20+$0x50 ss:$0x1] =	vst.idx.msk @p0 $0xffff, v5;
	s19 =	smov.u32 @p0 s21  }
0x11: {  	v60 =	vld [tilespmem:s18+$0xFFFFFFF0];
	[tilespmem:v0+s20+$0x60 ss:$0x1] =	vst.idx.msk @p0 $0xffff, v4;
	s19 =	sand.u32 $0x3F80, s19  }
0x12: {  	v61 =	vld [tilespmem:s18+$0x0];
	[tilespmem:v0+s19+$0x70 ss:$0x1] =	vst.idx.msk $0xffff, v1  }
0x13: {  	v62 =	vld [tilespmem:s18+$0x10];
	[tilespmem:v0+s19+$0x0 ss:$0x1] =	vst.idx.msk $0xffff, v6  }
0x14: {  	v63 =	vld [tilespmem:s18+$0x20];
	[tilespmem:v0+s19+$0x10 ss:$0x1] =	vst.idx.msk $0xffff, v58  }
0x15: {  	[tilespmem:v0+s19+$0x20 ss:$0x1] =	vst.idx.msk $0xffff, v59  }
0x16: {  	[tilespmem:v0+s19+$0x30 ss:$0x1] =	vst.idx.msk $0xffff, v60  }
0x17: {  	[tilespmem:v0+s19+$0x40 ss:$0x1] =	vst.idx.msk $0xffff, v61  }
0x18: {  	[tilespmem:v0+s19+$0x50 ss:$0x1] =	vst.idx.msk $0xffff, v62  }
0x19: {  	[tilespmem:v0+s19+$0x60 ss:$0x1] =	vst.idx.msk $0xffff, v63  }
.LBB1_9:
0x1a: {  	s18 =	sand.u32 $0x1FFFFFF, s11  }
0x1b: {  	s19 =	smulhi.u32 $0x14F8B59, s18;
	_ =	sdelay $0x1  }
0x1c: {  	s19 =	sshrl.u32 s19, $0x8  }
0x1d: {  	s19 =	smul.u32 $0xC350, s19  }
0x1e: {  	s15 =	smul.u32 $0xC3500, s15  }
0x1f: {  	s18 =	ssub.s32 s18, s19  }
0x20: {  	s15 =	sadd.s32 s4, s15;
	s18 =	sshll.u32 s18, $0x4  }
0x21: {  	s15 =	sadd.s32 s18, s15  }
0x22: {  	[hbm4b:s15+s9] =	stream.linear.scatter [tilespmem:s17], [sflag:$0x2], s16, $0x38;
	[tilespmem:$0x10000] =	vst v63  }
.LBB1_10:
0x23: {  	p0 =	slt.u32 s13, $0x2  }
0x24: {  	p1 =	sgt.s32 @!p0 s14, $0xC2D0  }
0x25: {  	s15 =	smov.u32 s14;
	s16 =	sshra.s32 @!p0 s14, $0x1F;
	p1 =	por !p1, p0  }
0x26: {  	s14 =	sand.u32 @!p0 s16, s14;
	s15 =	simm.s32 @p1 $0xC2D0  }
0x27: {  	s14 =	ssub.s32 @!p0 s15, s14  }
0x28: {  	s14 =	sadd.s32 @!p0 $0xFFFF3D30, s14  }
0x29: {  	s15 =	sshll.u32 @!p0 s14, $0x7  }
0x2a: {  	p1 =	sgt.s32 @!p0 s14, $0x7F;
	s14 =	ssub.s32 @!p0 $0x4000, s15  }
0x2b: {  	s16 =	sadd.s32 $0x800, s12;
	p1 =	por !p1, p0;
	s14 =	sand.u32 @!p0 $0x3FFFFF80, s14  }
0x2c: {  	s14 =	simm.s32 @!p1 $0x0;
	p1 =	sgt.s32 s16, $0xC34F  }
0x2d: {  	s16 =	smov.u32 @p1 s3;
	p1 =	sne.s32 s13, s8  }
.Ltmp1:
0x2e: {  	_ = 	snop;
	(pc) =	sbr.rel @!p1 .LBB1_11-.Ltmp1, $4  }
0x2f: {  	s10 =	sadd.s32 $0x4000, s10;
	s15 =	simm.s32 @!p0 $0x2  }
0x30: {  	_ =	swait.ge @!p0 [sflag:s15], s14;
	s17 =	ssub.s32 @!p0 $0x0, s14;
	s14 =	smov.u32 s11  }
0x31: {  	s13 =	sadd.s32 $0x1, s13;
	s11 =	smov.u32 s12;
	[sflag:s15] =	ssyncset.done @!p0 $0x0  }
0x32: {  	s12 =	smov.u32 s16;
	[sflag:s15] =	ssyncadd.s32 @!p0 s17;
	s15 =	smov.u32 s2  }
.LBB1_1:
0x33: {  	p0 =	sge.u32 s13, s6  }
0x34: {  	p1 =	sgt.s32 @!p0 s12, $0xC2D0  }
0x35: {  	s16 =	smov.u32 s12;
	s17 =	sshra.s32 @!p0 s12, $0x1F;
	p1 =	por !p1, p0  }
0x36: {  	s17 =	sand.u32 @!p0 s17, s12;
	s16 =	simm.s32 @p1 $0xC2D0  }
0x37: {  	s16 =	ssub.s32 @!p0 s16, s17  }
0x38: {  	s31 =	sadd.s32 $0xFFFFFFFF, s13;
	s18 =	sxor.u32 @!p0 $0xFFFFFFFF, s13;
	s16 =	sadd.s32 @!p0 $0xFFFF3D30, s16  }
0x39: {  	s19 =	simm.s32 @!p0 $0x80;
	s20 =	simm.s32 @!p0 $0x100;
	s17 =	sshll.u32 @!p0 s16, $0x7  }
0x3a: {  	p1 =	sgt.s32 @!p0 s16, $0x7F;
	s16 =	ssub.s32 @!p0 $0x4000, s17;
	s17 =	sshll.u32 @!p0 s18, $0xE  }
0x3b: {  	p1 =	por !p1, p0;
	s18 =	sshll.u32 @!p0 s12, $0x5;
	s16 =	sand.u32 @!p0 $0x3FFFFF80, s16  }
0x3c: {  	s17 =	sand.u32 @!p0 $0x4000, s17;
	s18 =	sadd.s32 @!p0 s18, s7;
	s16 =	simm.s32 @!p1 $0x0  }
0x3d: {  	[tilespmem:s17], [sflag:$0x1] =	stream.strided.gather @!p0 [hbm4b:s18+s19], s16, s20, s19, $0x38;
	[tilespmem:$0x10000] =	vst v63  }
0x3e: {  	p0 =	sge.u32 s31, s6  }
.Ltmp2:
0x3f: {  	_ = 	snop;
	(pc) =	sbr.rel @p0 .LBB1_10-.Ltmp2, $1  }
0x40: {  	_ =	sdelay $0x3  }
0x41: {  	p0 =	sgt.s32 s11, $0xC2D0;
	s16 =	smov.u32 s11;
	s17 =	sshra.s32 s11, $0x1F  }
0x42: {  	s16 =	simm.s32 @!p0 $0xC2D0;
	s17 =	sand.u32 s17, s11  }
0x43: {  	s16 =	ssub.s32 s16, s17  }
0x44: {  	s16 =	sadd.s32 $0xFFFF3D30, s16  }
0x45: {  	s30 =	sshll.u32 s16, $0x7  }
0x46: {  	s17 =	ssub.s32 $0x4000, s30  }
0x47: {  	p0 =	sgt.s32 s16, $0x7F;
	s16 =	sand.u32 $0x3FFFFF80, s17;
	s17 =	sadd.s32 $0x80, s11  }
0x48: {  	s16 =	simm.s32 @p0 $0x0;
	p0 =	slt.s32 s17, $0xC350  }
0x49: {  	s17 =	simm.s32 @!p0 $0xC350  }
0x4a: {  	s20 =	ssub.s32 s17, s11  }
0x4b: {  	p0 =	slt.s32 s20, $0x1  }
.Ltmp3:
0x4c: {  	_ = 	snop;
	(pc) =	sbr.rel @p0 .LBB1_9-.Ltmp3, $4  }
0x4d: {  	_ = 	snop  }
0x4e: {  	s19 =	sshll.u32 s13, $0xE;
	_ =	swait.ge [sflag:s5], s16  }
0x4f: {  	s31 =	sand.u32 $0x4000, s19;
	s18 =	ssub.s32 $0x0, s16;
	[sflag:s5] =	ssyncset.done $0x0  }
0x50: {  	s17 =	sor.u32 $0x8000, s31;
	[sflag:s5] =	ssyncadd.s32 s18  }
0x51: {  	p1 =	sne.s32 s20, $0x1  }
.Ltmp4:
0x52: {  	v0 =	vmov s17;
	(pc) =	sbr.rel @!p1 .LBB1_4-.Ltmp4, $4  }
0x53: {  	_ = 	snop  }
0x54: {  	s18 =	sand.u32 $0x4000, s10  }
0x55: {  	s18 =	sor.u32 $0x40, s18  }
0x56: {  	s19 =	simm.s32 $0x0;
	s21 =	sadd.s32 $0xFFFFFFFF, s20;
	p0 =	por $0x0, $0x0;
	v1 =	vld [tilespmem:s18+$0x30]  }
0x57: {  	v4 =	vld [tilespmem:s18+$0xFFFFFFC0]  }
0x58: {  	v6 =	vld [tilespmem:s18+$0xFFFFFFD0]  }
0x59: {  	v7 =	vld [tilespmem:s18+$0xFFFFFFE0];
	p1 =	sne.s32 s21, $0x1  }
.Ltmp5:
0x5a: {  	v2 =	vld [tilespmem:s18+$0xFFFFFFF0];
	s20 =	sand.u32 $0x3F80, s19;
	(pc) =	sbr.rel @!p1 .LBB1_6-.Ltmp5, $4  }
0x5b: {  	v3 =	vld [tilespmem:s18+$0x0];
	[tilespmem:v0+s20+$0x70 ss:$0x1] =	vst.idx.msk $0xffff, v1  }
0x5c: {  	v5 =	vld [tilespmem:s18+$0x10];
	[tilespmem:v0+s20+$0x0 ss:$0x1] =	vst.idx.msk $0xffff, v4  }
0x5d: {  	v4 =	vld [tilespmem:s18+$0x20];
	[tilespmem:v0+s20+$0x10 ss:$0x1] =	vst.idx.msk $0xffff, v6;
	s18 =	sadd.s32 $0x80, s18  }
0x5e: {  	s22 =	sadd.s32 $0xFFFFFFFF, s21;
	p0 =	por $0x1, $0x1;
	s21 =	simm.s32 $0x0;
	[tilespmem:v0+s20+$0x20 ss:$0x1] =	vst.idx.msk $0xffff, v7;
	v1 =	vld [tilespmem:s18+$0x30]  }
.LBB1_7:
0x5f: {  	p1 =	sne.s32 s22, $0x1;
	v6 =	vld [tilespmem:s18+$0xFFFFFFC0];
	[tilespmem:v0+s20+$0x30 ss:$0x1] =	vst.idx.msk $0xffff, v2  }
0x60: {  	v7 =	vld [tilespmem:s18+$0xFFFFFFD0];
	[tilespmem:v0+s20+$0x40 ss:$0x1] =	vst.idx.msk $0xffff, v3  }
0x61: {  	s21 =	sadd.s32 $0x80, s21;
	v8 =	vld [tilespmem:s18+$0xFFFFFFE0];
	[tilespmem:v0+s20+$0x50 ss:$0x1] =	vst.idx.msk $0xffff, v5  }
.Ltmp6:
0x62: {  	v2 =	vld [tilespmem:s18+$0xFFFFFFF0];
	[tilespmem:v0+s20+$0x60 ss:$0x1] =	vst.idx.msk $0xffff, v4;
	s20 =	sand.u32 $0x3F80, s21;
	(pc) =	sbr.rel @p1 .LBB1_7-.Ltmp6, $4  }
0x63: {  	v3 =	vld [tilespmem:s18+$0x0];
	[tilespmem:v0+s20+$0x70 ss:$0x1] =	vst.idx.msk $0xffff, v1  }
0x64: {  	[tilespmem:v0+s20+$0x0 ss:$0x1] =	vst.idx.msk $0xffff, v6;
	v5 =	vld [tilespmem:s18+$0x10]  }
0x65: {  	[tilespmem:v0+s20+$0x10 ss:$0x1] =	vst.idx.msk $0xffff, v7;
	v4 =	vld [tilespmem:s18+$0x20];
	s18 =	sadd.s32 $0x80, s18  }
0x66: {  	s22 =	sadd.s32 $0xFFFFFFFF, s22;
	v1 =	vld [tilespmem:s18+$0x30];
	[tilespmem:v0+s20+$0x20 ss:$0x1] =	vst.idx.msk $0xffff, v8  }
.Ltmp7:
0x67: {  	_ = 	snop;
	(pc) =	sbr.rel .LBB1_8-.Ltmp7, $1  }
0x68: {  	_ =	sdelay $0x3  }
.LBB1_6:
.Ltmp8:
0x69: {  	(pc) =	sbr.rel .LBB1_8-.Ltmp8, $2  }
0x6a: {  	_ =	sdelay $0x2  }
0x6b: {  	s21 =	simm.s32 $0x0  }
.LBB1_11:
0x6c: {  	_ =	sfence.sel $0x180000  }
0x6d: {  	s2 =	simm.s32 $0x1;
	[bflag:$0x0] =	sbarrier.arrive $0xFFFF  }
0x6e: {  	s31 =	simm.s32 $0x2;
	[sflag:s2] =	ssyncpa.u1 $0x1  }
0x6f: {  	[sflag:s31] =	ssyncpa.u1 $0x1  }
0x70: {  	p0 =	sne.s32 s0, $0x0;
	_ =	strace $0x90000047  }
0x71: {  	s0 =	sadd.s32 @!p0 $0x100000, s1;
	[bflag:$0x2] =	sbarrier.arrive $0xFFFF  }
0x72: {  	[sflag:s0] =	ssyncadd.tile.s32 @!p0 $0x1;
	_ =	shalt  }
.Lfunc_end1:
_tile_overlayer_lowered:
.L_overlay_start_2:
0x73: {  	(tag) =	ssettag $0x2  }
0x74: {  	s0 =	rddreg [dreg:$0x0];
	s2 =	stileid.u32  }
0x75: {  	s1 =	rddreg [dreg:$0x1];
	p0 =	sne.s32 s2, $0x0  }
0x76: {  	s3 =	rddreg [dreg:$0x2];
	[bflag:$0x3] =	sbarrier.arrive $0xFFFF;
	s2 =	simm.s32 @!p0 $0x1C01  }
0x77: {  	[timem:s3], [sflag:s2] =	dma.local @!p0 [hbm:s0], s1  }
0x78: {  	s0 =	simm.s32 @!p0 $0x1  }
0x79: {  	_ =	swait.ge @!p0 [sflag:s0], s1  }
0x7a: {  	s1 =	ssub.s32 @!p0 $0x0, s1;
	[sflag:s0] =	ssyncset.done @!p0 $0x0  }
0x7b: {  	[sflag:s0] =	ssyncadd.s32 @!p0 s1  }
0x7c: {  	[bflag:$0x3] =	sbarrier.arrive $0xFFFF  }
0x7d: {  	_ =	shalt  }

</sc_bundles>
